<compile_context>
chip_gen: v7x
topology: tpu7x:2x2x1
jax: 0.10.2.dev20260603
libtpu: 0.0.44.dev20260713+nightly
codegen_flags: <defaults>
</compile_context>

<pallas_src>
import functools
import math

import jax
import jax.numpy as jnp
from jax import lax
from jax.experimental import pallas as pl
from jax.experimental.pallas import tpu as pltpu
from jax.experimental.pallas import tpu_sc as plsc

N = 100000
E = 1600000
H = 32
HH = H // 2
NPAD = 100352

NC = 2
NS = 16
NW = NC * NS

ROWS_PER_S = NPAD // NS

LW = 128
EPAD = 1605632
IDXROWS = EPAD // LW
ROWS_W = IDXROWS // NW
KCH = 8
NCH = ROWS_W // KCH


def _make_seg_body(F, stage_table):
    def body(src2, dst2, tab, zf, out0, out1, *refs):
        if stage_table:
            table_s, acc_s, src_v, dst_v, rows_v, sem = refs
        else:
            acc_s, src_v, dst_v, rows_v, sem = refs
        c = lax.axis_index("c")
        s = lax.axis_index("s")
        w = c * NS + s
        r0 = s * ROWS_PER_S
        if stage_table:
            pltpu.sync_copy(tab.at[pl.ds(r0, ROWS_PER_S), :],
                            table_s.at[pl.ds(r0, ROWS_PER_S), :])
            gsrc = table_s
        else:
            gsrc = tab
        pltpu.sync_copy(zf.at[pl.ds(r0, ROWS_PER_S), :],
                        acc_s.at[pl.ds(r0, ROWS_PER_S), :])
        plsc.subcore_barrier()
        row0 = w * ROWS_W

        def it(k, carry):
            rb = row0 + k * KCH
            pltpu.sync_copy(src2.at[pl.ds(rb, KCH), :], src_v)
            pltpu.sync_copy(dst2.at[pl.ds(rb, KCH), :], dst_v)
            gets = [pltpu.async_copy(gsrc.at[src_v.at[j]], rows_v.at[j], sem)
                    for j in range(KCH)]
            for j in range(KCH):
                gets[j].wait()
            for j in range(KCH):
                pltpu.sync_copy(rows_v.at[j], acc_s.at[dst_v.at[j]], add=True)
            return carry

        lax.fori_loop(0, NCH, it, 0)
        plsc.subcore_barrier()

        @pl.when(c == 0)
        def _():
            pltpu.sync_copy(acc_s.at[pl.ds(r0, ROWS_PER_S), :],
                            out0.at[pl.ds(r0, ROWS_PER_S), :])

        @pl.when(c == 1)
        def _():
            pltpu.sync_copy(acc_s.at[pl.ds(r0, ROWS_PER_S), :],
                            out1.at[pl.ds(r0, ROWS_PER_S), :])

    return body


def _make_seg(F, stage_table):
    scratch = []
    if stage_table:
        scratch.append(pltpu.VMEM_SHARED((NPAD, F), jnp.float32))
    scratch += [
        pltpu.VMEM_SHARED((NPAD, F), jnp.float32),
        pltpu.VMEM((KCH, LW), jnp.int32),
        pltpu.VMEM((KCH, LW), jnp.int32),
        pltpu.VMEM((KCH, LW, F), jnp.float32),
        pltpu.SemaphoreType.DMA,
    ]
    return pl.kernel(
        _make_seg_body(F, stage_table),
        out_type=[jax.ShapeDtypeStruct((NPAD, F), jnp.float32)] * 2,
        mesh=plsc.VectorSubcoreMesh(core_axis_name="c", subcore_axis_name="s",
                                    num_cores=NC, num_subcores=NS),
        scratch_types=scratch,
        compiler_params=pltpu.CompilerParams(use_tc_tiling_on_sc=False),
    )


F1 = 8


@functools.cache
def _get_seg1():
    return _make_seg(F1, False)


@functools.cache
def _get_seg2():
    return _make_seg(HH, False)


R = 2048
G = NPAD // R
ISQH = 1.0 / math.sqrt(float(H))


def _tc1_body(p0, p1, x2, pk, wse, h1a, h1b):
    agg = p0[...] + p1[...]
    x = x2[...]
    agg = agg[:, :2]
    x = x[:, :2]
    z = (agg[:, 0:1] * pk[0:1, :] + agg[:, 1:2] * pk[1:2, :]
         + x[:, 0:1] * pk[2:3, :] + x[:, 1:2] * pk[3:4, :] + pk[4:5, :])
    z = jnp.where(z >= 0, z, 0.01 * z)
    h1 = jnp.dot(z, wse[...], preferred_element_type=jnp.float32) * ISQH
    h1a[...] = h1[:, :HH]
    h1b[...] = h1[:, HH:]


_tc1 = pl.pallas_call(
    _tc1_body,
    grid=(G,),
    in_specs=[
        pl.BlockSpec((R, F1), lambda i: (i, 0)),
        pl.BlockSpec((R, F1), lambda i: (i, 0)),
        pl.BlockSpec((R, F1), lambda i: (i, 0)),
        pl.BlockSpec((8, H), lambda i: (0, 0)),
        pl.BlockSpec((H, H), lambda i: (0, 0)),
    ],
    out_specs=[pl.BlockSpec((R, HH), lambda i: (i, 0)),
               pl.BlockSpec((R, HH), lambda i: (i, 0))],
    out_shape=[jax.ShapeDtypeStruct((NPAD, HH), jnp.float32)] * 2,
)


def _tc2_body(a2a0, a2a1, a2b0, a2b1, h1a, h1b, wl, wr, wse, wm3, pk, out):
    h1 = jnp.concatenate([h1a[...], h1b[...]], axis=1)
    agg = jnp.concatenate([a2a0[...] + a2a1[...], a2b0[...] + a2b1[...]],
                          axis=1)
    z = (jnp.dot(agg, wl[...], preferred_element_type=jnp.float32)
         + jnp.dot(h1, wr[...], preferred_element_type=jnp.float32)
         + pk[0:1, :])
    z = jnp.where(z >= 0, z, 0.01 * z)
    h2 = jnp.dot(z, wse[...], preferred_element_type=jnp.float32) * ISQH
    skip = pk[3, 1] * h1 + h2
    o = jnp.maximum(
        jnp.dot(skip, wm3[...], preferred_element_type=jnp.float32)
        + pk[1:2, :], 0.0)
    out[...] = jnp.sum(o * pk[2:3, :], axis=1, keepdims=True) + pk[3, 0]


_tc2 = pl.pallas_call(
    _tc2_body,
    grid=(G,),
    in_specs=[
        pl.BlockSpec((R, HH), lambda i: (i, 0)),
        pl.BlockSpec((R, HH), lambda i: (i, 0)),
        pl.BlockSpec((R, HH), lambda i: (i, 0)),
        pl.BlockSpec((R, HH), lambda i: (i, 0)),
        pl.BlockSpec((R, HH), lambda i: (i, 0)),
        pl.BlockSpec((R, HH), lambda i: (i, 0)),
        pl.BlockSpec((H, H), lambda i: (0, 0)),
        pl.BlockSpec((H, H), lambda i: (0, 0)),
        pl.BlockSpec((H, H), lambda i: (0, 0)),
        pl.BlockSpec((H, H), lambda i: (0, 0)),
        pl.BlockSpec((8, H), lambda i: (0, 0)),
    ],
    out_specs=pl.BlockSpec((R, 1), lambda i: (i, 0)),
    out_shape=jax.ShapeDtypeStruct((NPAD, 1), jnp.float32),
)


def kernel(pos, edge_index, W_l1, b_l1, W_r1, W_se1, W_l2, b_l2, W_r2, W_se2,
           W_m3, b_m3, W_m4, b_m4, alpha):
    x2 = jnp.pad(pos[:, :2], ((0, NPAD - N), (0, F1 - 2)))
    z2 = jnp.zeros((NPAD, F1), jnp.float32)
    z16 = jnp.zeros((NPAD, HH), jnp.float32)
    pad = EPAD - E
    padidx = N + (jnp.arange(pad, dtype=jnp.int32) % LW)
    src2 = jnp.concatenate([edge_index[0], padidx]).reshape(IDXROWS, LW)
    dst2 = jnp.concatenate([edge_index[1], padidx]).reshape(IDXROWS, LW)

    p0, p1 = _get_seg1()(src2, dst2, x2, z2)

    pk1 = jnp.concatenate(
        [W_l1, W_r1, b_l1[None, :], jnp.zeros((3, H), jnp.float32)], axis=0)
    h1a, h1b = _tc1(p0, p1, x2, pk1, W_se1)

    seg2 = _get_seg2()
    a2a0, a2a1 = seg2(src2, dst2, h1a, z16)
    a2b0, a2b1 = seg2(src2, dst2, h1b, z16)

    misc = jnp.zeros((H,), jnp.float32).at[0].set(b_m4[0]).at[1].set(alpha)
    pk2 = jnp.concatenate(
        [b_l2[None, :], b_m3[None, :], W_m4.T, misc[None, :],
         jnp.zeros((4, H), jnp.float32)], axis=0)
    pred = _tc2(a2a0, a2a1, a2b0, a2b1, h1a, h1b, W_l2, W_r2, W_se2, W_m3,
                pk2)
    return pred[:N, 0]

# --- scband reference (transcript-rebuilt; emitter-appended) ---
"""Pipeline reference for scband-se3-gnnpredictor-29884382446300 (READ-ONLY COPY).

The authoritative reference and input builder live on the scoring server;
editing this copy changes nothing except your own understanding.
"""

import jax, jax.numpy as jnp
import numpy as np

N = 100000
E = 1600000
H = 32

def setup_inputs(seed: int = 0) -> dict:
    key = jax.random.key(seed)
    ks = jax.random.split(key, 16)
    inp = {}
    inp["pos"] = jax.random.normal(ks[0], (N, 3), dtype=jnp.float32)
    inp["edge_index"] = jax.random.randint(ks[1], (2, E), 0, N, dtype=jnp.int32)
    # SAGEConv 1: lin_l (bias=True) on aggregated neighbors, lin_r (bias=False) on root
    inp["W_l1"] = jax.random.normal(ks[2], (2, H), dtype=jnp.float32) / np.sqrt(2.0)
    inp["b_l1"] = jnp.zeros((H,), dtype=jnp.float32)
    inp["W_r1"] = jax.random.normal(ks[3], (2, H), dtype=jnp.float32) / np.sqrt(2.0)
    # SE3Linear('32x0e','32x0e') == channel-mixing linear, no bias, e3nn path norm 1/sqrt(fan_in)
    inp["W_se1"] = jax.random.normal(ks[4], (H, H), dtype=jnp.float32)
    # SAGEConv 2
    inp["W_l2"] = jax.random.normal(ks[5], (H, H), dtype=jnp.float32) / np.sqrt(float(H))
    inp["b_l2"] = jnp.zeros((H,), dtype=jnp.float32)
    inp["W_r2"] = jax.random.normal(ks[6], (H, H), dtype=jnp.float32) / np.sqrt(float(H))
    inp["W_se2"] = jax.random.normal(ks[7], (H, H), dtype=jnp.float32)
    # mlp3: Linear(H,H) + ReLU (+Dropout, identity in eval)
    inp["W_m3"] = jax.random.normal(ks[8], (H, H), dtype=jnp.float32) / np.sqrt(float(H))
    inp["b_m3"] = jnp.zeros((H,), dtype=jnp.float32)
    # mlp4: Linear(H,1)
    inp["W_m4"] = jax.random.normal(ks[9], (H, 1), dtype=jnp.float32) / np.sqrt(float(H))
    inp["b_m4"] = jnp.zeros((1,), dtype=jnp.float32)
    inp["alpha"] = jnp.float32(0.5)
    return inp


def reference(pos, edge_index, W_l1, b_l1, W_r1, W_se1, W_l2, b_l2, W_r2, W_se2, W_m3, b_m3, W_m4, b_m4, alpha):
    src = edge_index[0]
    dst = edge_index[1]
    x = pos[:, :2]

    def sage(h, Wl, bl, Wr):
        # PyG SAGEConv(aggr='sum'): gather x[src], scatter-add at dst
        agg = jax.ops.segment_sum(h[src], dst, num_segments=N)
        return agg @ Wl + bl + h @ Wr

    h1 = jax.nn.leaky_relu(sage(x, W_l1, b_l1, W_r1), 0.01)
    # dropout identity (eval mode)
    h1 = (h1 @ W_se1) / jnp.sqrt(jnp.float32(H))  # e3nn Linear path normalization
    h2 = jax.nn.leaky_relu(sage(h1, W_l2, b_l2, W_r2), 0.01)
    h2 = (h2 @ W_se2) / jnp.sqrt(jnp.float32(H))
    skip = alpha * h1 + h2
    out = jax.nn.relu(skip @ W_m3 + b_m3)
    pred = out @ W_m4 + b_m4
    return pred.squeeze(-1)

if __name__ == "__main__":
    import jax
    _d = setup_inputs()
    print(jax.jit(kernel)(*tuple(_d.values())))

</pallas_src>

<mosaic_0001>
#map = affine_map<(d0, d1) -> (0, 0)>
module attributes {stable_mosaic.version = 14 : i64} {
  func.func @body(%arg0: i32, %arg1: i32, %arg2: memref<12544x128xi32, #tpu.memory_space<hbm>>, %arg3: memref<12544x128xi32, #tpu.memory_space<hbm>>, %arg4: memref<100352x16xf32, #tpu.memory_space<hbm>>, %arg5: memref<100352x16xf32, #tpu.memory_space<hbm>>, %arg6: memref<100352x16xf32, #tpu.memory_space<hbm>>, %arg7: memref<100352x16xf32, #tpu.memory_space<hbm>>, %arg8: memref<100352x16xf32, #tpu.memory_space<vmem_shared>>, %arg9: memref<8x128xi32, #tpu.memory_space<vmem>>, %arg10: memref<8x128xi32, #tpu.memory_space<vmem>>, %arg11: memref<8x128x16xf32, #tpu.memory_space<vmem>>, %arg12: memref<!tpu.dma_semaphore, #tpu.memory_space<semaphore_mem>>) attributes {dimension_semantics = [#tpu.dimension_semantics<core_parallel>, #tpu.dimension_semantics<subcore_parallel>], iteration_bounds = array<i64: 2, 16>, scalar_prefetch = 0 : i64, scratch_operands = 5 : i64, tpu.core_type = #tpu.core_type<sc_vector_subcore>, window_params = [{transform_indices = #map}, {transform_indices = #map}, {transform_indices = #map}, {transform_indices = #map}, {transform_indices = #map}, {transform_indices = #map}]} {
    %mul3A = arith.constant 16 : i32
    %mul3A_0 = arith.muli %arg0, %mul3A : i32
    %add3A = arith.addi %mul3A_0, %arg1 : i32
    %mul3A_1 = arith.constant 6272 : i32
    %mul3A_2 = arith.muli %arg1, %mul3A_1 : i32
    "tpu.region"() ({
      %run_scoped3A = tpu.sem_alloc : memref<!tpu.dma_semaphore, #tpu.memory_space<semaphore_mem>>
      %dma_start3A = arith.constant 0 : i32
      %dma_start3A_18 = tpu.memref_slice %arg8[%mul3A_2, %dma_start3A] : memref<100352x16xf32, #tpu.memory_space<vmem_shared>> -> memref<6272x16xf32, #tpu.memory_space<vmem_shared>>
      %dma_start3A_19 = arith.constant 0 : i32
      %dma_start3A_20 = tpu.memref_slice %arg5[%mul3A_2, %dma_start3A_19] : memref<100352x16xf32, #tpu.memory_space<hbm>> -> memref<6272x16xf32, #tpu.memory_space<hbm>>
      tpu.enqueue_dma source(%dma_start3A_20 : memref<6272x16xf32, #tpu.memory_space<hbm>>) target(%dma_start3A_18 : memref<6272x16xf32, #tpu.memory_space<vmem_shared>>) target_semaphore(%run_scoped3A : memref<!tpu.dma_semaphore, #tpu.memory_space<semaphore_mem>>)
      %dma_wait3A = arith.constant 0 : i32
      %dma_wait3A_21 = tpu.memref_slice %arg8[%mul3A_2, %dma_wait3A] : memref<100352x16xf32, #tpu.memory_space<vmem_shared>> -> memref<6272x16xf32, #tpu.memory_space<vmem_shared>>
      %dma_wait3A_22 = arith.constant 0 : i32
      %dma_wait3A_23 = tpu.memref_slice %arg5[%mul3A_2, %dma_wait3A_22] : memref<100352x16xf32, #tpu.memory_space<hbm>> -> memref<6272x16xf32, #tpu.memory_space<hbm>>
      tpu.wait_dma2 semaphore(%run_scoped3A : memref<!tpu.dma_semaphore, #tpu.memory_space<semaphore_mem>>) src(%dma_wait3A_23 : memref<6272x16xf32, #tpu.memory_space<hbm>>) dst(%dma_wait3A_21 : memref<6272x16xf32, #tpu.memory_space<vmem_shared>>)
      tpu.yield
    }) : () -> ()
    %barrier3A = arith.constant 0 : index
    tpu.barrier barrier_id(%barrier3A)
    %mul3A_3 = arith.constant 392 : i32
    %mul3A_4 = arith.muli %add3A, %mul3A_3 : i32
    %scan3A = arith.constant 0 : i32
    %scan3A_5 = arith.constant 0 : i32
    %scan3A_6 = arith.constant 49 : i32
    %scan3A_7 = arith.addi %scan3A_5, %scan3A_6 : i32
    %scan3A_8 = arith.constant 1 : i32
    scf.for %scan3A_18 = %scan3A_5 to %scan3A_7 step %scan3A_8  : i32 {
      %mul3A_19 = arith.constant 8 : i32
      %mul3A_20 = arith.muli %scan3A_18, %mul3A_19 : i32
      %add3A_21 = arith.addi %mul3A_4, %mul3A_20 : i32
      "tpu.region"() ({
        %run_scoped3A_227 = tpu.sem_alloc : memref<!tpu.dma_semaphore, #tpu.memory_space<semaphore_mem>>
        %dma_start3A_228 = arith.constant 0 : i32
        %dma_start3A_229 = tpu.memref_slice %arg2[%add3A_21, %dma_start3A_228] : memref<12544x128xi32, #tpu.memory_space<hbm>> -> memref<8x128xi32, #tpu.memory_space<hbm>>
        %dma_start3A_230 = arith.constant 0 : i32
        %dma_start3A_231 = tpu.memref_slice %arg2[%add3A_21, %dma_start3A_230] : memref<12544x128xi32, #tpu.memory_space<hbm>> -> memref<8x128xi32, #tpu.memory_space<hbm>>
        tpu.enqueue_dma source(%dma_start3A_231 : memref<8x128xi32, #tpu.memory_space<hbm>>) target(%arg9 : memref<8x128xi32, #tpu.memory_space<vmem>>) target_semaphore(%run_scoped3A_227 : memref<!tpu.dma_semaphore, #tpu.memory_space<semaphore_mem>>)
        %dma_wait3A_232 = arith.constant 0 : i32
        %dma_wait3A_233 = tpu.memref_slice %arg2[%add3A_21, %dma_wait3A_232] : memref<12544x128xi32, #tpu.memory_space<hbm>> -> memref<8x128xi32, #tpu.memory_space<hbm>>
        %dma_wait3A_234 = arith.constant 0 : i32
        %dma_wait3A_235 = tpu.memref_slice %arg2[%add3A_21, %dma_wait3A_234] : memref<12544x128xi32, #tpu.memory_space<hbm>> -> memref<8x128xi32, #tpu.memory_space<hbm>>
        tpu.wait_dma2 semaphore(%run_scoped3A_227 : memref<!tpu.dma_semaphore, #tpu.memory_space<semaphore_mem>>) src(%dma_wait3A_235 : memref<8x128xi32, #tpu.memory_space<hbm>>) dst(%arg9 : memref<8x128xi32, #tpu.memory_space<vmem>>)
        tpu.yield
      }) : () -> ()
      "tpu.region"() ({
        %run_scoped3A_227 = tpu.sem_alloc : memref<!tpu.dma_semaphore, #tpu.memory_space<semaphore_mem>>
        %dma_start3A_228 = arith.constant 0 : i32
        %dma_start3A_229 = tpu.memref_slice %arg3[%add3A_21, %dma_start3A_228] : memref<12544x128xi32, #tpu.memory_space<hbm>> -> memref<8x128xi32, #tpu.memory_space<hbm>>
        %dma_start3A_230 = arith.constant 0 : i32
        %dma_start3A_231 = tpu.memref_slice %arg3[%add3A_21, %dma_start3A_230] : memref<12544x128xi32, #tpu.memory_space<hbm>> -> memref<8x128xi32, #tpu.memory_space<hbm>>
        tpu.enqueue_dma source(%dma_start3A_231 : memref<8x128xi32, #tpu.memory_space<hbm>>) target(%arg10 : memref<8x128xi32, #tpu.memory_space<vmem>>) target_semaphore(%run_scoped3A_227 : memref<!tpu.dma_semaphore, #tpu.memory_space<semaphore_mem>>)
        %dma_wait3A_232 = arith.constant 0 : i32
        %dma_wait3A_233 = tpu.memref_slice %arg3[%add3A_21, %dma_wait3A_232] : memref<12544x128xi32, #tpu.memory_space<hbm>> -> memref<8x128xi32, #tpu.memory_space<hbm>>
        %dma_wait3A_234 = arith.constant 0 : i32
        %dma_wait3A_235 = tpu.memref_slice %arg3[%add3A_21, %dma_wait3A_234] : memref<12544x128xi32, #tpu.memory_space<hbm>> -> memref<8x128xi32, #tpu.memory_space<hbm>>
        tpu.wait_dma2 semaphore(%run_scoped3A_227 : memref<!tpu.dma_semaphore, #tpu.memory_space<semaphore_mem>>) src(%dma_wait3A_235 : memref<8x128xi32, #tpu.memory_space<hbm>>) dst(%arg10 : memref<8x128xi32, #tpu.memory_space<vmem>>)
        tpu.yield
      }) : () -> ()
      %dma_start3A = arith.constant 0 : i32
      %dma_start3A_22 = arith.constant 0 : i32
      %dma_start3A_23 = arith.constant 0 : i32
      %dma_start3A_24 = arith.constant 0 : i32
      %dma_start3A_25 = tpu.memref_slice %arg11[%dma_start3A_22, %dma_start3A_23, %dma_start3A_24] : memref<8x128x16xf32, #tpu.memory_space<vmem>> -> memref<1x128x16xf32, #tpu.memory_space<vmem>>
      %dma_start3A_26 = tpu.memref_squeeze %dma_start3A_25 : memref<1x128x16xf32, #tpu.memory_space<vmem>> -> memref<128x16xf32, #tpu.memory_space<vmem>>
      %dma_start3A_27 = arith.constant 0 : i32
      %dma_start3A_28 = tpu.memref_slice %arg9[%dma_start3A, %dma_start3A_27] : memref<8x128xi32, #tpu.memory_space<vmem>> -> memref<1x128xi32, #tpu.memory_space<vmem>>
      %dma_start3A_29 = tpu.memref_squeeze %dma_start3A_28 : memref<1x128xi32, #tpu.memory_space<vmem>> -> memref<128xi32, #tpu.memory_space<vmem>>
      %dma_start3A_30 = arith.constant 0 : i32
      %dma_start3A_31 = arith.constant 0 : i32
      %dma_start3A_32 = tpu.memref_slice %arg4[%dma_start3A_30, %dma_start3A_31] : memref<100352x16xf32, #tpu.memory_space<hbm>> -> memref<100352x16xf32, #tpu.memory_space<hbm>>
      tpu.enqueue_indirect_dma source(%dma_start3A_32 : memref<100352x16xf32, #tpu.memory_space<hbm>>) target(%dma_start3A_26 : memref<128x16xf32, #tpu.memory_space<vmem>>) offsets(%dma_start3A_29 : memref<128xi32, #tpu.memory_space<vmem>>) semaphore(%arg12 : memref<!tpu.dma_semaphore, #tpu.memory_space<semaphore_mem>>)
      %dma_start3A_33 = arith.constant 1 : i32
      %dma_start3A_34 = arith.constant 1 : i32
      %dma_start3A_35 = arith.constant 0 : i32
      %dma_start3A_36 = arith.constant 0 : i32
      %dma_start3A_37 = tpu.memref_slice %arg11[%dma_start3A_34, %dma_start3A_35, %dma_start3A_36] : memref<8x128x16xf32, #tpu.memory_space<vmem>> -> memref<1x128x16xf32, #tpu.memory_space<vmem>>
      %dma_start3A_38 = tpu.memref_squeeze %dma_start3A_37 : memref<1x128x16xf32, #tpu.memory_space<vmem>> -> memref<128x16xf32, #tpu.memory_space<vmem>>
      %dma_start3A_39 = arith.constant 0 : i32
      %dma_start3A_40 = tpu.memref_slice %arg9[%dma_start3A_33, %dma_start3A_39] : memref<8x128xi32, #tpu.memory_space<vmem>> -> memref<1x128xi32, #tpu.memory_space<vmem>>
      %dma_start3A_41 = tpu.memref_squeeze %dma_start3A_40 : memref<1x128xi32, #tpu.memory_space<vmem>> -> memref<128xi32, #tpu.memory_space<vmem>>
      %dma_start3A_42 = arith.constant 0 : i32
      %dma_start3A_43 = arith.constant 0 : i32
      %dma_start3A_44 = tpu.memref_slice %arg4[%dma_start3A_42, %dma_start3A_43] : memref<100352x16xf32, #tpu.memory_space<hbm>> -> memref<100352x16xf32, #tpu.memory_space<hbm>>
      tpu.enqueue_indirect_dma source(%dma_start3A_44 : memref<100352x16xf32, #tpu.memory_space<hbm>>) target(%dma_start3A_38 : memref<128x16xf32, #tpu.memory_space<vmem>>) offsets(%dma_start3A_41 : memref<128xi32, #tpu.memory_space<vmem>>) semaphore(%arg12 : memref<!tpu.dma_semaphore, #tpu.memory_space<semaphore_mem>>)
      %dma_start3A_45 = arith.constant 2 : i32
      %dma_start3A_46 = arith.constant 2 : i32
      %dma_start3A_47 = arith.constant 0 : i32
      %dma_start3A_48 = arith.constant 0 : i32
      %dma_start3A_49 = tpu.memref_slice %arg11[%dma_start3A_46, %dma_start3A_47, %dma_start3A_48] : memref<8x128x16xf32, #tpu.memory_space<vmem>> -> memref<1x128x16xf32, #tpu.memory_space<vmem>>
      %dma_start3A_50 = tpu.memref_squeeze %dma_start3A_49 : memref<1x128x16xf32, #tpu.memory_space<vmem>> -> memref<128x16xf32, #tpu.memory_space<vmem>>
      %dma_start3A_51 = arith.constant 0 : i32
      %dma_start3A_52 = tpu.memref_slice %arg9[%dma_start3A_45, %dma_start3A_51] : memref<8x128xi32, #tpu.memory_space<vmem>> -> memref<1x128xi32, #tpu.memory_space<vmem>>
      %dma_start3A_53 = tpu.memref_squeeze %dma_start3A_52 : memref<1x128xi32, #tpu.memory_space<vmem>> -> memref<128xi32, #tpu.memory_space<vmem>>
      %dma_start3A_54 = arith.constant 0 : i32
      %dma_start3A_55 = arith.constant 0 : i32
      %dma_start3A_56 = tpu.memref_slice %arg4[%dma_start3A_54, %dma_start3A_55] : memref<100352x16xf32, #tpu.memory_space<hbm>> -> memref<100352x16xf32, #tpu.memory_space<hbm>>
      tpu.enqueue_indirect_dma source(%dma_start3A_56 : memref<100352x16xf32, #tpu.memory_space<hbm>>) target(%dma_start3A_50 : memref<128x16xf32, #tpu.memory_space<vmem>>) offsets(%dma_start3A_53 : memref<128xi32, #tpu.memory_space<vmem>>) semaphore(%arg12 : memref<!tpu.dma_semaphore, #tpu.memory_space<semaphore_mem>>)
      %dma_start3A_57 = arith.constant 3 : i32
      %dma_start3A_58 = arith.constant 3 : i32
      %dma_start3A_59 = arith.constant 0 : i32
      %dma_start3A_60 = arith.constant 0 : i32
      %dma_start3A_61 = tpu.memref_slice %arg11[%dma_start3A_58, %dma_start3A_59, %dma_start3A_60] : memref<8x128x16xf32, #tpu.memory_space<vmem>> -> memref<1x128x16xf32, #tpu.memory_space<vmem>>
      %dma_start3A_62 = tpu.memref_squeeze %dma_start3A_61 : memref<1x128x16xf32, #tpu.memory_space<vmem>> -> memref<128x16xf32, #tpu.memory_space<vmem>>
      %dma_start3A_63 = arith.constant 0 : i32
      %dma_start3A_64 = tpu.memref_slice %arg9[%dma_start3A_57, %dma_start3A_63] : memref<8x128xi32, #tpu.memory_space<vmem>> -> memref<1x128xi32, #tpu.memory_space<vmem>>
      %dma_start3A_65 = tpu.memref_squeeze %dma_start3A_64 : memref<1x128xi32, #tpu.memory_space<vmem>> -> memref<128xi32, #tpu.memory_space<vmem>>
      %dma_start3A_66 = arith.constant 0 : i32
      %dma_start3A_67 = arith.constant 0 : i32
      %dma_start3A_68 = tpu.memref_slice %arg4[%dma_start3A_66, %dma_start3A_67] : memref<100352x16xf32, #tpu.memory_space<hbm>> -> memref<100352x16xf32, #tpu.memory_space<hbm>>
      tpu.enqueue_indirect_dma source(%dma_start3A_68 : memref<100352x16xf32, #tpu.memory_space<hbm>>) target(%dma_start3A_62 : memref<128x16xf32, #tpu.memory_space<vmem>>) offsets(%dma_start3A_65 : memref<128xi32, #tpu.memory_space<vmem>>) semaphore(%arg12 : memref<!tpu.dma_semaphore, #tpu.memory_space<semaphore_mem>>)
      %dma_start3A_69 = arith.constant 4 : i32
      %dma_start3A_70 = arith.constant 4 : i32
      %dma_start3A_71 = arith.constant 0 : i32
      %dma_start3A_72 = arith.constant 0 : i32
      %dma_start3A_73 = tpu.memref_slice %arg11[%dma_start3A_70, %dma_start3A_71, %dma_start3A_72] : memref<8x128x16xf32, #tpu.memory_space<vmem>> -> memref<1x128x16xf32, #tpu.memory_space<vmem>>
      %dma_start3A_74 = tpu.memref_squeeze %dma_start3A_73 : memref<1x128x16xf32, #tpu.memory_space<vmem>> -> memref<128x16xf32, #tpu.memory_space<vmem>>
      %dma_start3A_75 = arith.constant 0 : i32
      %dma_start3A_76 = tpu.memref_slice %arg9[%dma_start3A_69, %dma_start3A_75] : memref<8x128xi32, #tpu.memory_space<vmem>> -> memref<1x128xi32, #tpu.memory_space<vmem>>
      %dma_start3A_77 = tpu.memref_squeeze %dma_start3A_76 : memref<1x128xi32, #tpu.memory_space<vmem>> -> memref<128xi32, #tpu.memory_space<vmem>>
      %dma_start3A_78 = arith.constant 0 : i32
      %dma_start3A_79 = arith.constant 0 : i32
      %dma_start3A_80 = tpu.memref_slice %arg4[%dma_start3A_78, %dma_start3A_79] : memref<100352x16xf32, #tpu.memory_space<hbm>> -> memref<100352x16xf32, #tpu.memory_space<hbm>>
      tpu.enqueue_indirect_dma source(%dma_start3A_80 : memref<100352x16xf32, #tpu.memory_space<hbm>>) target(%dma_start3A_74 : memref<128x16xf32, #tpu.memory_space<vmem>>) offsets(%dma_start3A_77 : memref<128xi32, #tpu.memory_space<vmem>>) semaphore(%arg12 : memref<!tpu.dma_semaphore, #tpu.memory_space<semaphore_mem>>)
      %dma_start3A_81 = arith.constant 5 : i32
      %dma_start3A_82 = arith.constant 5 : i32
      %dma_start3A_83 = arith.constant 0 : i32
      %dma_start3A_84 = arith.constant 0 : i32
      %dma_start3A_85 = tpu.memref_slice %arg11[%dma_start3A_82, %dma_start3A_83, %dma_start3A_84] : memref<8x128x16xf32, #tpu.memory_space<vmem>> -> memref<1x128x16xf32, #tpu.memory_space<vmem>>
      %dma_start3A_86 = tpu.memref_squeeze %dma_start3A_85 : memref<1x128x16xf32, #tpu.memory_space<vmem>> -> memref<128x16xf32, #tpu.memory_space<vmem>>
      %dma_start3A_87 = arith.constant 0 : i32
      %dma_start3A_88 = tpu.memref_slice %arg9[%dma_start3A_81, %dma_start3A_87] : memref<8x128xi32, #tpu.memory_space<vmem>> -> memref<1x128xi32, #tpu.memory_space<vmem>>
      %dma_start3A_89 = tpu.memref_squeeze %dma_start3A_88 : memref<1x128xi32, #tpu.memory_space<vmem>> -> memref<128xi32, #tpu.memory_space<vmem>>
      %dma_start3A_90 = arith.constant 0 : i32
      %dma_start3A_91 = arith.constant 0 : i32
      %dma_start3A_92 = tpu.memref_slice %arg4[%dma_start3A_90, %dma_start3A_91] : memref<100352x16xf32, #tpu.memory_space<hbm>> -> memref<100352x16xf32, #tpu.memory_space<hbm>>
      tpu.enqueue_indirect_dma source(%dma_start3A_92 : memref<100352x16xf32, #tpu.memory_space<hbm>>) target(%dma_start3A_86 : memref<128x16xf32, #tpu.memory_space<vmem>>) offsets(%dma_start3A_89 : memref<128xi32, #tpu.memory_space<vmem>>) semaphore(%arg12 : memref<!tpu.dma_semaphore, #tpu.memory_space<semaphore_mem>>)
      %dma_start3A_93 = arith.constant 6 : i32
      %dma_start3A_94 = arith.constant 6 : i32
      %dma_start3A_95 = arith.constant 0 : i32
      %dma_start3A_96 = arith.constant 0 : i32
      %dma_start3A_97 = tpu.memref_slice %arg11[%dma_start3A_94, %dma_start3A_95, %dma_start3A_96] : memref<8x128x16xf32, #tpu.memory_space<vmem>> -> memref<1x128x16xf32, #tpu.memory_space<vmem>>
      %dma_start3A_98 = tpu.memref_squeeze %dma_start3A_97 : memref<1x128x16xf32, #tpu.memory_space<vmem>> -> memref<128x16xf32, #tpu.memory_space<vmem>>
      %dma_start3A_99 = arith.constant 0 : i32
      %dma_start3A_100 = tpu.memref_slice %arg9[%dma_start3A_93, %dma_start3A_99] : memref<8x128xi32, #tpu.memory_space<vmem>> -> memref<1x128xi32, #tpu.memory_space<vmem>>
      %dma_start3A_101 = tpu.memref_squeeze %dma_start3A_100 : memref<1x128xi32, #tpu.memory_space<vmem>> -> memref<128xi32, #tpu.memory_space<vmem>>
      %dma_start3A_102 = arith.constant 0 : i32
      %dma_start3A_103 = arith.constant 0 : i32
      %dma_start3A_104 = tpu.memref_slice %arg4[%dma_start3A_102, %dma_start3A_103] : memref<100352x16xf32, #tpu.memory_space<hbm>> -> memref<100352x16xf32, #tpu.memory_space<hbm>>
      tpu.enqueue_indirect_dma source(%dma_start3A_104 : memref<100352x16xf32, #tpu.memory_space<hbm>>) target(%dma_start3A_98 : memref<128x16xf32, #tpu.memory_space<vmem>>) offsets(%dma_start3A_101 : memref<128xi32, #tpu.memory_space<vmem>>) semaphore(%arg12 : memref<!tpu.dma_semaphore, #tpu.memory_space<semaphore_mem>>)
      %dma_start3A_105 = arith.constant 7 : i32
      %dma_start3A_106 = arith.constant 7 : i32
      %dma_start3A_107 = arith.constant 0 : i32
      %dma_start3A_108 = arith.constant 0 : i32
      %dma_start3A_109 = tpu.memref_slice %arg11[%dma_start3A_106, %dma_start3A_107, %dma_start3A_108] : memref<8x128x16xf32, #tpu.memory_space<vmem>> -> memref<1x128x16xf32, #tpu.memory_space<vmem>>
      %dma_start3A_110 = tpu.memref_squeeze %dma_start3A_109 : memref<1x128x16xf32, #tpu.memory_space<vmem>> -> memref<128x16xf32, #tpu.memory_space<vmem>>
      %dma_start3A_111 = arith.constant 0 : i32
      %dma_start3A_112 = tpu.memref_slice %arg9[%dma_start3A_105, %dma_start3A_111] : memref<8x128xi32, #tpu.memory_space<vmem>> -> memref<1x128xi32, #tpu.memory_space<vmem>>
      %dma_start3A_113 = tpu.memref_squeeze %dma_start3A_112 : memref<1x128xi32, #tpu.memory_space<vmem>> -> memref<128xi32, #tpu.memory_space<vmem>>
      %dma_start3A_114 = arith.constant 0 : i32
      %dma_start3A_115 = arith.constant 0 : i32
      %dma_start3A_116 = tpu.memref_slice %arg4[%dma_start3A_114, %dma_start3A_115] : memref<100352x16xf32, #tpu.memory_space<hbm>> -> memref<100352x16xf32, #tpu.memory_space<hbm>>
      tpu.enqueue_indirect_dma source(%dma_start3A_116 : memref<100352x16xf32, #tpu.memory_space<hbm>>) target(%dma_start3A_110 : memref<128x16xf32, #tpu.memory_space<vmem>>) offsets(%dma_start3A_113 : memref<128xi32, #tpu.memory_space<vmem>>) semaphore(%arg12 : memref<!tpu.dma_semaphore, #tpu.memory_space<semaphore_mem>>)
      %dma_wait3A = arith.constant 0 : i32
      %dma_wait3A_117 = arith.constant 0 : i32
      %dma_wait3A_118 = arith.constant 0 : i32
      %dma_wait3A_119 = arith.constant 0 : i32
      %dma_wait3A_120 = tpu.memref_slice %arg11[%dma_wait3A_117, %dma_wait3A_118, %dma_wait3A_119] : memref<8x128x16xf32, #tpu.memory_space<vmem>> -> memref<1x128x16xf32, #tpu.memory_space<vmem>>
      %dma_wait3A_121 = tpu.memref_squeeze %dma_wait3A_120 : memref<1x128x16xf32, #tpu.memory_space<vmem>> -> memref<128x16xf32, #tpu.memory_space<vmem>>
      %dma_wait3A_122 = arith.constant 0 : i32
      %dma_wait3A_123 = tpu.memref_slice %arg9[%dma_wait3A, %dma_wait3A_122] : memref<8x128xi32, #tpu.memory_space<vmem>> -> memref<1x128xi32, #tpu.memory_space<vmem>>
      %dma_wait3A_124 = tpu.memref_squeeze %dma_wait3A_123 : memref<1x128xi32, #tpu.memory_space<vmem>> -> memref<128xi32, #tpu.memory_space<vmem>>
      %dma_wait3A_125 = arith.constant 0 : i32
      %dma_wait3A_126 = arith.constant 0 : i32
      %dma_wait3A_127 = tpu.memref_slice %arg4[%dma_wait3A_125, %dma_wait3A_126] : memref<100352x16xf32, #tpu.memory_space<hbm>> -> memref<100352x16xf32, #tpu.memory_space<hbm>>
      tpu.wait_indirect_dma semaphore(%arg12 : memref<!tpu.dma_semaphore, #tpu.memory_space<semaphore_mem>>) src(%dma_wait3A_127 : memref<100352x16xf32, #tpu.memory_space<hbm>>) dst(%dma_wait3A_121 : memref<128x16xf32, #tpu.memory_space<vmem>>)
      %dma_wait3A_128 = arith.constant 1 : i32
      %dma_wait3A_129 = arith.constant 1 : i32
      %dma_wait3A_130 = arith.constant 0 : i32
      %dma_wait3A_131 = arith.constant 0 : i32
      %dma_wait3A_132 = tpu.memref_slice %arg11[%dma_wait3A_129, %dma_wait3A_130, %dma_wait3A_131] : memref<8x128x16xf32, #tpu.memory_space<vmem>> -> memref<1x128x16xf32, #tpu.memory_space<vmem>>
      %dma_wait3A_133 = tpu.memref_squeeze %dma_wait3A_132 : memref<1x128x16xf32, #tpu.memory_space<vmem>> -> memref<128x16xf32, #tpu.memory_space<vmem>>
      %dma_wait3A_134 = arith.constant 0 : i32
      %dma_wait3A_135 = tpu.memref_slice %arg9[%dma_wait3A_128, %dma_wait3A_134] : memref<8x128xi32, #tpu.memory_space<vmem>> -> memref<1x128xi32, #tpu.memory_space<vmem>>
      %dma_wait3A_136 = tpu.memref_squeeze %dma_wait3A_135 : memref<1x128xi32, #tpu.memory_space<vmem>> -> memref<128xi32, #tpu.memory_space<vmem>>
      %dma_wait3A_137 = arith.constant 0 : i32
      %dma_wait3A_138 = arith.constant 0 : i32
      %dma_wait3A_139 = tpu.memref_slice %arg4[%dma_wait3A_137, %dma_wait3A_138] : memref<100352x16xf32, #tpu.memory_space<hbm>> -> memref<100352x16xf32, #tpu.memory_space<hbm>>
      tpu.wait_indirect_dma semaphore(%arg12 : memref<!tpu.dma_semaphore, #tpu.memory_space<semaphore_mem>>) src(%dma_wait3A_139 : memref<100352x16xf32, #tpu.memory_space<hbm>>) dst(%dma_wait3A_133 : memref<128x16xf32, #tpu.memory_space<vmem>>)
      %dma_wait3A_140 = arith.constant 2 : i32
      %dma_wait3A_141 = arith.constant 2 : i32
      %dma_wait3A_142 = arith.constant 0 : i32
      %dma_wait3A_143 = arith.constant 0 : i32
      %dma_wait3A_144 = tpu.memref_slice %arg11[%dma_wait3A_141, %dma_wait3A_142, %dma_wait3A_143] : memref<8x128x16xf32, #tpu.memory_space<vmem>> -> memref<1x128x16xf32, #tpu.memory_space<vmem>>
      %dma_wait3A_145 = tpu.memref_squeeze %dma_wait3A_144 : memref<1x128x16xf32, #tpu.memory_space<vmem>> -> memref<128x16xf32, #tpu.memory_space<vmem>>
      %dma_wait3A_146 = arith.constant 0 : i32
      %dma_wait3A_147 = tpu.memref_slice %arg9[%dma_wait3A_140, %dma_wait3A_146] : memref<8x128xi32, #tpu.memory_space<vmem>> -> memref<1x128xi32, #tpu.memory_space<vmem>>
      %dma_wait3A_148 = tpu.memref_squeeze %dma_wait3A_147 : memref<1x128xi32, #tpu.memory_space<vmem>> -> memref<128xi32, #tpu.memory_space<vmem>>
      %dma_wait3A_149 = arith.constant 0 : i32
      %dma_wait3A_150 = arith.constant 0 : i32
      %dma_wait3A_151 = tpu.memref_slice %arg4[%dma_wait3A_149, %dma_wait3A_150] : memref<100352x16xf32, #tpu.memory_space<hbm>> -> memref<100352x16xf32, #tpu.memory_space<hbm>>
      tpu.wait_indirect_dma semaphore(%arg12 : memref<!tpu.dma_semaphore, #tpu.memory_space<semaphore_mem>>) src(%dma_wait3A_151 : memref<100352x16xf32, #tpu.memory_space<hbm>>) dst(%dma_wait3A_145 : memref<128x16xf32, #tpu.memory_space<vmem>>)
      %dma_wait3A_152 = arith.constant 3 : i32
      %dma_wait3A_153 = arith.constant 3 : i32
      %dma_wait3A_154 = arith.constant 0 : i32
      %dma_wait3A_155 = arith.constant 0 : i32
      %dma_wait3A_156 = tpu.memref_slice %arg11[%dma_wait3A_153, %dma_wait3A_154, %dma_wait3A_155] : memref<8x128x16xf32, #tpu.memory_space<vmem>> -> memref<1x128x16xf32, #tpu.memory_space<vmem>>
      %dma_wait3A_157 = tpu.memref_squeeze %dma_wait3A_156 : memref<1x128x16xf32, #tpu.memory_space<vmem>> -> memref<128x16xf32, #tpu.memory_space<vmem>>
      %dma_wait3A_158 = arith.constant 0 : i32
      %dma_wait3A_159 = tpu.memref_slice %arg9[%dma_wait3A_152, %dma_wait3A_158] : memref<8x128xi32, #tpu.memory_space<vmem>> -> memref<1x128xi32, #tpu.memory_space<vmem>>
      %dma_wait3A_160 = tpu.memref_squeeze %dma_wait3A_159 : memref<1x128xi32, #tpu.memory_space<vmem>> -> memref<128xi32, #tpu.memory_space<vmem>>
      %dma_wait3A_161 = arith.constant 0 : i32
      %dma_wait3A_162 = arith.constant 0 : i32
      %dma_wait3A_163 = tpu.memref_slice %arg4[%dma_wait3A_161, %dma_wait3A_162] : memref<100352x16xf32, #tpu.memory_space<hbm>> -> memref<100352x16xf32, #tpu.memory_space<hbm>>
      tpu.wait_indirect_dma semaphore(%arg12 : memref<!tpu.dma_semaphore, #tpu.memory_space<semaphore_mem>>) src(%dma_wait3A_163 : memref<100352x16xf32, #tpu.memory_space<hbm>>) dst(%dma_wait3A_157 : memref<128x16xf32, #tpu.memory_space<vmem>>)
      %dma_wait3A_164 = arith.constant 4 : i32
      %dma_wait3A_165 = arith.constant 4 : i32
      %dma_wait3A_166 = arith.constant 0 : i32
      %dma_wait3A_167 = arith.constant 0 : i32
      %dma_wait3A_168 = tpu.memref_slice %arg11[%dma_wait3A_165, %dma_wait3A_166, %dma_wait3A_167] : memref<8x128x16xf32, #tpu.memory_space<vmem>> -> memref<1x128x16xf32, #tpu.memory_space<vmem>>
      %dma_wait3A_169 = tpu.memref_squeeze %dma_wait3A_168 : memref<1x128x16xf32, #tpu.memory_space<vmem>> -> memref<128x16xf32, #tpu.memory_space<vmem>>
      %dma_wait3A_170 = arith.constant 0 : i32
      %dma_wait3A_171 = tpu.memref_slice %arg9[%dma_wait3A_164, %dma_wait3A_170] : memref<8x128xi32, #tpu.memory_space<vmem>> -> memref<1x128xi32, #tpu.memory_space<vmem>>
      %dma_wait3A_172 = tpu.memref_squeeze %dma_wait3A_171 : memref<1x128xi32, #tpu.memory_space<vmem>> -> memref<128xi32, #tpu.memory_space<vmem>>
      %dma_wait3A_173 = arith.constant 0 : i32
      %dma_wait3A_174 = arith.constant 0 : i32
      %dma_wait3A_175 = tpu.memref_slice %arg4[%dma_wait3A_173, %dma_wait3A_174] : memref<100352x16xf32, #tpu.memory_space<hbm>> -> memref<100352x16xf32, #tpu.memory_space<hbm>>
      tpu.wait_indirect_dma semaphore(%arg12 : memref<!tpu.dma_semaphore, #tpu.memory_space<semaphore_mem>>) src(%dma_wait3A_175 : memref<100352x16xf32, #tpu.memory_space<hbm>>) dst(%dma_wait3A_169 : memref<128x16xf32, #tpu.memory_space<vmem>>)
      %dma_wait3A_176 = arith.constant 5 : i32
      %dma_wait3A_177 = arith.constant 5 : i32
      %dma_wait3A_178 = arith.constant 0 : i32
      %dma_wait3A_179 = arith.constant 0 : i32
      %dma_wait3A_180 = tpu.memref_slice %arg11[%dma_wait3A_177, %dma_wait3A_178, %dma_wait3A_179] : memref<8x128x16xf32, #tpu.memory_space<vmem>> -> memref<1x128x16xf32, #tpu.memory_space<vmem>>
      %dma_wait3A_181 = tpu.memref_squeeze %dma_wait3A_180 : memref<1x128x16xf32, #tpu.memory_space<vmem>> -> memref<128x16xf32, #tpu.memory_space<vmem>>
      %dma_wait3A_182 = arith.constant 0 : i32
      %dma_wait3A_183 = tpu.memref_slice %arg9[%dma_wait3A_176, %dma_wait3A_182] : memref<8x128xi32, #tpu.memory_space<vmem>> -> memref<1x128xi32, #tpu.memory_space<vmem>>
      %dma_wait3A_184 = tpu.memref_squeeze %dma_wait3A_183 : memref<1x128xi32, #tpu.memory_space<vmem>> -> memref<128xi32, #tpu.memory_space<vmem>>
      %dma_wait3A_185 = arith.constant 0 : i32
      %dma_wait3A_186 = arith.constant 0 : i32
      %dma_wait3A_187 = tpu.memref_slice %arg4[%dma_wait3A_185, %dma_wait3A_186] : memref<100352x16xf32, #tpu.memory_space<hbm>> -> memref<100352x16xf32, #tpu.memory_space<hbm>>
      tpu.wait_indirect_dma semaphore(%arg12 : memref<!tpu.dma_semaphore, #tpu.memory_space<semaphore_mem>>) src(%dma_wait3A_187 : memref<100352x16xf32, #tpu.memory_space<hbm>>) dst(%dma_wait3A_181 : memref<128x16xf32, #tpu.memory_space<vmem>>)
      %dma_wait3A_188 = arith.constant 6 : i32
      %dma_wait3A_189 = arith.constant 6 : i32
      %dma_wait3A_190 = arith.constant 0 : i32
      %dma_wait3A_191 = arith.constant 0 : i32
      %dma_wait3A_192 = tpu.memref_slice %arg11[%dma_wait3A_189, %dma_wait3A_190, %dma_wait3A_191] : memref<8x128x16xf32, #tpu.memory_space<vmem>> -> memref<1x128x16xf32, #tpu.memory_space<vmem>>
      %dma_wait3A_193 = tpu.memref_squeeze %dma_wait3A_192 : memref<1x128x16xf32, #tpu.memory_space<vmem>> -> memref<128x16xf32, #tpu.memory_space<vmem>>
      %dma_wait3A_194 = arith.constant 0 : i32
      %dma_wait3A_195 = tpu.memref_slice %arg9[%dma_wait3A_188, %dma_wait3A_194] : memref<8x128xi32, #tpu.memory_space<vmem>> -> memref<1x128xi32, #tpu.memory_space<vmem>>
      %dma_wait3A_196 = tpu.memref_squeeze %dma_wait3A_195 : memref<1x128xi32, #tpu.memory_space<vmem>> -> memref<128xi32, #tpu.memory_space<vmem>>
      %dma_wait3A_197 = arith.constant 0 : i32
      %dma_wait3A_198 = arith.constant 0 : i32
      %dma_wait3A_199 = tpu.memref_slice %arg4[%dma_wait3A_197, %dma_wait3A_198] : memref<100352x16xf32, #tpu.memory_space<hbm>> -> memref<100352x16xf32, #tpu.memory_space<hbm>>
      tpu.wait_indirect_dma semaphore(%arg12 : memref<!tpu.dma_semaphore, #tpu.memory_space<semaphore_mem>>) src(%dma_wait3A_199 : memref<100352x16xf32, #tpu.memory_space<hbm>>) dst(%dma_wait3A_193 : memref<128x16xf32, #tpu.memory_space<vmem>>)
      %dma_wait3A_200 = arith.constant 7 : i32
      %dma_wait3A_201 = arith.constant 7 : i32
      %dma_wait3A_202 = arith.constant 0 : i32
      %dma_wait3A_203 = arith.constant 0 : i32
      %dma_wait3A_204 = tpu.memref_slice %arg11[%dma_wait3A_201, %dma_wait3A_202, %dma_wait3A_203] : memref<8x128x16xf32, #tpu.memory_space<vmem>> -> memref<1x128x16xf32, #tpu.memory_space<vmem>>
      %dma_wait3A_205 = tpu.memref_squeeze %dma_wait3A_204 : memref<1x128x16xf32, #tpu.memory_space<vmem>> -> memref<128x16xf32, #tpu.memory_space<vmem>>
      %dma_wait3A_206 = arith.constant 0 : i32
      %dma_wait3A_207 = tpu.memref_slice %arg9[%dma_wait3A_200, %dma_wait3A_206] : memref<8x128xi32, #tpu.memory_space<vmem>> -> memref<1x128xi32, #tpu.memory_space<vmem>>
      %dma_wait3A_208 = tpu.memref_squeeze %dma_wait3A_207 : memref<1x128xi32, #tpu.memory_space<vmem>> -> memref<128xi32, #tpu.memory_space<vmem>>
      %dma_wait3A_209 = arith.constant 0 : i32
      %dma_wait3A_210 = arith.constant 0 : i32
      %dma_wait3A_211 = tpu.memref_slice %arg4[%dma_wait3A_209, %dma_wait3A_210] : memref<100352x16xf32, #tpu.memory_space<hbm>> -> memref<100352x16xf32, #tpu.memory_space<hbm>>
      tpu.wait_indirect_dma semaphore(%arg12 : memref<!tpu.dma_semaphore, #tpu.memory_space<semaphore_mem>>) src(%dma_wait3A_211 : memref<100352x16xf32, #tpu.memory_space<hbm>>) dst(%dma_wait3A_205 : memref<128x16xf32, #tpu.memory_space<vmem>>)
      %run_scoped3A = arith.constant 0 : i32
      %run_scoped3A_212 = arith.constant 0 : i32
      "tpu.region"() ({
        %run_scoped3A_227 = tpu.sem_alloc : memref<!tpu.dma_semaphore, #tpu.memory_space<semaphore_mem>>
        %dma_start3A_228 = arith.constant 0 : i32
        %dma_start3A_229 = arith.constant 0 : i32
        %dma_start3A_230 = tpu.memref_slice %arg11[%run_scoped3A, %dma_start3A_228, %dma_start3A_229] : memref<8x128x16xf32, #tpu.memory_space<vmem>> -> memref<1x128x16xf32, #tpu.memory_space<vmem>>
        %dma_start3A_231 = tpu.memref_squeeze %dma_start3A_230 : memref<1x128x16xf32, #tpu.memory_space<vmem>> -> memref<128x16xf32, #tpu.memory_space<vmem>>
        %dma_start3A_232 = arith.constant 0 : i32
        %dma_start3A_233 = tpu.memref_slice %arg10[%run_scoped3A_212, %dma_start3A_232] : memref<8x128xi32, #tpu.memory_space<vmem>> -> memref<1x128xi32, #tpu.memory_space<vmem>>
        %dma_start3A_234 = tpu.memref_squeeze %dma_start3A_233 : memref<1x128xi32, #tpu.memory_space<vmem>> -> memref<128xi32, #tpu.memory_space<vmem>>
        %dma_start3A_235 = arith.constant 0 : i32
        %dma_start3A_236 = arith.constant 0 : i32
        %dma_start3A_237 = tpu.memref_slice %arg8[%dma_start3A_235, %dma_start3A_236] : memref<100352x16xf32, #tpu.memory_space<vmem_shared>> -> memref<100352x16xf32, #tpu.memory_space<vmem_shared>>
        tpu.enqueue_indirect_dma source(%dma_start3A_231 : memref<128x16xf32, #tpu.memory_space<vmem>>) target(%dma_start3A_237 : memref<100352x16xf32, #tpu.memory_space<vmem_shared>>) offsets(%dma_start3A_234 : memref<128xi32, #tpu.memory_space<vmem>>) semaphore(%run_scoped3A_227 : memref<!tpu.dma_semaphore, #tpu.memory_space<semaphore_mem>>) {add = true}
        %dma_wait3A_238 = arith.constant 0 : i32
        %dma_wait3A_239 = arith.constant 0 : i32
        %dma_wait3A_240 = tpu.memref_slice %arg11[%run_scoped3A, %dma_wait3A_238, %dma_wait3A_239] : memref<8x128x16xf32, #tpu.memory_space<vmem>> -> memref<1x128x16xf32, #tpu.memory_space<vmem>>
        %dma_wait3A_241 = tpu.memref_squeeze %dma_wait3A_240 : memref<1x128x16xf32, #tpu.memory_space<vmem>> -> memref<128x16xf32, #tpu.memory_space<vmem>>
        %dma_wait3A_242 = arith.constant 0 : i32
        %dma_wait3A_243 = tpu.memref_slice %arg10[%run_scoped3A_212, %dma_wait3A_242] : memref<8x128xi32, #tpu.memory_space<vmem>> -> memref<1x128xi32, #tpu.memory_space<vmem>>
        %dma_wait3A_244 = tpu.memref_squeeze %dma_wait3A_243 : memref<1x128xi32, #tpu.memory_space<vmem>> -> memref<128xi32, #tpu.memory_space<vmem>>
        %dma_wait3A_245 = arith.constant 0 : i32
        %dma_wait3A_246 = arith.constant 0 : i32
        %dma_wait3A_247 = tpu.memref_slice %arg8[%dma_wait3A_245, %dma_wait3A_246] : memref<100352x16xf32, #tpu.memory_space<vmem_shared>> -> memref<100352x16xf32, #tpu.memory_space<vmem_shared>>
        tpu.wait_indirect_dma semaphore(%run_scoped3A_227 : memref<!tpu.dma_semaphore, #tpu.memory_space<semaphore_mem>>) src(%dma_wait3A_241 : memref<128x16xf32, #tpu.memory_space<vmem>>) dst(%dma_wait3A_247 : memref<100352x16xf32, #tpu.memory_space<vmem_shared>>)
        tpu.yield
      }) : () -> ()
      %run_scoped3A_213 = arith.constant 1 : i32
      %run_scoped3A_214 = arith.constant 1 : i32
      "tpu.region"() ({
        %run_scoped3A_227 = tpu.sem_alloc : memref<!tpu.dma_semaphore, #tpu.memory_space<semaphore_mem>>
        %dma_start3A_228 = arith.constant 0 : i32
        %dma_start3A_229 = arith.constant 0 : i32
        %dma_start3A_230 = tpu.memref_slice %arg11[%run_scoped3A_213, %dma_start3A_228, %dma_start3A_229] : memref<8x128x16xf32, #tpu.memory_space<vmem>> -> memref<1x128x16xf32, #tpu.memory_space<vmem>>
        %dma_start3A_231 = tpu.memref_squeeze %dma_start3A_230 : memref<1x128x16xf32, #tpu.memory_space<vmem>> -> memref<128x16xf32, #tpu.memory_space<vmem>>
        %dma_start3A_232 = arith.constant 0 : i32
        %dma_start3A_233 = tpu.memref_slice %arg10[%run_scoped3A_214, %dma_start3A_232] : memref<8x128xi32, #tpu.memory_space<vmem>> -> memref<1x128xi32, #tpu.memory_space<vmem>>
        %dma_start3A_234 = tpu.memref_squeeze %dma_start3A_233 : memref<1x128xi32, #tpu.memory_space<vmem>> -> memref<128xi32, #tpu.memory_space<vmem>>
        %dma_start3A_235 = arith.constant 0 : i32
        %dma_start3A_236 = arith.constant 0 : i32
        %dma_start3A_237 = tpu.memref_slice %arg8[%dma_start3A_235, %dma_start3A_236] : memref<100352x16xf32, #tpu.memory_space<vmem_shared>> -> memref<100352x16xf32, #tpu.memory_space<vmem_shared>>
        tpu.enqueue_indirect_dma source(%dma_start3A_231 : memref<128x16xf32, #tpu.memory_space<vmem>>) target(%dma_start3A_237 : memref<100352x16xf32, #tpu.memory_space<vmem_shared>>) offsets(%dma_start3A_234 : memref<128xi32, #tpu.memory_space<vmem>>) semaphore(%run_scoped3A_227 : memref<!tpu.dma_semaphore, #tpu.memory_space<semaphore_mem>>) {add = true}
        %dma_wait3A_238 = arith.constant 0 : i32
        %dma_wait3A_239 = arith.constant 0 : i32
        %dma_wait3A_240 = tpu.memref_slice %arg11[%run_scoped3A_213, %dma_wait3A_238, %dma_wait3A_239] : memref<8x128x16xf32, #tpu.memory_space<vmem>> -> memref<1x128x16xf32, #tpu.memory_space<vmem>>
        %dma_wait3A_241 = tpu.memref_squeeze %dma_wait3A_240 : memref<1x128x16xf32, #tpu.memory_space<vmem>> -> memref<128x16xf32, #tpu.memory_space<vmem>>
        %dma_wait3A_242 = arith.constant 0 : i32
        %dma_wait3A_243 = tpu.memref_slice %arg10[%run_scoped3A_214, %dma_wait3A_242] : memref<8x128xi32, #tpu.memory_space<vmem>> -> memref<1x128xi32, #tpu.memory_space<vmem>>
        %dma_wait3A_244 = tpu.memref_squeeze %dma_wait3A_243 : memref<1x128xi32, #tpu.memory_space<vmem>> -> memref<128xi32, #tpu.memory_space<vmem>>
        %dma_wait3A_245 = arith.constant 0 : i32
        %dma_wait3A_246 = arith.constant 0 : i32
        %dma_wait3A_247 = tpu.memref_slice %arg8[%dma_wait3A_245, %dma_wait3A_246] : memref<100352x16xf32, #tpu.memory_space<vmem_shared>> -> memref<100352x16xf32, #tpu.memory_space<vmem_shared>>
        tpu.wait_indirect_dma semaphore(%run_scoped3A_227 : memref<!tpu.dma_semaphore, #tpu.memory_space<semaphore_mem>>) src(%dma_wait3A_241 : memref<128x16xf32, #tpu.memory_space<vmem>>) dst(%dma_wait3A_247 : memref<100352x16xf32, #tpu.memory_space<vmem_shared>>)
        tpu.yield
      }) : () -> ()
      %run_scoped3A_215 = arith.constant 2 : i32
      %run_scoped3A_216 = arith.constant 2 : i32
      "tpu.region"() ({
        %run_scoped3A_227 = tpu.sem_alloc : memref<!tpu.dma_semaphore, #tpu.memory_space<semaphore_mem>>
        %dma_start3A_228 = arith.constant 0 : i32
        %dma_start3A_229 = arith.constant 0 : i32
        %dma_start3A_230 = tpu.memref_slice %arg11[%run_scoped3A_215, %dma_start3A_228, %dma_start3A_229] : memref<8x128x16xf32, #tpu.memory_space<vmem>> -> memref<1x128x16xf32, #tpu.memory_space<vmem>>
        %dma_start3A_231 = tpu.memref_squeeze %dma_start3A_230 : memref<1x128x16xf32, #tpu.memory_space<vmem>> -> memref<128x16xf32, #tpu.memory_space<vmem>>
        %dma_start3A_232 = arith.constant 0 : i32
        %dma_start3A_233 = tpu.memref_slice %arg10[%run_scoped3A_216, %dma_start3A_232] : memref<8x128xi32, #tpu.memory_space<vmem>> -> memref<1x128xi32, #tpu.memory_space<vmem>>
        %dma_start3A_234 = tpu.memref_squeeze %dma_start3A_233 : memref<1x128xi32, #tpu.memory_space<vmem>> -> memref<128xi32, #tpu.memory_space<vmem>>
        %dma_start3A_235 = arith.constant 0 : i32
        %dma_start3A_236 = arith.constant 0 : i32
        %dma_start3A_237 = tpu.memref_slice %arg8[%dma_start3A_235, %dma_start3A_236] : memref<100352x16xf32, #tpu.memory_space<vmem_shared>> -> memref<100352x16xf32, #tpu.memory_space<vmem_shared>>
        tpu.enqueue_indirect_dma source(%dma_start3A_231 : memref<128x16xf32, #tpu.memory_space<vmem>>) target(%dma_start3A_237 : memref<100352x16xf32, #tpu.memory_space<vmem_shared>>) offsets(%dma_start3A_234 : memref<128xi32, #tpu.memory_space<vmem>>) semaphore(%run_scoped3A_227 : memref<!tpu.dma_semaphore, #tpu.memory_space<semaphore_mem>>) {add = true}
        %dma_wait3A_238 = arith.constant 0 : i32
        %dma_wait3A_239 = arith.constant 0 : i32
        %dma_wait3A_240 = tpu.memref_slice %arg11[%run_scoped3A_215, %dma_wait3A_238, %dma_wait3A_239] : memref<8x128x16xf32, #tpu.memory_space<vmem>> -> memref<1x128x16xf32, #tpu.memory_space<vmem>>
        %dma_wait3A_241 = tpu.memref_squeeze %dma_wait3A_240 : memref<1x128x16xf32, #tpu.memory_space<vmem>> -> memref<128x16xf32, #tpu.memory_space<vmem>>
        %dma_wait3A_242 = arith.constant 0 : i32
        %dma_wait3A_243 = tpu.memref_slice %arg10[%run_scoped3A_216, %dma_wait3A_242] : memref<8x128xi32, #tpu.memory_space<vmem>> -> memref<1x128xi32, #tpu.memory_space<vmem>>
        %dma_wait3A_244 = tpu.memref_squeeze %dma_wait3A_243 : memref<1x128xi32, #tpu.memory_space<vmem>> -> memref<128xi32, #tpu.memory_space<vmem>>
        %dma_wait3A_245 = arith.constant 0 : i32
        %dma_wait3A_246 = arith.constant 0 : i32
        %dma_wait3A_247 = tpu.memref_slice %arg8[%dma_wait3A_245, %dma_wait3A_246] : memref<100352x16xf32, #tpu.memory_space<vmem_shared>> -> memref<100352x16xf32, #tpu.memory_space<vmem_shared>>
        tpu.wait_indirect_dma semaphore(%run_scoped3A_227 : memref<!tpu.dma_semaphore, #tpu.memory_space<semaphore_mem>>) src(%dma_wait3A_241 : memref<128x16xf32, #tpu.memory_space<vmem>>) dst(%dma_wait3A_247 : memref<100352x16xf32, #tpu.memory_space<vmem_shared>>)
        tpu.yield
      }) : () -> ()
      %run_scoped3A_217 = arith.constant 3 : i32
      %run_scoped3A_218 = arith.constant 3 : i32
      "tpu.region"() ({
        %run_scoped3A_227 = tpu.sem_alloc : memref<!tpu.dma_semaphore, #tpu.memory_space<semaphore_mem>>
        %dma_start3A_228 = arith.constant 0 : i32
        %dma_start3A_229 = arith.constant 0 : i32
        %dma_start3A_230 = tpu.memref_slice %arg11[%run_scoped3A_217, %dma_start3A_228, %dma_start3A_229] : memref<8x128x16xf32, #tpu.memory_space<vmem>> -> memref<1x128x16xf32, #tpu.memory_space<vmem>>
        %dma_start3A_231 = tpu.memref_squeeze %dma_start3A_230 : memref<1x128x16xf32, #tpu.memory_space<vmem>> -> memref<128x16xf32, #tpu.memory_space<vmem>>
        %dma_start3A_232 = arith.constant 0 : i32
        %dma_start3A_233 = tpu.memref_slice %arg10[%run_scoped3A_218, %dma_start3A_232] : memref<8x128xi32, #tpu.memory_space<vmem>> -> memref<1x128xi32, #tpu.memory_space<vmem>>
        %dma_start3A_234 = tpu.memref_squeeze %dma_start3A_233 : memref<1x128xi32, #tpu.memory_space<vmem>> -> memref<128xi32, #tpu.memory_space<vmem>>
        %dma_start3A_235 = arith.constant 0 : i32
        %dma_start3A_236 = arith.constant 0 : i32
        %dma_start3A_237 = tpu.memref_slice %arg8[%dma_start3A_235, %dma_start3A_236] : memref<100352x16xf32, #tpu.memory_space<vmem_shared>> -> memref<100352x16xf32, #tpu.memory_space<vmem_shared>>
        tpu.enqueue_indirect_dma source(%dma_start3A_231 : memref<128x16xf32, #tpu.memory_space<vmem>>) target(%dma_start3A_237 : memref<100352x16xf32, #tpu.memory_space<vmem_shared>>) offsets(%dma_start3A_234 : memref<128xi32, #tpu.memory_space<vmem>>) semaphore(%run_scoped3A_227 : memref<!tpu.dma_semaphore, #tpu.memory_space<semaphore_mem>>) {add = true}
        %dma_wait3A_238 = arith.constant 0 : i32
        %dma_wait3A_239 = arith.constant 0 : i32
        %dma_wait3A_240 = tpu.memref_slice %arg11[%run_scoped3A_217, %dma_wait3A_238, %dma_wait3A_239] : memref<8x128x16xf32, #tpu.memory_space<vmem>> -> memref<1x128x16xf32, #tpu.memory_space<vmem>>
        %dma_wait3A_241 = tpu.memref_squeeze %dma_wait3A_240 : memref<1x128x16xf32, #tpu.memory_space<vmem>> -> memref<128x16xf32, #tpu.memory_space<vmem>>
        %dma_wait3A_242 = arith.constant 0 : i32
        %dma_wait3A_243 = tpu.memref_slice %arg10[%run_scoped3A_218, %dma_wait3A_242] : memref<8x128xi32, #tpu.memory_space<vmem>> -> memref<1x128xi32, #tpu.memory_space<vmem>>
        %dma_wait3A_244 = tpu.memref_squeeze %dma_wait3A_243 : memref<1x128xi32, #tpu.memory_space<vmem>> -> memref<128xi32, #tpu.memory_space<vmem>>
        %dma_wait3A_245 = arith.constant 0 : i32
        %dma_wait3A_246 = arith.constant 0 : i32
        %dma_wait3A_247 = tpu.memref_slice %arg8[%dma_wait3A_245, %dma_wait3A_246] : memref<100352x16xf32, #tpu.memory_space<vmem_shared>> -> memref<100352x16xf32, #tpu.memory_space<vmem_shared>>
        tpu.wait_indirect_dma semaphore(%run_scoped3A_227 : memref<!tpu.dma_semaphore, #tpu.memory_space<semaphore_mem>>) src(%dma_wait3A_241 : memref<128x16xf32, #tpu.memory_space<vmem>>) dst(%dma_wait3A_247 : memref<100352x16xf32, #tpu.memory_space<vmem_shared>>)
        tpu.yield
      }) : () -> ()
      %run_scoped3A_219 = arith.constant 4 : i32
      %run_scoped3A_220 = arith.constant 4 : i32
      "tpu.region"() ({
        %run_scoped3A_227 = tpu.sem_alloc : memref<!tpu.dma_semaphore, #tpu.memory_space<semaphore_mem>>
        %dma_start3A_228 = arith.constant 0 : i32
        %dma_start3A_229 = arith.constant 0 : i32
        %dma_start3A_230 = tpu.memref_slice %arg11[%run_scoped3A_219, %dma_start3A_228, %dma_start3A_229] : memref<8x128x16xf32, #tpu.memory_space<vmem>> -> memref<1x128x16xf32, #tpu.memory_space<vmem>>
        %dma_start3A_231 = tpu.memref_squeeze %dma_start3A_230 : memref<1x128x16xf32, #tpu.memory_space<vmem>> -> memref<128x16xf32, #tpu.memory_space<vmem>>
        %dma_start3A_232 = arith.constant 0 : i32
        %dma_start3A_233 = tpu.memref_slice %arg10[%run_scoped3A_220, %dma_start3A_232] : memref<8x128xi32, #tpu.memory_space<vmem>> -> memref<1x128xi32, #tpu.memory_space<vmem>>
        %dma_start3A_234 = tpu.memref_squeeze %dma_start3A_233 : memref<1x128xi32, #tpu.memory_space<vmem>> -> memref<128xi32, #tpu.memory_space<vmem>>
        %dma_start3A_235 = arith.constant 0 : i32
        %dma_start3A_236 = arith.constant 0 : i32
        %dma_start3A_237 = tpu.memref_slice %arg8[%dma_start3A_235, %dma_start3A_236] : memref<100352x16xf32, #tpu.memory_space<vmem_shared>> -> memref<100352x16xf32, #tpu.memory_space<vmem_shared>>
        tpu.enqueue_indirect_dma source(%dma_start3A_231 : memref<128x16xf32, #tpu.memory_space<vmem>>) target(%dma_start3A_237 : memref<100352x16xf32, #tpu.memory_space<vmem_shared>>) offsets(%dma_start3A_234 : memref<128xi32, #tpu.memory_space<vmem>>) semaphore(%run_scoped3A_227 : memref<!tpu.dma_semaphore, #tpu.memory_space<semaphore_mem>>) {add = true}
        %dma_wait3A_238 = arith.constant 0 : i32
        %dma_wait3A_239 = arith.constant 0 : i32
        %dma_wait3A_240 = tpu.memref_slice %arg11[%run_scoped3A_219, %dma_wait3A_238, %dma_wait3A_239] : memref<8x128x16xf32, #tpu.memory_space<vmem>> -> memref<1x128x16xf32, #tpu.memory_space<vmem>>
        %dma_wait3A_241 = tpu.memref_squeeze %dma_wait3A_240 : memref<1x128x16xf32, #tpu.memory_space<vmem>> -> memref<128x16xf32, #tpu.memory_space<vmem>>
        %dma_wait3A_242 = arith.constant 0 : i32
        %dma_wait3A_243 = tpu.memref_slice %arg10[%run_scoped3A_220, %dma_wait3A_242] : memref<8x128xi32, #tpu.memory_space<vmem>> -> memref<1x128xi32, #tpu.memory_space<vmem>>
        %dma_wait3A_244 = tpu.memref_squeeze %dma_wait3A_243 : memref<1x128xi32, #tpu.memory_space<vmem>> -> memref<128xi32, #tpu.memory_space<vmem>>
        %dma_wait3A_245 = arith.constant 0 : i32
        %dma_wait3A_246 = arith.constant 0 : i32
        %dma_wait3A_247 = tpu.memref_slice %arg8[%dma_wait3A_245, %dma_wait3A_246] : memref<100352x16xf32, #tpu.memory_space<vmem_shared>> -> memref<100352x16xf32, #tpu.memory_space<vmem_shared>>
        tpu.wait_indirect_dma semaphore(%run_scoped3A_227 : memref<!tpu.dma_semaphore, #tpu.memory_space<semaphore_mem>>) src(%dma_wait3A_241 : memref<128x16xf32, #tpu.memory_space<vmem>>) dst(%dma_wait3A_247 : memref<100352x16xf32, #tpu.memory_space<vmem_shared>>)
        tpu.yield
      }) : () -> ()
      %run_scoped3A_221 = arith.constant 5 : i32
      %run_scoped3A_222 = arith.constant 5 : i32
      "tpu.region"() ({
        %run_scoped3A_227 = tpu.sem_alloc : memref<!tpu.dma_semaphore, #tpu.memory_space<semaphore_mem>>
        %dma_start3A_228 = arith.constant 0 : i32
        %dma_start3A_229 = arith.constant 0 : i32
        %dma_start3A_230 = tpu.memref_slice %arg11[%run_scoped3A_221, %dma_start3A_228, %dma_start3A_229] : memref<8x128x16xf32, #tpu.memory_space<vmem>> -> memref<1x128x16xf32, #tpu.memory_space<vmem>>
        %dma_start3A_231 = tpu.memref_squeeze %dma_start3A_230 : memref<1x128x16xf32, #tpu.memory_space<vmem>> -> memref<128x16xf32, #tpu.memory_space<vmem>>
        %dma_start3A_232 = arith.constant 0 : i32
        %dma_start3A_233 = tpu.memref_slice %arg10[%run_scoped3A_222, %dma_start3A_232] : memref<8x128xi32, #tpu.memory_space<vmem>> -> memref<1x128xi32, #tpu.memory_space<vmem>>
        %dma_start3A_234 = tpu.memref_squeeze %dma_start3A_233 : memref<1x128xi32, #tpu.memory_space<vmem>> -> memref<128xi32, #tpu.memory_space<vmem>>
        %dma_start3A_235 = arith.constant 0 : i32
        %dma_start3A_236 = arith.constant 0 : i32
        %dma_start3A_237 = tpu.memref_slice %arg8[%dma_start3A_235, %dma_start3A_236] : memref<100352x16xf32, #tpu.memory_space<vmem_shared>> -> memref<100352x16xf32, #tpu.memory_space<vmem_shared>>
        tpu.enqueue_indirect_dma source(%dma_start3A_231 : memref<128x16xf32, #tpu.memory_space<vmem>>) target(%dma_start3A_237 : memref<100352x16xf32, #tpu.memory_space<vmem_shared>>) offsets(%dma_start3A_234 : memref<128xi32, #tpu.memory_space<vmem>>) semaphore(%run_scoped3A_227 : memref<!tpu.dma_semaphore, #tpu.memory_space<semaphore_mem>>) {add = true}
        %dma_wait3A_238 = arith.constant 0 : i32
        %dma_wait3A_239 = arith.constant 0 : i32
        %dma_wait3A_240 = tpu.memref_slice %arg11[%run_scoped3A_221, %dma_wait3A_238, %dma_wait3A_239] : memref<8x128x16xf32, #tpu.memory_space<vmem>> -> memref<1x128x16xf32, #tpu.memory_space<vmem>>
        %dma_wait3A_241 = tpu.memref_squeeze %dma_wait3A_240 : memref<1x128x16xf32, #tpu.memory_space<vmem>> -> memref<128x16xf32, #tpu.memory_space<vmem>>
        %dma_wait3A_242 = arith.constant 0 : i32
        %dma_wait3A_243 = tpu.memref_slice %arg10[%run_scoped3A_222, %dma_wait3A_242] : memref<8x128xi32, #tpu.memory_space<vmem>> -> memref<1x128xi32, #tpu.memory_space<vmem>>
        %dma_wait3A_244 = tpu.memref_squeeze %dma_wait3A_243 : memref<1x128xi32, #tpu.memory_space<vmem>> -> memref<128xi32, #tpu.memory_space<vmem>>
        %dma_wait3A_245 = arith.constant 0 : i32
        %dma_wait3A_246 = arith.constant 0 : i32
        %dma_wait3A_247 = tpu.memref_slice %arg8[%dma_wait3A_245, %dma_wait3A_246] : memref<100352x16xf32, #tpu.memory_space<vmem_shared>> -> memref<100352x16xf32, #tpu.memory_space<vmem_shared>>
        tpu.wait_indirect_dma semaphore(%run_scoped3A_227 : memref<!tpu.dma_semaphore, #tpu.memory_space<semaphore_mem>>) src(%dma_wait3A_241 : memref<128x16xf32, #tpu.memory_space<vmem>>) dst(%dma_wait3A_247 : memref<100352x16xf32, #tpu.memory_space<vmem_shared>>)
        tpu.yield
      }) : () -> ()
      %run_scoped3A_223 = arith.constant 6 : i32
      %run_scoped3A_224 = arith.constant 6 : i32
      "tpu.region"() ({
        %run_scoped3A_227 = tpu.sem_alloc : memref<!tpu.dma_semaphore, #tpu.memory_space<semaphore_mem>>
        %dma_start3A_228 = arith.constant 0 : i32
        %dma_start3A_229 = arith.constant 0 : i32
        %dma_start3A_230 = tpu.memref_slice %arg11[%run_scoped3A_223, %dma_start3A_228, %dma_start3A_229] : memref<8x128x16xf32, #tpu.memory_space<vmem>> -> memref<1x128x16xf32, #tpu.memory_space<vmem>>
        %dma_start3A_231 = tpu.memref_squeeze %dma_start3A_230 : memref<1x128x16xf32, #tpu.memory_space<vmem>> -> memref<128x16xf32, #tpu.memory_space<vmem>>
        %dma_start3A_232 = arith.constant 0 : i32
        %dma_start3A_233 = tpu.memref_slice %arg10[%run_scoped3A_224, %dma_start3A_232] : memref<8x128xi32, #tpu.memory_space<vmem>> -> memref<1x128xi32, #tpu.memory_space<vmem>>
        %dma_start3A_234 = tpu.memref_squeeze %dma_start3A_233 : memref<1x128xi32, #tpu.memory_space<vmem>> -> memref<128xi32, #tpu.memory_space<vmem>>
        %dma_start3A_235 = arith.constant 0 : i32
        %dma_start3A_236 = arith.constant 0 : i32
        %dma_start3A_237 = tpu.memref_slice %arg8[%dma_start3A_235, %dma_start3A_236] : memref<100352x16xf32, #tpu.memory_space<vmem_shared>> -> memref<100352x16xf32, #tpu.memory_space<vmem_shared>>
        tpu.enqueue_indirect_dma source(%dma_start3A_231 : memref<128x16xf32, #tpu.memory_space<vmem>>) target(%dma_start3A_237 : memref<100352x16xf32, #tpu.memory_space<vmem_shared>>) offsets(%dma_start3A_234 : memref<128xi32, #tpu.memory_space<vmem>>) semaphore(%run_scoped3A_227 : memref<!tpu.dma_semaphore, #tpu.memory_space<semaphore_mem>>) {add = true}
        %dma_wait3A_238 = arith.constant 0 : i32
        %dma_wait3A_239 = arith.constant 0 : i32
        %dma_wait3A_240 = tpu.memref_slice %arg11[%run_scoped3A_223, %dma_wait3A_238, %dma_wait3A_239] : memref<8x128x16xf32, #tpu.memory_space<vmem>> -> memref<1x128x16xf32, #tpu.memory_space<vmem>>
        %dma_wait3A_241 = tpu.memref_squeeze %dma_wait3A_240 : memref<1x128x16xf32, #tpu.memory_space<vmem>> -> memref<128x16xf32, #tpu.memory_space<vmem>>
        %dma_wait3A_242 = arith.constant 0 : i32
        %dma_wait3A_243 = tpu.memref_slice %arg10[%run_scoped3A_224, %dma_wait3A_242] : memref<8x128xi32, #tpu.memory_space<vmem>> -> memref<1x128xi32, #tpu.memory_space<vmem>>
        %dma_wait3A_244 = tpu.memref_squeeze %dma_wait3A_243 : memref<1x128xi32, #tpu.memory_space<vmem>> -> memref<128xi32, #tpu.memory_space<vmem>>
        %dma_wait3A_245 = arith.constant 0 : i32
        %dma_wait3A_246 = arith.constant 0 : i32
        %dma_wait3A_247 = tpu.memref_slice %arg8[%dma_wait3A_245, %dma_wait3A_246] : memref<100352x16xf32, #tpu.memory_space<vmem_shared>> -> memref<100352x16xf32, #tpu.memory_space<vmem_shared>>
        tpu.wait_indirect_dma semaphore(%run_scoped3A_227 : memref<!tpu.dma_semaphore, #tpu.memory_space<semaphore_mem>>) src(%dma_wait3A_241 : memref<128x16xf32, #tpu.memory_space<vmem>>) dst(%dma_wait3A_247 : memref<100352x16xf32, #tpu.memory_space<vmem_shared>>)
        tpu.yield
      }) : () -> ()
      %run_scoped3A_225 = arith.constant 7 : i32
      %run_scoped3A_226 = arith.constant 7 : i32
      "tpu.region"() ({
        %run_scoped3A_227 = tpu.sem_alloc : memref<!tpu.dma_semaphore, #tpu.memory_space<semaphore_mem>>
        %dma_start3A_228 = arith.constant 0 : i32
        %dma_start3A_229 = arith.constant 0 : i32
        %dma_start3A_230 = tpu.memref_slice %arg11[%run_scoped3A_225, %dma_start3A_228, %dma_start3A_229] : memref<8x128x16xf32, #tpu.memory_space<vmem>> -> memref<1x128x16xf32, #tpu.memory_space<vmem>>
        %dma_start3A_231 = tpu.memref_squeeze %dma_start3A_230 : memref<1x128x16xf32, #tpu.memory_space<vmem>> -> memref<128x16xf32, #tpu.memory_space<vmem>>
        %dma_start3A_232 = arith.constant 0 : i32
        %dma_start3A_233 = tpu.memref_slice %arg10[%run_scoped3A_226, %dma_start3A_232] : memref<8x128xi32, #tpu.memory_space<vmem>> -> memref<1x128xi32, #tpu.memory_space<vmem>>
        %dma_start3A_234 = tpu.memref_squeeze %dma_start3A_233 : memref<1x128xi32, #tpu.memory_space<vmem>> -> memref<128xi32, #tpu.memory_space<vmem>>
        %dma_start3A_235 = arith.constant 0 : i32
        %dma_start3A_236 = arith.constant 0 : i32
        %dma_start3A_237 = tpu.memref_slice %arg8[%dma_start3A_235, %dma_start3A_236] : memref<100352x16xf32, #tpu.memory_space<vmem_shared>> -> memref<100352x16xf32, #tpu.memory_space<vmem_shared>>
        tpu.enqueue_indirect_dma source(%dma_start3A_231 : memref<128x16xf32, #tpu.memory_space<vmem>>) target(%dma_start3A_237 : memref<100352x16xf32, #tpu.memory_space<vmem_shared>>) offsets(%dma_start3A_234 : memref<128xi32, #tpu.memory_space<vmem>>) semaphore(%run_scoped3A_227 : memref<!tpu.dma_semaphore, #tpu.memory_space<semaphore_mem>>) {add = true}
        %dma_wait3A_238 = arith.constant 0 : i32
        %dma_wait3A_239 = arith.constant 0 : i32
        %dma_wait3A_240 = tpu.memref_slice %arg11[%run_scoped3A_225, %dma_wait3A_238, %dma_wait3A_239] : memref<8x128x16xf32, #tpu.memory_space<vmem>> -> memref<1x128x16xf32, #tpu.memory_space<vmem>>
        %dma_wait3A_241 = tpu.memref_squeeze %dma_wait3A_240 : memref<1x128x16xf32, #tpu.memory_space<vmem>> -> memref<128x16xf32, #tpu.memory_space<vmem>>
        %dma_wait3A_242 = arith.constant 0 : i32
        %dma_wait3A_243 = tpu.memref_slice %arg10[%run_scoped3A_226, %dma_wait3A_242] : memref<8x128xi32, #tpu.memory_space<vmem>> -> memref<1x128xi32, #tpu.memory_space<vmem>>
        %dma_wait3A_244 = tpu.memref_squeeze %dma_wait3A_243 : memref<1x128xi32, #tpu.memory_space<vmem>> -> memref<128xi32, #tpu.memory_space<vmem>>
        %dma_wait3A_245 = arith.constant 0 : i32
        %dma_wait3A_246 = arith.constant 0 : i32
        %dma_wait3A_247 = tpu.memref_slice %arg8[%dma_wait3A_245, %dma_wait3A_246] : memref<100352x16xf32, #tpu.memory_space<vmem_shared>> -> memref<100352x16xf32, #tpu.memory_space<vmem_shared>>
        tpu.wait_indirect_dma semaphore(%run_scoped3A_227 : memref<!tpu.dma_semaphore, #tpu.memory_space<semaphore_mem>>) src(%dma_wait3A_241 : memref<128x16xf32, #tpu.memory_space<vmem>>) dst(%dma_wait3A_247 : memref<100352x16xf32, #tpu.memory_space<vmem_shared>>)
        tpu.yield
      }) : () -> ()
    }
    %scan3A_9 = arith.constant 49 : i32
    %barrier3A_10 = arith.constant 0 : index
    tpu.barrier barrier_id(%barrier3A_10)
    %eq3A = arith.constant 0 : i32
    %eq3A_11 = arith.cmpi eq, %arg0, %eq3A : i32
    %convert_element_type3A = arith.extui %eq3A_11 : i1 to i32
    %cond3A = arith.constant 0 : i32
    %cond3A_12 = arith.cmpi ne, %convert_element_type3A, %cond3A : i32
    scf.if %cond3A_12 {
      "tpu.region"() ({
        %run_scoped3A = tpu.sem_alloc : memref<!tpu.dma_semaphore, #tpu.memory_space<semaphore_mem>>
        %dma_start3A = arith.constant 0 : i32
        %dma_start3A_18 = tpu.memref_slice %arg6[%mul3A_2, %dma_start3A] : memref<100352x16xf32, #tpu.memory_space<hbm>> -> memref<6272x16xf32, #tpu.memory_space<hbm>>
        %dma_start3A_19 = arith.constant 0 : i32
        %dma_start3A_20 = tpu.memref_slice %arg8[%mul3A_2, %dma_start3A_19] : memref<100352x16xf32, #tpu.memory_space<vmem_shared>> -> memref<6272x16xf32, #tpu.memory_space<vmem_shared>>
        tpu.enqueue_dma source(%dma_start3A_20 : memref<6272x16xf32, #tpu.memory_space<vmem_shared>>) target(%dma_start3A_18 : memref<6272x16xf32, #tpu.memory_space<hbm>>) target_semaphore(%run_scoped3A : memref<!tpu.dma_semaphore, #tpu.memory_space<semaphore_mem>>)
        %dma_wait3A = arith.constant 0 : i32
        %dma_wait3A_21 = tpu.memref_slice %arg6[%mul3A_2, %dma_wait3A] : memref<100352x16xf32, #tpu.memory_space<hbm>> -> memref<6272x16xf32, #tpu.memory_space<hbm>>
        %dma_wait3A_22 = arith.constant 0 : i32
        %dma_wait3A_23 = tpu.memref_slice %arg8[%mul3A_2, %dma_wait3A_22] : memref<100352x16xf32, #tpu.memory_space<vmem_shared>> -> memref<6272x16xf32, #tpu.memory_space<vmem_shared>>
        tpu.wait_dma2 semaphore(%run_scoped3A : memref<!tpu.dma_semaphore, #tpu.memory_space<semaphore_mem>>) src(%dma_wait3A_23 : memref<6272x16xf32, #tpu.memory_space<vmem_shared>>) dst(%dma_wait3A_21 : memref<6272x16xf32, #tpu.memory_space<hbm>>)
        tpu.yield
      }) : () -> ()
    } else {
    }
    %eq3A_13 = arith.constant 1 : i32
    %eq3A_14 = arith.cmpi eq, %arg0, %eq3A_13 : i32
    %convert_element_type3A_15 = arith.extui %eq3A_14 : i1 to i32
    %cond3A_16 = arith.constant 0 : i32
    %cond3A_17 = arith.cmpi ne, %convert_element_type3A_15, %cond3A_16 : i32
    scf.if %cond3A_17 {
      "tpu.region"() ({
        %run_scoped3A = tpu.sem_alloc : memref<!tpu.dma_semaphore, #tpu.memory_space<semaphore_mem>>
        %dma_start3A = arith.constant 0 : i32
        %dma_start3A_18 = tpu.memref_slice %arg7[%mul3A_2, %dma_start3A] : memref<100352x16xf32, #tpu.memory_space<hbm>> -> memref<6272x16xf32, #tpu.memory_space<hbm>>
        %dma_start3A_19 = arith.constant 0 : i32
        %dma_start3A_20 = tpu.memref_slice %arg8[%mul3A_2, %dma_start3A_19] : memref<100352x16xf32, #tpu.memory_space<vmem_shared>> -> memref<6272x16xf32, #tpu.memory_space<vmem_shared>>
        tpu.enqueue_dma source(%dma_start3A_20 : memref<6272x16xf32, #tpu.memory_space<vmem_shared>>) target(%dma_start3A_18 : memref<6272x16xf32, #tpu.memory_space<hbm>>) target_semaphore(%run_scoped3A : memref<!tpu.dma_semaphore, #tpu.memory_space<semaphore_mem>>)
        %dma_wait3A = arith.constant 0 : i32
        %dma_wait3A_21 = tpu.memref_slice %arg7[%mul3A_2, %dma_wait3A] : memref<100352x16xf32, #tpu.memory_space<hbm>> -> memref<6272x16xf32, #tpu.memory_space<hbm>>
        %dma_wait3A_22 = arith.constant 0 : i32
        %dma_wait3A_23 = tpu.memref_slice %arg8[%mul3A_2, %dma_wait3A_22] : memref<100352x16xf32, #tpu.memory_space<vmem_shared>> -> memref<6272x16xf32, #tpu.memory_space<vmem_shared>>
        tpu.wait_dma2 semaphore(%run_scoped3A : memref<!tpu.dma_semaphore, #tpu.memory_space<semaphore_mem>>) src(%dma_wait3A_23 : memref<6272x16xf32, #tpu.memory_space<vmem_shared>>) dst(%dma_wait3A_21 : memref<6272x16xf32, #tpu.memory_space<hbm>>)
        tpu.yield
      }) : () -> ()
    } else {
    }
    return
  }
}

#map = affine_map<(d0, d1) -> (0, 0)>
module attributes {stable_mosaic.version = 14 : i64} {
  func.func @body(%arg0: i32, %arg1: i32, %arg2: memref<12544x128xi32, #tpu.memory_space<hbm>>, %arg3: memref<12544x128xi32, #tpu.memory_space<hbm>>, %arg4: memref<100352x8xf32, #tpu.memory_space<hbm>>, %arg5: memref<100352x8xf32, #tpu.memory_space<hbm>>, %arg6: memref<100352x8xf32, #tpu.memory_space<hbm>>, %arg7: memref<100352x8xf32, #tpu.memory_space<hbm>>, %arg8: memref<100352x8xf32, #tpu.memory_space<vmem_shared>>, %arg9: memref<8x128xi32, #tpu.memory_space<vmem>>, %arg10: memref<8x128xi32, #tpu.memory_space<vmem>>, %arg11: memref<8x128x8xf32, #tpu.memory_space<vmem>>, %arg12: memref<!tpu.dma_semaphore, #tpu.memory_space<semaphore_mem>>) attributes {dimension_semantics = [#tpu.dimension_semantics<core_parallel>, #tpu.dimension_semantics<subcore_parallel>], iteration_bounds = array<i64: 2, 16>, scalar_prefetch = 0 : i64, scratch_operands = 5 : i64, tpu.core_type = #tpu.core_type<sc_vector_subcore>, window_params = [{transform_indices = #map}, {transform_indices = #map}, {transform_indices = #map}, {transform_indices = #map}, {transform_indices = #map}, {transform_indices = #map}]} {
    %mul3A = arith.constant 16 : i32
    %mul3A_0 = arith.muli %arg0, %mul3A : i32
    %add3A = arith.addi %mul3A_0, %arg1 : i32
    %mul3A_1 = arith.constant 6272 : i32
    %mul3A_2 = arith.muli %arg1, %mul3A_1 : i32
    "tpu.region"() ({
      %run_scoped3A = tpu.sem_alloc : memref<!tpu.dma_semaphore, #tpu.memory_space<semaphore_mem>>
      %dma_start3A = arith.constant 0 : i32
      %dma_start3A_18 = tpu.memref_slice %arg8[%mul3A_2, %dma_start3A] : memref<100352x8xf32, #tpu.memory_space<vmem_shared>> -> memref<6272x8xf32, #tpu.memory_space<vmem_shared>>
      %dma_start3A_19 = arith.constant 0 : i32
      %dma_start3A_20 = tpu.memref_slice %arg5[%mul3A_2, %dma_start3A_19] : memref<100352x8xf32, #tpu.memory_space<hbm>> -> memref<6272x8xf32, #tpu.memory_space<hbm>>
      tpu.enqueue_dma source(%dma_start3A_20 : memref<6272x8xf32, #tpu.memory_space<hbm>>) target(%dma_start3A_18 : memref<6272x8xf32, #tpu.memory_space<vmem_shared>>) target_semaphore(%run_scoped3A : memref<!tpu.dma_semaphore, #tpu.memory_space<semaphore_mem>>)
      %dma_wait3A = arith.constant 0 : i32
      %dma_wait3A_21 = tpu.memref_slice %arg8[%mul3A_2, %dma_wait3A] : memref<100352x8xf32, #tpu.memory_space<vmem_shared>> -> memref<6272x8xf32, #tpu.memory_space<vmem_shared>>
      %dma_wait3A_22 = arith.constant 0 : i32
      %dma_wait3A_23 = tpu.memref_slice %arg5[%mul3A_2, %dma_wait3A_22] : memref<100352x8xf32, #tpu.memory_space<hbm>> -> memref<6272x8xf32, #tpu.memory_space<hbm>>
      tpu.wait_dma2 semaphore(%run_scoped3A : memref<!tpu.dma_semaphore, #tpu.memory_space<semaphore_mem>>) src(%dma_wait3A_23 : memref<6272x8xf32, #tpu.memory_space<hbm>>) dst(%dma_wait3A_21 : memref<6272x8xf32, #tpu.memory_space<vmem_shared>>)
      tpu.yield
    }) : () -> ()
    %barrier3A = arith.constant 0 : index
    tpu.barrier barrier_id(%barrier3A)
    %mul3A_3 = arith.constant 392 : i32
    %mul3A_4 = arith.muli %add3A, %mul3A_3 : i32
    %scan3A = arith.constant 0 : i32
    %scan3A_5 = arith.constant 0 : i32
    %scan3A_6 = arith.constant 49 : i32
    %scan3A_7 = arith.addi %scan3A_5, %scan3A_6 : i32
    %scan3A_8 = arith.constant 1 : i32
    scf.for %scan3A_18 = %scan3A_5 to %scan3A_7 step %scan3A_8  : i32 {
      %mul3A_19 = arith.constant 8 : i32
      %mul3A_20 = arith.muli %scan3A_18, %mul3A_19 : i32
      %add3A_21 = arith.addi %mul3A_4, %mul3A_20 : i32
      "tpu.region"() ({
        %run_scoped3A_227 = tpu.sem_alloc : memref<!tpu.dma_semaphore, #tpu.memory_space<semaphore_mem>>
        %dma_start3A_228 = arith.constant 0 : i32
        %dma_start3A_229 = tpu.memref_slice %arg2[%add3A_21, %dma_start3A_228] : memref<12544x128xi32, #tpu.memory_space<hbm>> -> memref<8x128xi32, #tpu.memory_space<hbm>>
        %dma_start3A_230 = arith.constant 0 : i32
        %dma_start3A_231 = tpu.memref_slice %arg2[%add3A_21, %dma_start3A_230] : memref<12544x128xi32, #tpu.memory_space<hbm>> -> memref<8x128xi32, #tpu.memory_space<hbm>>
        tpu.enqueue_dma source(%dma_start3A_231 : memref<8x128xi32, #tpu.memory_space<hbm>>) target(%arg9 : memref<8x128xi32, #tpu.memory_space<vmem>>) target_semaphore(%run_scoped3A_227 : memref<!tpu.dma_semaphore, #tpu.memory_space<semaphore_mem>>)
        %dma_wait3A_232 = arith.constant 0 : i32
        %dma_wait3A_233 = tpu.memref_slice %arg2[%add3A_21, %dma_wait3A_232] : memref<12544x128xi32, #tpu.memory_space<hbm>> -> memref<8x128xi32, #tpu.memory_space<hbm>>
        %dma_wait3A_234 = arith.constant 0 : i32
        %dma_wait3A_235 = tpu.memref_slice %arg2[%add3A_21, %dma_wait3A_234] : memref<12544x128xi32, #tpu.memory_space<hbm>> -> memref<8x128xi32, #tpu.memory_space<hbm>>
        tpu.wait_dma2 semaphore(%run_scoped3A_227 : memref<!tpu.dma_semaphore, #tpu.memory_space<semaphore_mem>>) src(%dma_wait3A_235 : memref<8x128xi32, #tpu.memory_space<hbm>>) dst(%arg9 : memref<8x128xi32, #tpu.memory_space<vmem>>)
        tpu.yield
      }) : () -> ()
      "tpu.region"() ({
        %run_scoped3A_227 = tpu.sem_alloc : memref<!tpu.dma_semaphore, #tpu.memory_space<semaphore_mem>>
        %dma_start3A_228 = arith.constant 0 : i32
        %dma_start3A_229 = tpu.memref_slice %arg3[%add3A_21, %dma_start3A_228] : memref<12544x128xi32, #tpu.memory_space<hbm>> -> memref<8x128xi32, #tpu.memory_space<hbm>>
        %dma_start3A_230 = arith.constant 0 : i32
        %dma_start3A_231 = tpu.memref_slice %arg3[%add3A_21, %dma_start3A_230] : memref<12544x128xi32, #tpu.memory_space<hbm>> -> memref<8x128xi32, #tpu.memory_space<hbm>>
        tpu.enqueue_dma source(%dma_start3A_231 : memref<8x128xi32, #tpu.memory_space<hbm>>) target(%arg10 : memref<8x128xi32, #tpu.memory_space<vmem>>) target_semaphore(%run_scoped3A_227 : memref<!tpu.dma_semaphore, #tpu.memory_space<semaphore_mem>>)
        %dma_wait3A_232 = arith.constant 0 : i32
        %dma_wait3A_233 = tpu.memref_slice %arg3[%add3A_21, %dma_wait3A_232] : memref<12544x128xi32, #tpu.memory_space<hbm>> -> memref<8x128xi32, #tpu.memory_space<hbm>>
        %dma_wait3A_234 = arith.constant 0 : i32
        %dma_wait3A_235 = tpu.memref_slice %arg3[%add3A_21, %dma_wait3A_234] : memref<12544x128xi32, #tpu.memory_space<hbm>> -> memref<8x128xi32, #tpu.memory_space<hbm>>
        tpu.wait_dma2 semaphore(%run_scoped3A_227 : memref<!tpu.dma_semaphore, #tpu.memory_space<semaphore_mem>>) src(%dma_wait3A_235 : memref<8x128xi32, #tpu.memory_space<hbm>>) dst(%arg10 : memref<8x128xi32, #tpu.memory_space<vmem>>)
        tpu.yield
      }) : () -> ()
      %dma_start3A = arith.constant 0 : i32
      %dma_start3A_22 = arith.constant 0 : i32
      %dma_start3A_23 = arith.constant 0 : i32
      %dma_start3A_24 = arith.constant 0 : i32
      %dma_start3A_25 = tpu.memref_slice %arg11[%dma_start3A_22, %dma_start3A_23, %dma_start3A_24] : memref<8x128x8xf32, #tpu.memory_space<vmem>> -> memref<1x128x8xf32, #tpu.memory_space<vmem>>
      %dma_start3A_26 = tpu.memref_squeeze %dma_start3A_25 : memref<1x128x8xf32, #tpu.memory_space<vmem>> -> memref<128x8xf32, #tpu.memory_space<vmem>>
      %dma_start3A_27 = arith.constant 0 : i32
      %dma_start3A_28 = tpu.memref_slice %arg9[%dma_start3A, %dma_start3A_27] : memref<8x128xi32, #tpu.memory_space<vmem>> -> memref<1x128xi32, #tpu.memory_space<vmem>>
      %dma_start3A_29 = tpu.memref_squeeze %dma_start3A_28 : memref<1x128xi32, #tpu.memory_space<vmem>> -> memref<128xi32, #tpu.memory_space<vmem>>
      %dma_start3A_30 = arith.constant 0 : i32
      %dma_start3A_31 = arith.constant 0 : i32
      %dma_start3A_32 = tpu.memref_slice %arg4[%dma_start3A_30, %dma_start3A_31] : memref<100352x8xf32, #tpu.memory_space<hbm>> -> memref<100352x8xf32, #tpu.memory_space<hbm>>
      tpu.enqueue_indirect_dma source(%dma_start3A_32 : memref<100352x8xf32, #tpu.memory_space<hbm>>) target(%dma_start3A_26 : memref<128x8xf32, #tpu.memory_space<vmem>>) offsets(%dma_start3A_29 : memref<128xi32, #tpu.memory_space<vmem>>) semaphore(%arg12 : memref<!tpu.dma_semaphore, #tpu.memory_space<semaphore_mem>>)
      %dma_start3A_33 = arith.constant 1 : i32
      %dma_start3A_34 = arith.constant 1 : i32
      %dma_start3A_35 = arith.constant 0 : i32
      %dma_start3A_36 = arith.constant 0 : i32
      %dma_start3A_37 = tpu.memref_slice %arg11[%dma_start3A_34, %dma_start3A_35, %dma_start3A_36] : memref<8x128x8xf32, #tpu.memory_space<vmem>> -> memref<1x128x8xf32, #tpu.memory_space<vmem>>
      %dma_start3A_38 = tpu.memref_squeeze %dma_start3A_37 : memref<1x128x8xf32, #tpu.memory_space<vmem>> -> memref<128x8xf32, #tpu.memory_space<vmem>>
      %dma_start3A_39 = arith.constant 0 : i32
      %dma_start3A_40 = tpu.memref_slice %arg9[%dma_start3A_33, %dma_start3A_39] : memref<8x128xi32, #tpu.memory_space<vmem>> -> memref<1x128xi32, #tpu.memory_space<vmem>>
      %dma_start3A_41 = tpu.memref_squeeze %dma_start3A_40 : memref<1x128xi32, #tpu.memory_space<vmem>> -> memref<128xi32, #tpu.memory_space<vmem>>
      %dma_start3A_42 = arith.constant 0 : i32
      %dma_start3A_43 = arith.constant 0 : i32
      %dma_start3A_44 = tpu.memref_slice %arg4[%dma_start3A_42, %dma_start3A_43] : memref<100352x8xf32, #tpu.memory_space<hbm>> -> memref<100352x8xf32, #tpu.memory_space<hbm>>
      tpu.enqueue_indirect_dma source(%dma_start3A_44 : memref<100352x8xf32, #tpu.memory_space<hbm>>) target(%dma_start3A_38 : memref<128x8xf32, #tpu.memory_space<vmem>>) offsets(%dma_start3A_41 : memref<128xi32, #tpu.memory_space<vmem>>) semaphore(%arg12 : memref<!tpu.dma_semaphore, #tpu.memory_space<semaphore_mem>>)
      %dma_start3A_45 = arith.constant 2 : i32
      %dma_start3A_46 = arith.constant 2 : i32
      %dma_start3A_47 = arith.constant 0 : i32
      %dma_start3A_48 = arith.constant 0 : i32
      %dma_start3A_49 = tpu.memref_slice %arg11[%dma_start3A_46, %dma_start3A_47, %dma_start3A_48] : memref<8x128x8xf32, #tpu.memory_space<vmem>> -> memref<1x128x8xf32, #tpu.memory_space<vmem>>
      %dma_start3A_50 = tpu.memref_squeeze %dma_start3A_49 : memref<1x128x8xf32, #tpu.memory_space<vmem>> -> memref<128x8xf32, #tpu.memory_space<vmem>>
      %dma_start3A_51 = arith.constant 0 : i32
      %dma_start3A_52 = tpu.memref_slice %arg9[%dma_start3A_45, %dma_start3A_51] : memref<8x128xi32, #tpu.memory_space<vmem>> -> memref<1x128xi32, #tpu.memory_space<vmem>>
      %dma_start3A_53 = tpu.memref_squeeze %dma_start3A_52 : memref<1x128xi32, #tpu.memory_space<vmem>> -> memref<128xi32, #tpu.memory_space<vmem>>
      %dma_start3A_54 = arith.constant 0 : i32
      %dma_start3A_55 = arith.constant 0 : i32
      %dma_start3A_56 = tpu.memref_slice %arg4[%dma_start3A_54, %dma_start3A_55] : memref<100352x8xf32, #tpu.memory_space<hbm>> -> memref<100352x8xf32, #tpu.memory_space<hbm>>
      tpu.enqueue_indirect_dma source(%dma_start3A_56 : memref<100352x8xf32, #tpu.memory_space<hbm>>) target(%dma_start3A_50 : memref<128x8xf32, #tpu.memory_space<vmem>>) offsets(%dma_start3A_53 : memref<128xi32, #tpu.memory_space<vmem>>) semaphore(%arg12 : memref<!tpu.dma_semaphore, #tpu.memory_space<semaphore_mem>>)
      %dma_start3A_57 = arith.constant 3 : i32
      %dma_start3A_58 = arith.constant 3 : i32
      %dma_start3A_59 = arith.constant 0 : i32
      %dma_start3A_60 = arith.constant 0 : i32
      %dma_start3A_61 = tpu.memref_slice %arg11[%dma_start3A_58, %dma_start3A_59, %dma_start3A_60] : memref<8x128x8xf32, #tpu.memory_space<vmem>> -> memref<1x128x8xf32, #tpu.memory_space<vmem>>
      %dma_start3A_62 = tpu.memref_squeeze %dma_start3A_61 : memref<1x128x8xf32, #tpu.memory_space<vmem>> -> memref<128x8xf32, #tpu.memory_space<vmem>>
      %dma_start3A_63 = arith.constant 0 : i32
      %dma_start3A_64 = tpu.memref_slice %arg9[%dma_start3A_57, %dma_start3A_63] : memref<8x128xi32, #tpu.memory_space<vmem>> -> memref<1x128xi32, #tpu.memory_space<vmem>>
      %dma_start3A_65 = tpu.memref_squeeze %dma_start3A_64 : memref<1x128xi32, #tpu.memory_space<vmem>> -> memref<128xi32, #tpu.memory_space<vmem>>
      %dma_start3A_66 = arith.constant 0 : i32
      %dma_start3A_67 = arith.constant 0 : i32
      %dma_start3A_68 = tpu.memref_slice %arg4[%dma_start3A_66, %dma_start3A_67] : memref<100352x8xf32, #tpu.memory_space<hbm>> -> memref<100352x8xf32, #tpu.memory_space<hbm>>
      tpu.enqueue_indirect_dma source(%dma_start3A_68 : memref<100352x8xf32, #tpu.memory_space<hbm>>) target(%dma_start3A_62 : memref<128x8xf32, #tpu.memory_space<vmem>>) offsets(%dma_start3A_65 : memref<128xi32, #tpu.memory_space<vmem>>) semaphore(%arg12 : memref<!tpu.dma_semaphore, #tpu.memory_space<semaphore_mem>>)
      %dma_start3A_69 = arith.constant 4 : i32
      %dma_start3A_70 = arith.constant 4 : i32
      %dma_start3A_71 = arith.constant 0 : i32
      %dma_start3A_72 = arith.constant 0 : i32
      %dma_start3A_73 = tpu.memref_slice %arg11[%dma_start3A_70, %dma_start3A_71, %dma_start3A_72] : memref<8x128x8xf32, #tpu.memory_space<vmem>> -> memref<1x128x8xf32, #tpu.memory_space<vmem>>
      %dma_start3A_74 = tpu.memref_squeeze %dma_start3A_73 : memref<1x128x8xf32, #tpu.memory_space<vmem>> -> memref<128x8xf32, #tpu.memory_space<vmem>>
      %dma_start3A_75 = arith.constant 0 : i32
      %dma_start3A_76 = tpu.memref_slice %arg9[%dma_start3A_69, %dma_start3A_75] : memref<8x128xi32, #tpu.memory_space<vmem>> -> memref<1x128xi32, #tpu.memory_space<vmem>>
      %dma_start3A_77 = tpu.memref_squeeze %dma_start3A_76 : memref<1x128xi32, #tpu.memory_space<vmem>> -> memref<128xi32, #tpu.memory_space<vmem>>
      %dma_start3A_78 = arith.constant 0 : i32
      %dma_start3A_79 = arith.constant 0 : i32
      %dma_start3A_80 = tpu.memref_slice %arg4[%dma_start3A_78, %dma_start3A_79] : memref<100352x8xf32, #tpu.memory_space<hbm>> -> memref<100352x8xf32, #tpu.memory_space<hbm>>
      tpu.enqueue_indirect_dma source(%dma_start3A_80 : memref<100352x8xf32, #tpu.memory_space<hbm>>) target(%dma_start3A_74 : memref<128x8xf32, #tpu.memory_space<vmem>>) offsets(%dma_start3A_77 : memref<128xi32, #tpu.memory_space<vmem>>) semaphore(%arg12 : memref<!tpu.dma_semaphore, #tpu.memory_space<semaphore_mem>>)
      %dma_start3A_81 = arith.constant 5 : i32
      %dma_start3A_82 = arith.constant 5 : i32
      %dma_start3A_83 = arith.constant 0 : i32
      %dma_start3A_84 = arith.constant 0 : i32
      %dma_start3A_85 = tpu.memref_slice %arg11[%dma_start3A_82, %dma_start3A_83, %dma_start3A_84] : memref<8x128x8xf32, #tpu.memory_space<vmem>> -> memref<1x128x8xf32, #tpu.memory_space<vmem>>
      %dma_start3A_86 = tpu.memref_squeeze %dma_start3A_85 : memref<1x128x8xf32, #tpu.memory_space<vmem>> -> memref<128x8xf32, #tpu.memory_space<vmem>>
      %dma_start3A_87 = arith.constant 0 : i32
      %dma_start3A_88 = tpu.memref_slice %arg9[%dma_start3A_81, %dma_start3A_87] : memref<8x128xi32, #tpu.memory_space<vmem>> -> memref<1x128xi32, #tpu.memory_space<vmem>>
      %dma_start3A_89 = tpu.memref_squeeze %dma_start3A_88 : memref<1x128xi32, #tpu.memory_space<vmem>> -> memref<128xi32, #tpu.memory_space<vmem>>
      %dma_start3A_90 = arith.constant 0 : i32
      %dma_start3A_91 = arith.constant 0 : i32
      %dma_start3A_92 = tpu.memref_slice %arg4[%dma_start3A_90, %dma_start3A_91] : memref<100352x8xf32, #tpu.memory_space<hbm>> -> memref<100352x8xf32, #tpu.memory_space<hbm>>
      tpu.enqueue_indirect_dma source(%dma_start3A_92 : memref<100352x8xf32, #tpu.memory_space<hbm>>) target(%dma_start3A_86 : memref<128x8xf32, #tpu.memory_space<vmem>>) offsets(%dma_start3A_89 : memref<128xi32, #tpu.memory_space<vmem>>) semaphore(%arg12 : memref<!tpu.dma_semaphore, #tpu.memory_space<semaphore_mem>>)
      %dma_start3A_93 = arith.constant 6 : i32
      %dma_start3A_94 = arith.constant 6 : i32
      %dma_start3A_95 = arith.constant 0 : i32
      %dma_start3A_96 = arith.constant 0 : i32
      %dma_start3A_97 = tpu.memref_slice %arg11[%dma_start3A_94, %dma_start3A_95, %dma_start3A_96] : memref<8x128x8xf32, #tpu.memory_space<vmem>> -> memref<1x128x8xf32, #tpu.memory_space<vmem>>
      %dma_start3A_98 = tpu.memref_squeeze %dma_start3A_97 : memref<1x128x8xf32, #tpu.memory_space<vmem>> -> memref<128x8xf32, #tpu.memory_space<vmem>>
      %dma_start3A_99 = arith.constant 0 : i32
      %dma_start3A_100 = tpu.memref_slice %arg9[%dma_start3A_93, %dma_start3A_99] : memref<8x128xi32, #tpu.memory_space<vmem>> -> memref<1x128xi32, #tpu.memory_space<vmem>>
      %dma_start3A_101 = tpu.memref_squeeze %dma_start3A_100 : memref<1x128xi32, #tpu.memory_space<vmem>> -> memref<128xi32, #tpu.memory_space<vmem>>
      %dma_start3A_102 = arith.constant 0 : i32
      %dma_start3A_103 = arith.constant 0 : i32
      %dma_start3A_104 = tpu.memref_slice %arg4[%dma_start3A_102, %dma_start3A_103] : memref<100352x8xf32, #tpu.memory_space<hbm>> -> memref<100352x8xf32, #tpu.memory_space<hbm>>
      tpu.enqueue_indirect_dma source(%dma_start3A_104 : memref<100352x8xf32, #tpu.memory_space<hbm>>) target(%dma_start3A_98 : memref<128x8xf32, #tpu.memory_space<vmem>>) offsets(%dma_start3A_101 : memref<128xi32, #tpu.memory_space<vmem>>) semaphore(%arg12 : memref<!tpu.dma_semaphore, #tpu.memory_space<semaphore_mem>>)
      %dma_start3A_105 = arith.constant 7 : i32
      %dma_start3A_106 = arith.constant 7 : i32
      %dma_start3A_107 = arith.constant 0 : i32
      %dma_start3A_108 = arith.constant 0 : i32
      %dma_start3A_109 = tpu.memref_slice %arg11[%dma_start3A_106, %dma_start3A_107, %dma_start3A_108] : memref<8x128x8xf32, #tpu.memory_space<vmem>> -> memref<1x128x8xf32, #tpu.memory_space<vmem>>
      %dma_start3A_110 = tpu.memref_squeeze %dma_start3A_109 : memref<1x128x8xf32, #tpu.memory_space<vmem>> -> memref<128x8xf32, #tpu.memory_space<vmem>>
      %dma_start3A_111 = arith.constant 0 : i32
      %dma_start3A_112 = tpu.memref_slice %arg9[%dma_start3A_105, %dma_start3A_111] : memref<8x128xi32, #tpu.memory_space<vmem>> -> memref<1x128xi32, #tpu.memory_space<vmem>>
      %dma_start3A_113 = tpu.memref_squeeze %dma_start3A_112 : memref<1x128xi32, #tpu.memory_space<vmem>> -> memref<128xi32, #tpu.memory_space<vmem>>
      %dma_start3A_114 = arith.constant 0 : i32
      %dma_start3A_115 = arith.constant 0 : i32
      %dma_start3A_116 = tpu.memref_slice %arg4[%dma_start3A_114, %dma_start3A_115] : memref<100352x8xf32, #tpu.memory_space<hbm>> -> memref<100352x8xf32, #tpu.memory_space<hbm>>
      tpu.enqueue_indirect_dma source(%dma_start3A_116 : memref<100352x8xf32, #tpu.memory_space<hbm>>) target(%dma_start3A_110 : memref<128x8xf32, #tpu.memory_space<vmem>>) offsets(%dma_start3A_113 : memref<128xi32, #tpu.memory_space<vmem>>) semaphore(%arg12 : memref<!tpu.dma_semaphore, #tpu.memory_space<semaphore_mem>>)
      %dma_wait3A = arith.constant 0 : i32
      %dma_wait3A_117 = arith.constant 0 : i32
      %dma_wait3A_118 = arith.constant 0 : i32
      %dma_wait3A_119 = arith.constant 0 : i32
      %dma_wait3A_120 = tpu.memref_slice %arg11[%dma_wait3A_117, %dma_wait3A_118, %dma_wait3A_119] : memref<8x128x8xf32, #tpu.memory_space<vmem>> -> memref<1x128x8xf32, #tpu.memory_space<vmem>>
      %dma_wait3A_121 = tpu.memref_squeeze %dma_wait3A_120 : memref<1x128x8xf32, #tpu.memory_space<vmem>> -> memref<128x8xf32, #tpu.memory_space<vmem>>
      %dma_wait3A_122 = arith.constant 0 : i32
      %dma_wait3A_123 = tpu.memref_slice %arg9[%dma_wait3A, %dma_wait3A_122] : memref<8x128xi32, #tpu.memory_space<vmem>> -> memref<1x128xi32, #tpu.memory_space<vmem>>
      %dma_wait3A_124 = tpu.memref_squeeze %dma_wait3A_123 : memref<1x128xi32, #tpu.memory_space<vmem>> -> memref<128xi32, #tpu.memory_space<vmem>>
      %dma_wait3A_125 = arith.constant 0 : i32
      %dma_wait3A_126 = arith.constant 0 : i32
      %dma_wait3A_127 = tpu.memref_slice %arg4[%dma_wait3A_125, %dma_wait3A_126] : memref<100352x8xf32, #tpu.memory_space<hbm>> -> memref<100352x8xf32, #tpu.memory_space<hbm>>
      tpu.wait_indirect_dma semaphore(%arg12 : memref<!tpu.dma_semaphore, #tpu.memory_space<semaphore_mem>>) src(%dma_wait3A_127 : memref<100352x8xf32, #tpu.memory_space<hbm>>) dst(%dma_wait3A_121 : memref<128x8xf32, #tpu.memory_space<vmem>>)
      %dma_wait3A_128 = arith.constant 1 : i32
      %dma_wait3A_129 = arith.constant 1 : i32
      %dma_wait3A_130 = arith.constant 0 : i32
      %dma_wait3A_131 = arith.constant 0 : i32
      %dma_wait3A_132 = tpu.memref_slice %arg11[%dma_wait3A_129, %dma_wait3A_130, %dma_wait3A_131] : memref<8x128x8xf32, #tpu.memory_space<vmem>> -> memref<1x128x8xf32, #tpu.memory_space<vmem>>
      %dma_wait3A_133 = tpu.memref_squeeze %dma_wait3A_132 : memref<1x128x8xf32, #tpu.memory_space<vmem>> -> memref<128x8xf32, #tpu.memory_space<vmem>>
      %dma_wait3A_134 = arith.constant 0 : i32
      %dma_wait3A_135 = tpu.memref_slice %arg9[%dma_wait3A_128, %dma_wait3A_134] : memref<8x128xi32, #tpu.memory_space<vmem>> -> memref<1x128xi32, #tpu.memory_space<vmem>>
      %dma_wait3A_136 = tpu.memref_squeeze %dma_wait3A_135 : memref<1x128xi32, #tpu.memory_space<vmem>> -> memref<128xi32, #tpu.memory_space<vmem>>
      %dma_wait3A_137 = arith.constant 0 : i32
      %dma_wait3A_138 = arith.constant 0 : i32
      %dma_wait3A_139 = tpu.memref_slice %arg4[%dma_wait3A_137, %dma_wait3A_138] : memref<100352x8xf32, #tpu.memory_space<hbm>> -> memref<100352x8xf32, #tpu.memory_space<hbm>>
      tpu.wait_indirect_dma semaphore(%arg12 : memref<!tpu.dma_semaphore, #tpu.memory_space<semaphore_mem>>) src(%dma_wait3A_139 : memref<100352x8xf32, #tpu.memory_space<hbm>>) dst(%dma_wait3A_133 : memref<128x8xf32, #tpu.memory_space<vmem>>)
      %dma_wait3A_140 = arith.constant 2 : i32
      %dma_wait3A_141 = arith.constant 2 : i32
      %dma_wait3A_142 = arith.constant 0 : i32
      %dma_wait3A_143 = arith.constant 0 : i32
      %dma_wait3A_144 = tpu.memref_slice %arg11[%dma_wait3A_141, %dma_wait3A_142, %dma_wait3A_143] : memref<8x128x8xf32, #tpu.memory_space<vmem>> -> memref<1x128x8xf32, #tpu.memory_space<vmem>>
      %dma_wait3A_145 = tpu.memref_squeeze %dma_wait3A_144 : memref<1x128x8xf32, #tpu.memory_space<vmem>> -> memref<128x8xf32, #tpu.memory_space<vmem>>
      %dma_wait3A_146 = arith.constant 0 : i32
      %dma_wait3A_147 = tpu.memref_slice %arg9[%dma_wait3A_140, %dma_wait3A_146] : memref<8x128xi32, #tpu.memory_space<vmem>> -> memref<1x128xi32, #tpu.memory_space<vmem>>
      %dma_wait3A_148 = tpu.memref_squeeze %dma_wait3A_147 : memref<1x128xi32, #tpu.memory_space<vmem>> -> memref<128xi32, #tpu.memory_space<vmem>>
      %dma_wait3A_149 = arith.constant 0 : i32
      %dma_wait3A_150 = arith.constant 0 : i32
      %dma_wait3A_151 = tpu.memref_slice %arg4[%dma_wait3A_149, %dma_wait3A_150] : memref<100352x8xf32, #tpu.memory_space<hbm>> -> memref<100352x8xf32, #tpu.memory_space<hbm>>
      tpu.wait_indirect_dma semaphore(%arg12 : memref<!tpu.dma_semaphore, #tpu.memory_space<semaphore_mem>>) src(%dma_wait3A_151 : memref<100352x8xf32, #tpu.memory_space<hbm>>) dst(%dma_wait3A_145 : memref<128x8xf32, #tpu.memory_space<vmem>>)
      %dma_wait3A_152 = arith.constant 3 : i32
      %dma_wait3A_153 = arith.constant 3 : i32
      %dma_wait3A_154 = arith.constant 0 : i32
      %dma_wait3A_155 = arith.constant 0 : i32
      %dma_wait3A_156 = tpu.memref_slice %arg11[%dma_wait3A_153, %dma_wait3A_154, %dma_wait3A_155] : memref<8x128x8xf32, #tpu.memory_space<vmem>> -> memref<1x128x8xf32, #tpu.memory_space<vmem>>
      %dma_wait3A_157 = tpu.memref_squeeze %dma_wait3A_156 : memref<1x128x8xf32, #tpu.memory_space<vmem>> -> memref<128x8xf32, #tpu.memory_space<vmem>>
      %dma_wait3A_158 = arith.constant 0 : i32
      %dma_wait3A_159 = tpu.memref_slice %arg9[%dma_wait3A_152, %dma_wait3A_158] : memref<8x128xi32, #tpu.memory_space<vmem>> -> memref<1x128xi32, #tpu.memory_space<vmem>>
      %dma_wait3A_160 = tpu.memref_squeeze %dma_wait3A_159 : memref<1x128xi32, #tpu.memory_space<vmem>> -> memref<128xi32, #tpu.memory_space<vmem>>
      %dma_wait3A_161 = arith.constant 0 : i32
      %dma_wait3A_162 = arith.constant 0 : i32
      %dma_wait3A_163 = tpu.memref_slice %arg4[%dma_wait3A_161, %dma_wait3A_162] : memref<100352x8xf32, #tpu.memory_space<hbm>> -> memref<100352x8xf32, #tpu.memory_space<hbm>>
      tpu.wait_indirect_dma semaphore(%arg12 : memref<!tpu.dma_semaphore, #tpu.memory_space<semaphore_mem>>) src(%dma_wait3A_163 : memref<100352x8xf32, #tpu.memory_space<hbm>>) dst(%dma_wait3A_157 : memref<128x8xf32, #tpu.memory_space<vmem>>)
      %dma_wait3A_164 = arith.constant 4 : i32
      %dma_wait3A_165 = arith.constant 4 : i32
      %dma_wait3A_166 = arith.constant 0 : i32
      %dma_wait3A_167 = arith.constant 0 : i32
      %dma_wait3A_168 = tpu.memref_slice %arg11[%dma_wait3A_165, %dma_wait3A_166, %dma_wait3A_167] : memref<8x128x8xf32, #tpu.memory_space<vmem>> -> memref<1x128x8xf32, #tpu.memory_space<vmem>>
      %dma_wait3A_169 = tpu.memref_squeeze %dma_wait3A_168 : memref<1x128x8xf32, #tpu.memory_space<vmem>> -> memref<128x8xf32, #tpu.memory_space<vmem>>
      %dma_wait3A_170 = arith.constant 0 : i32
      %dma_wait3A_171 = tpu.memref_slice %arg9[%dma_wait3A_164, %dma_wait3A_170] : memref<8x128xi32, #tpu.memory_space<vmem>> -> memref<1x128xi32, #tpu.memory_space<vmem>>
      %dma_wait3A_172 = tpu.memref_squeeze %dma_wait3A_171 : memref<1x128xi32, #tpu.memory_space<vmem>> -> memref<128xi32, #tpu.memory_space<vmem>>
      %dma_wait3A_173 = arith.constant 0 : i32
      %dma_wait3A_174 = arith.constant 0 : i32
      %dma_wait3A_175 = tpu.memref_slice %arg4[%dma_wait3A_173, %dma_wait3A_174] : memref<100352x8xf32, #tpu.memory_space<hbm>> -> memref<100352x8xf32, #tpu.memory_space<hbm>>
      tpu.wait_indirect_dma semaphore(%arg12 : memref<!tpu.dma_semaphore, #tpu.memory_space<semaphore_mem>>) src(%dma_wait3A_175 : memref<100352x8xf32, #tpu.memory_space<hbm>>) dst(%dma_wait3A_169 : memref<128x8xf32, #tpu.memory_space<vmem>>)
      %dma_wait3A_176 = arith.constant 5 : i32
      %dma_wait3A_177 = arith.constant 5 : i32
      %dma_wait3A_178 = arith.constant 0 : i32
      %dma_wait3A_179 = arith.constant 0 : i32
      %dma_wait3A_180 = tpu.memref_slice %arg11[%dma_wait3A_177, %dma_wait3A_178, %dma_wait3A_179] : memref<8x128x8xf32, #tpu.memory_space<vmem>> -> memref<1x128x8xf32, #tpu.memory_space<vmem>>
      %dma_wait3A_181 = tpu.memref_squeeze %dma_wait3A_180 : memref<1x128x8xf32, #tpu.memory_space<vmem>> -> memref<128x8xf32, #tpu.memory_space<vmem>>
      %dma_wait3A_182 = arith.constant 0 : i32
      %dma_wait3A_183 = tpu.memref_slice %arg9[%dma_wait3A_176, %dma_wait3A_182] : memref<8x128xi32, #tpu.memory_space<vmem>> -> memref<1x128xi32, #tpu.memory_space<vmem>>
      %dma_wait3A_184 = tpu.memref_squeeze %dma_wait3A_183 : memref<1x128xi32, #tpu.memory_space<vmem>> -> memref<128xi32, #tpu.memory_space<vmem>>
      %dma_wait3A_185 = arith.constant 0 : i32
      %dma_wait3A_186 = arith.constant 0 : i32
      %dma_wait3A_187 = tpu.memref_slice %arg4[%dma_wait3A_185, %dma_wait3A_186] : memref<100352x8xf32, #tpu.memory_space<hbm>> -> memref<100352x8xf32, #tpu.memory_space<hbm>>
      tpu.wait_indirect_dma semaphore(%arg12 : memref<!tpu.dma_semaphore, #tpu.memory_space<semaphore_mem>>) src(%dma_wait3A_187 : memref<100352x8xf32, #tpu.memory_space<hbm>>) dst(%dma_wait3A_181 : memref<128x8xf32, #tpu.memory_space<vmem>>)
      %dma_wait3A_188 = arith.constant 6 : i32
      %dma_wait3A_189 = arith.constant 6 : i32
      %dma_wait3A_190 = arith.constant 0 : i32
      %dma_wait3A_191 = arith.constant 0 : i32
      %dma_wait3A_192 = tpu.memref_slice %arg11[%dma_wait3A_189, %dma_wait3A_190, %dma_wait3A_191] : memref<8x128x8xf32, #tpu.memory_space<vmem>> -> memref<1x128x8xf32, #tpu.memory_space<vmem>>
      %dma_wait3A_193 = tpu.memref_squeeze %dma_wait3A_192 : memref<1x128x8xf32, #tpu.memory_space<vmem>> -> memref<128x8xf32, #tpu.memory_space<vmem>>
      %dma_wait3A_194 = arith.constant 0 : i32
      %dma_wait3A_195 = tpu.memref_slice %arg9[%dma_wait3A_188, %dma_wait3A_194] : memref<8x128xi32, #tpu.memory_space<vmem>> -> memref<1x128xi32, #tpu.memory_space<vmem>>
      %dma_wait3A_196 = tpu.memref_squeeze %dma_wait3A_195 : memref<1x128xi32, #tpu.memory_space<vmem>> -> memref<128xi32, #tpu.memory_space<vmem>>
      %dma_wait3A_197 = arith.constant 0 : i32
      %dma_wait3A_198 = arith.constant 0 : i32
      %dma_wait3A_199 = tpu.memref_slice %arg4[%dma_wait3A_197, %dma_wait3A_198] : memref<100352x8xf32, #tpu.memory_space<hbm>> -> memref<100352x8xf32, #tpu.memory_space<hbm>>
      tpu.wait_indirect_dma semaphore(%arg12 : memref<!tpu.dma_semaphore, #tpu.memory_space<semaphore_mem>>) src(%dma_wait3A_199 : memref<100352x8xf32, #tpu.memory_space<hbm>>) dst(%dma_wait3A_193 : memref<128x8xf32, #tpu.memory_space<vmem>>)
      %dma_wait3A_200 = arith.constant 7 : i32
      %dma_wait3A_201 = arith.constant 7 : i32
      %dma_wait3A_202 = arith.constant 0 : i32
      %dma_wait3A_203 = arith.constant 0 : i32
      %dma_wait3A_204 = tpu.memref_slice %arg11[%dma_wait3A_201, %dma_wait3A_202, %dma_wait3A_203] : memref<8x128x8xf32, #tpu.memory_space<vmem>> -> memref<1x128x8xf32, #tpu.memory_space<vmem>>
      %dma_wait3A_205 = tpu.memref_squeeze %dma_wait3A_204 : memref<1x128x8xf32, #tpu.memory_space<vmem>> -> memref<128x8xf32, #tpu.memory_space<vmem>>
      %dma_wait3A_206 = arith.constant 0 : i32
      %dma_wait3A_207 = tpu.memref_slice %arg9[%dma_wait3A_200, %dma_wait3A_206] : memref<8x128xi32, #tpu.memory_space<vmem>> -> memref<1x128xi32, #tpu.memory_space<vmem>>
      %dma_wait3A_208 = tpu.memref_squeeze %dma_wait3A_207 : memref<1x128xi32, #tpu.memory_space<vmem>> -> memref<128xi32, #tpu.memory_space<vmem>>
      %dma_wait3A_209 = arith.constant 0 : i32
      %dma_wait3A_210 = arith.constant 0 : i32
      %dma_wait3A_211 = tpu.memref_slice %arg4[%dma_wait3A_209, %dma_wait3A_210] : memref<100352x8xf32, #tpu.memory_space<hbm>> -> memref<100352x8xf32, #tpu.memory_space<hbm>>
      tpu.wait_indirect_dma semaphore(%arg12 : memref<!tpu.dma_semaphore, #tpu.memory_space<semaphore_mem>>) src(%dma_wait3A_211 : memref<100352x8xf32, #tpu.memory_space<hbm>>) dst(%dma_wait3A_205 : memref<128x8xf32, #tpu.memory_space<vmem>>)
      %run_scoped3A = arith.constant 0 : i32
      %run_scoped3A_212 = arith.constant 0 : i32
      "tpu.region"() ({
        %run_scoped3A_227 = tpu.sem_alloc : memref<!tpu.dma_semaphore, #tpu.memory_space<semaphore_mem>>
        %dma_start3A_228 = arith.constant 0 : i32
        %dma_start3A_229 = arith.constant 0 : i32
        %dma_start3A_230 = tpu.memref_slice %arg11[%run_scoped3A, %dma_start3A_228, %dma_start3A_229] : memref<8x128x8xf32, #tpu.memory_space<vmem>> -> memref<1x128x8xf32, #tpu.memory_space<vmem>>
        %dma_start3A_231 = tpu.memref_squeeze %dma_start3A_230 : memref<1x128x8xf32, #tpu.memory_space<vmem>> -> memref<128x8xf32, #tpu.memory_space<vmem>>
        %dma_start3A_232 = arith.constant 0 : i32
        %dma_start3A_233 = tpu.memref_slice %arg10[%run_scoped3A_212, %dma_start3A_232] : memref<8x128xi32, #tpu.memory_space<vmem>> -> memref<1x128xi32, #tpu.memory_space<vmem>>
        %dma_start3A_234 = tpu.memref_squeeze %dma_start3A_233 : memref<1x128xi32, #tpu.memory_space<vmem>> -> memref<128xi32, #tpu.memory_space<vmem>>
        %dma_start3A_235 = arith.constant 0 : i32
        %dma_start3A_236 = arith.constant 0 : i32
        %dma_start3A_237 = tpu.memref_slice %arg8[%dma_start3A_235, %dma_start3A_236] : memref<100352x8xf32, #tpu.memory_space<vmem_shared>> -> memref<100352x8xf32, #tpu.memory_space<vmem_shared>>
        tpu.enqueue_indirect_dma source(%dma_start3A_231 : memref<128x8xf32, #tpu.memory_space<vmem>>) target(%dma_start3A_237 : memref<100352x8xf32, #tpu.memory_space<vmem_shared>>) offsets(%dma_start3A_234 : memref<128xi32, #tpu.memory_space<vmem>>) semaphore(%run_scoped3A_227 : memref<!tpu.dma_semaphore, #tpu.memory_space<semaphore_mem>>) {add = true}
        %dma_wait3A_238 = arith.constant 0 : i32
        %dma_wait3A_239 = arith.constant 0 : i32
        %dma_wait3A_240 = tpu.memref_slice %arg11[%run_scoped3A, %dma_wait3A_238, %dma_wait3A_239] : memref<8x128x8xf32, #tpu.memory_space<vmem>> -> memref<1x128x8xf32, #tpu.memory_space<vmem>>
        %dma_wait3A_241 = tpu.memref_squeeze %dma_wait3A_240 : memref<1x128x8xf32, #tpu.memory_space<vmem>> -> memref<128x8xf32, #tpu.memory_space<vmem>>
        %dma_wait3A_242 = arith.constant 0 : i32
        %dma_wait3A_243 = tpu.memref_slice %arg10[%run_scoped3A_212, %dma_wait3A_242] : memref<8x128xi32, #tpu.memory_space<vmem>> -> memref<1x128xi32, #tpu.memory_space<vmem>>
        %dma_wait3A_244 = tpu.memref_squeeze %dma_wait3A_243 : memref<1x128xi32, #tpu.memory_space<vmem>> -> memref<128xi32, #tpu.memory_space<vmem>>
        %dma_wait3A_245 = arith.constant 0 : i32
        %dma_wait3A_246 = arith.constant 0 : i32
        %dma_wait3A_247 = tpu.memref_slice %arg8[%dma_wait3A_245, %dma_wait3A_246] : memref<100352x8xf32, #tpu.memory_space<vmem_shared>> -> memref<100352x8xf32, #tpu.memory_space<vmem_shared>>
        tpu.wait_indirect_dma semaphore(%run_scoped3A_227 : memref<!tpu.dma_semaphore, #tpu.memory_space<semaphore_mem>>) src(%dma_wait3A_241 : memref<128x8xf32, #tpu.memory_space<vmem>>) dst(%dma_wait3A_247 : memref<100352x8xf32, #tpu.memory_space<vmem_shared>>)
        tpu.yield
      }) : () -> ()
      %run_scoped3A_213 = arith.constant 1 : i32
      %run_scoped3A_214 = arith.constant 1 : i32
      "tpu.region"() ({
        %run_scoped3A_227 = tpu.sem_alloc : memref<!tpu.dma_semaphore, #tpu.memory_space<semaphore_mem>>
        %dma_start3A_228 = arith.constant 0 : i32
        %dma_start3A_229 = arith.constant 0 : i32
        %dma_start3A_230 = tpu.memref_slice %arg11[%run_scoped3A_213, %dma_start3A_228, %dma_start3A_229] : memref<8x128x8xf32, #tpu.memory_space<vmem>> -> memref<1x128x8xf32, #tpu.memory_space<vmem>>
        %dma_start3A_231 = tpu.memref_squeeze %dma_start3A_230 : memref<1x128x8xf32, #tpu.memory_space<vmem>> -> memref<128x8xf32, #tpu.memory_space<vmem>>
        %dma_start3A_232 = arith.constant 0 : i32
        %dma_start3A_233 = tpu.memref_slice %arg10[%run_scoped3A_214, %dma_start3A_232] : memref<8x128xi32, #tpu.memory_space<vmem>> -> memref<1x128xi32, #tpu.memory_space<vmem>>
        %dma_start3A_234 = tpu.memref_squeeze %dma_start3A_233 : memref<1x128xi32, #tpu.memory_space<vmem>> -> memref<128xi32, #tpu.memory_space<vmem>>
        %dma_start3A_235 = arith.constant 0 : i32
        %dma_start3A_236 = arith.constant 0 : i32
        %dma_start3A_237 = tpu.memref_slice %arg8[%dma_start3A_235, %dma_start3A_236] : memref<100352x8xf32, #tpu.memory_space<vmem_shared>> -> memref<100352x8xf32, #tpu.memory_space<vmem_shared>>
        tpu.enqueue_indirect_dma source(%dma_start3A_231 : memref<128x8xf32, #tpu.memory_space<vmem>>) target(%dma_start3A_237 : memref<100352x8xf32, #tpu.memory_space<vmem_shared>>) offsets(%dma_start3A_234 : memref<128xi32, #tpu.memory_space<vmem>>) semaphore(%run_scoped3A_227 : memref<!tpu.dma_semaphore, #tpu.memory_space<semaphore_mem>>) {add = true}
        %dma_wait3A_238 = arith.constant 0 : i32
        %dma_wait3A_239 = arith.constant 0 : i32
        %dma_wait3A_240 = tpu.memref_slice %arg11[%run_scoped3A_213, %dma_wait3A_238, %dma_wait3A_239] : memref<8x128x8xf32, #tpu.memory_space<vmem>> -> memref<1x128x8xf32, #tpu.memory_space<vmem>>
        %dma_wait3A_241 = tpu.memref_squeeze %dma_wait3A_240 : memref<1x128x8xf32, #tpu.memory_space<vmem>> -> memref<128x8xf32, #tpu.memory_space<vmem>>
        %dma_wait3A_242 = arith.constant 0 : i32
        %dma_wait3A_243 = tpu.memref_slice %arg10[%run_scoped3A_214, %dma_wait3A_242] : memref<8x128xi32, #tpu.memory_space<vmem>> -> memref<1x128xi32, #tpu.memory_space<vmem>>
        %dma_wait3A_244 = tpu.memref_squeeze %dma_wait3A_243 : memref<1x128xi32, #tpu.memory_space<vmem>> -> memref<128xi32, #tpu.memory_space<vmem>>
        %dma_wait3A_245 = arith.constant 0 : i32
        %dma_wait3A_246 = arith.constant 0 : i32
        %dma_wait3A_247 = tpu.memref_slice %arg8[%dma_wait3A_245, %dma_wait3A_246] : memref<100352x8xf32, #tpu.memory_space<vmem_shared>> -> memref<100352x8xf32, #tpu.memory_space<vmem_shared>>
        tpu.wait_indirect_dma semaphore(%run_scoped3A_227 : memref<!tpu.dma_semaphore, #tpu.memory_space<semaphore_mem>>) src(%dma_wait3A_241 : memref<128x8xf32, #tpu.memory_space<vmem>>) dst(%dma_wait3A_247 : memref<100352x8xf32, #tpu.memory_space<vmem_shared>>)
        tpu.yield
      }) : () -> ()
      %run_scoped3A_215 = arith.constant 2 : i32
      %run_scoped3A_216 = arith.constant 2 : i32
      "tpu.region"() ({
        %run_scoped3A_227 = tpu.sem_alloc : memref<!tpu.dma_semaphore, #tpu.memory_space<semaphore_mem>>
        %dma_start3A_228 = arith.constant 0 : i32
        %dma_start3A_229 = arith.constant 0 : i32
        %dma_start3A_230 = tpu.memref_slice %arg11[%run_scoped3A_215, %dma_start3A_228, %dma_start3A_229] : memref<8x128x8xf32, #tpu.memory_space<vmem>> -> memref<1x128x8xf32, #tpu.memory_space<vmem>>
        %dma_start3A_231 = tpu.memref_squeeze %dma_start3A_230 : memref<1x128x8xf32, #tpu.memory_space<vmem>> -> memref<128x8xf32, #tpu.memory_space<vmem>>
        %dma_start3A_232 = arith.constant 0 : i32
        %dma_start3A_233 = tpu.memref_slice %arg10[%run_scoped3A_216, %dma_start3A_232] : memref<8x128xi32, #tpu.memory_space<vmem>> -> memref<1x128xi32, #tpu.memory_space<vmem>>
        %dma_start3A_234 = tpu.memref_squeeze %dma_start3A_233 : memref<1x128xi32, #tpu.memory_space<vmem>> -> memref<128xi32, #tpu.memory_space<vmem>>
        %dma_start3A_235 = arith.constant 0 : i32
        %dma_start3A_236 = arith.constant 0 : i32
        %dma_start3A_237 = tpu.memref_slice %arg8[%dma_start3A_235, %dma_start3A_236] : memref<100352x8xf32, #tpu.memory_space<vmem_shared>> -> memref<100352x8xf32, #tpu.memory_space<vmem_shared>>
        tpu.enqueue_indirect_dma source(%dma_start3A_231 : memref<128x8xf32, #tpu.memory_space<vmem>>) target(%dma_start3A_237 : memref<100352x8xf32, #tpu.memory_space<vmem_shared>>) offsets(%dma_start3A_234 : memref<128xi32, #tpu.memory_space<vmem>>) semaphore(%run_scoped3A_227 : memref<!tpu.dma_semaphore, #tpu.memory_space<semaphore_mem>>) {add = true}
        %dma_wait3A_238 = arith.constant 0 : i32
        %dma_wait3A_239 = arith.constant 0 : i32
        %dma_wait3A_240 = tpu.memref_slice %arg11[%run_scoped3A_215, %dma_wait3A_238, %dma_wait3A_239] : memref<8x128x8xf32, #tpu.memory_space<vmem>> -> memref<1x128x8xf32, #tpu.memory_space<vmem>>
        %dma_wait3A_241 = tpu.memref_squeeze %dma_wait3A_240 : memref<1x128x8xf32, #tpu.memory_space<vmem>> -> memref<128x8xf32, #tpu.memory_space<vmem>>
        %dma_wait3A_242 = arith.constant 0 : i32
        %dma_wait3A_243 = tpu.memref_slice %arg10[%run_scoped3A_216, %dma_wait3A_242] : memref<8x128xi32, #tpu.memory_space<vmem>> -> memref<1x128xi32, #tpu.memory_space<vmem>>
        %dma_wait3A_244 = tpu.memref_squeeze %dma_wait3A_243 : memref<1x128xi32, #tpu.memory_space<vmem>> -> memref<128xi32, #tpu.memory_space<vmem>>
        %dma_wait3A_245 = arith.constant 0 : i32
        %dma_wait3A_246 = arith.constant 0 : i32
        %dma_wait3A_247 = tpu.memref_slice %arg8[%dma_wait3A_245, %dma_wait3A_246] : memref<100352x8xf32, #tpu.memory_space<vmem_shared>> -> memref<100352x8xf32, #tpu.memory_space<vmem_shared>>
        tpu.wait_indirect_dma semaphore(%run_scoped3A_227 : memref<!tpu.dma_semaphore, #tpu.memory_space<semaphore_mem>>) src(%dma_wait3A_241 : memref<128x8xf32, #tpu.memory_space<vmem>>) dst(%dma_wait3A_247 : memref<100352x8xf32, #tpu.memory_space<vmem_shared>>)
        tpu.yield
      }) : () -> ()
      %run_scoped3A_217 = arith.constant 3 : i32
      %run_scoped3A_218 = arith.constant 3 : i32
      "tpu.region"() ({
        %run_scoped3A_227 = tpu.sem_alloc : memref<!tpu.dma_semaphore, #tpu.memory_space<semaphore_mem>>
        %dma_start3A_228 = arith.constant 0 : i32
        %dma_start3A_229 = arith.constant 0 : i32
        %dma_start3A_230 = tpu.memref_slice %arg11[%run_scoped3A_217, %dma_start3A_228, %dma_start3A_229] : memref<8x128x8xf32, #tpu.memory_space<vmem>> -> memref<1x128x8xf32, #tpu.memory_space<vmem>>
        %dma_start3A_231 = tpu.memref_squeeze %dma_start3A_230 : memref<1x128x8xf32, #tpu.memory_space<vmem>> -> memref<128x8xf32, #tpu.memory_space<vmem>>
        %dma_start3A_232 = arith.constant 0 : i32
        %dma_start3A_233 = tpu.memref_slice %arg10[%run_scoped3A_218, %dma_start3A_232] : memref<8x128xi32, #tpu.memory_space<vmem>> -> memref<1x128xi32, #tpu.memory_space<vmem>>
        %dma_start3A_234 = tpu.memref_squeeze %dma_start3A_233 : memref<1x128xi32, #tpu.memory_space<vmem>> -> memref<128xi32, #tpu.memory_space<vmem>>
        %dma_start3A_235 = arith.constant 0 : i32
        %dma_start3A_236 = arith.constant 0 : i32
        %dma_start3A_237 = tpu.memref_slice %arg8[%dma_start3A_235, %dma_start3A_236] : memref<100352x8xf32, #tpu.memory_space<vmem_shared>> -> memref<100352x8xf32, #tpu.memory_space<vmem_shared>>
        tpu.enqueue_indirect_dma source(%dma_start3A_231 : memref<128x8xf32, #tpu.memory_space<vmem>>) target(%dma_start3A_237 : memref<100352x8xf32, #tpu.memory_space<vmem_shared>>) offsets(%dma_start3A_234 : memref<128xi32, #tpu.memory_space<vmem>>) semaphore(%run_scoped3A_227 : memref<!tpu.dma_semaphore, #tpu.memory_space<semaphore_mem>>) {add = true}
        %dma_wait3A_238 = arith.constant 0 : i32
        %dma_wait3A_239 = arith.constant 0 : i32
        %dma_wait3A_240 = tpu.memref_slice %arg11[%run_scoped3A_217, %dma_wait3A_238, %dma_wait3A_239] : memref<8x128x8xf32, #tpu.memory_space<vmem>> -> memref<1x128x8xf32, #tpu.memory_space<vmem>>
        %dma_wait3A_241 = tpu.memref_squeeze %dma_wait3A_240 : memref<1x128x8xf32, #tpu.memory_space<vmem>> -> memref<128x8xf32, #tpu.memory_space<vmem>>
        %dma_wait3A_242 = arith.constant 0 : i32
        %dma_wait3A_243 = tpu.memref_slice %arg10[%run_scoped3A_218, %dma_wait3A_242] : memref<8x128xi32, #tpu.memory_space<vmem>> -> memref<1x128xi32, #tpu.memory_space<vmem>>
        %dma_wait3A_244 = tpu.memref_squeeze %dma_wait3A_243 : memref<1x128xi32, #tpu.memory_space<vmem>> -> memref<128xi32, #tpu.memory_space<vmem>>
        %dma_wait3A_245 = arith.constant 0 : i32
        %dma_wait3A_246 = arith.constant 0 : i32
        %dma_wait3A_247 = tpu.memref_slice %arg8[%dma_wait3A_245, %dma_wait3A_246] : memref<100352x8xf32, #tpu.memory_space<vmem_shared>> -> memref<100352x8xf32, #tpu.memory_space<vmem_shared>>
        tpu.wait_indirect_dma semaphore(%run_scoped3A_227 : memref<!tpu.dma_semaphore, #tpu.memory_space<semaphore_mem>>) src(%dma_wait3A_241 : memref<128x8xf32, #tpu.memory_space<vmem>>) dst(%dma_wait3A_247 : memref<100352x8xf32, #tpu.memory_space<vmem_shared>>)
        tpu.yield
      }) : () -> ()
      %run_scoped3A_219 = arith.constant 4 : i32
      %run_scoped3A_220 = arith.constant 4 : i32
      "tpu.region"() ({
        %run_scoped3A_227 = tpu.sem_alloc : memref<!tpu.dma_semaphore, #tpu.memory_space<semaphore_mem>>
        %dma_start3A_228 = arith.constant 0 : i32
        %dma_start3A_229 = arith.constant 0 : i32
        %dma_start3A_230 = tpu.memref_slice %arg11[%run_scoped3A_219, %dma_start3A_228, %dma_start3A_229] : memref<8x128x8xf32, #tpu.memory_space<vmem>> -> memref<1x128x8xf32, #tpu.memory_space<vmem>>
        %dma_start3A_231 = tpu.memref_squeeze %dma_start3A_230 : memref<1x128x8xf32, #tpu.memory_space<vmem>> -> memref<128x8xf32, #tpu.memory_space<vmem>>
        %dma_start3A_232 = arith.constant 0 : i32
        %dma_start3A_233 = tpu.memref_slice %arg10[%run_scoped3A_220, %dma_start3A_232] : memref<8x128xi32, #tpu.memory_space<vmem>> -> memref<1x128xi32, #tpu.memory_space<vmem>>
        %dma_start3A_234 = tpu.memref_squeeze %dma_start3A_233 : memref<1x128xi32, #tpu.memory_space<vmem>> -> memref<128xi32, #tpu.memory_space<vmem>>
        %dma_start3A_235 = arith.constant 0 : i32
        %dma_start3A_236 = arith.constant 0 : i32
        %dma_start3A_237 = tpu.memref_slice %arg8[%dma_start3A_235, %dma_start3A_236] : memref<100352x8xf32, #tpu.memory_space<vmem_shared>> -> memref<100352x8xf32, #tpu.memory_space<vmem_shared>>
        tpu.enqueue_indirect_dma source(%dma_start3A_231 : memref<128x8xf32, #tpu.memory_space<vmem>>) target(%dma_start3A_237 : memref<100352x8xf32, #tpu.memory_space<vmem_shared>>) offsets(%dma_start3A_234 : memref<128xi32, #tpu.memory_space<vmem>>) semaphore(%run_scoped3A_227 : memref<!tpu.dma_semaphore, #tpu.memory_space<semaphore_mem>>) {add = true}
        %dma_wait3A_238 = arith.constant 0 : i32
        %dma_wait3A_239 = arith.constant 0 : i32
        %dma_wait3A_240 = tpu.memref_slice %arg11[%run_scoped3A_219, %dma_wait3A_238, %dma_wait3A_239] : memref<8x128x8xf32, #tpu.memory_space<vmem>> -> memref<1x128x8xf32, #tpu.memory_space<vmem>>
        %dma_wait3A_241 = tpu.memref_squeeze %dma_wait3A_240 : memref<1x128x8xf32, #tpu.memory_space<vmem>> -> memref<128x8xf32, #tpu.memory_space<vmem>>
        %dma_wait3A_242 = arith.constant 0 : i32
        %dma_wait3A_243 = tpu.memref_slice %arg10[%run_scoped3A_220, %dma_wait3A_242] : memref<8x128xi32, #tpu.memory_space<vmem>> -> memref<1x128xi32, #tpu.memory_space<vmem>>
        %dma_wait3A_244 = tpu.memref_squeeze %dma_wait3A_243 : memref<1x128xi32, #tpu.memory_space<vmem>> -> memref<128xi32, #tpu.memory_space<vmem>>
        %dma_wait3A_245 = arith.constant 0 : i32
        %dma_wait3A_246 = arith.constant 0 : i32
        %dma_wait3A_247 = tpu.memref_slice %arg8[%dma_wait3A_245, %dma_wait3A_246] : memref<100352x8xf32, #tpu.memory_space<vmem_shared>> -> memref<100352x8xf32, #tpu.memory_space<vmem_shared>>
        tpu.wait_indirect_dma semaphore(%run_scoped3A_227 : memref<!tpu.dma_semaphore, #tpu.memory_space<semaphore_mem>>) src(%dma_wait3A_241 : memref<128x8xf32, #tpu.memory_space<vmem>>) dst(%dma_wait3A_247 : memref<100352x8xf32, #tpu.memory_space<vmem_shared>>)
        tpu.yield
      }) : () -> ()
      %run_scoped3A_221 = arith.constant 5 : i32
      %run_scoped3A_222 = arith.constant 5 : i32
      "tpu.region"() ({
        %run_scoped3A_227 = tpu.sem_alloc : memref<!tpu.dma_semaphore, #tpu.memory_space<semaphore_mem>>
        %dma_start3A_228 = arith.constant 0 : i32
        %dma_start3A_229 = arith.constant 0 : i32
        %dma_start3A_230 = tpu.memref_slice %arg11[%run_scoped3A_221, %dma_start3A_228, %dma_start3A_229] : memref<8x128x8xf32, #tpu.memory_space<vmem>> -> memref<1x128x8xf32, #tpu.memory_space<vmem>>
        %dma_start3A_231 = tpu.memref_squeeze %dma_start3A_230 : memref<1x128x8xf32, #tpu.memory_space<vmem>> -> memref<128x8xf32, #tpu.memory_space<vmem>>
        %dma_start3A_232 = arith.constant 0 : i32
        %dma_start3A_233 = tpu.memref_slice %arg10[%run_scoped3A_222, %dma_start3A_232] : memref<8x128xi32, #tpu.memory_space<vmem>> -> memref<1x128xi32, #tpu.memory_space<vmem>>
        %dma_start3A_234 = tpu.memref_squeeze %dma_start3A_233 : memref<1x128xi32, #tpu.memory_space<vmem>> -> memref<128xi32, #tpu.memory_space<vmem>>
        %dma_start3A_235 = arith.constant 0 : i32
        %dma_start3A_236 = arith.constant 0 : i32
        %dma_start3A_237 = tpu.memref_slice %arg8[%dma_start3A_235, %dma_start3A_236] : memref<100352x8xf32, #tpu.memory_space<vmem_shared>> -> memref<100352x8xf32, #tpu.memory_space<vmem_shared>>
        tpu.enqueue_indirect_dma source(%dma_start3A_231 : memref<128x8xf32, #tpu.memory_space<vmem>>) target(%dma_start3A_237 : memref<100352x8xf32, #tpu.memory_space<vmem_shared>>) offsets(%dma_start3A_234 : memref<128xi32, #tpu.memory_space<vmem>>) semaphore(%run_scoped3A_227 : memref<!tpu.dma_semaphore, #tpu.memory_space<semaphore_mem>>) {add = true}
        %dma_wait3A_238 = arith.constant 0 : i32
        %dma_wait3A_239 = arith.constant 0 : i32
        %dma_wait3A_240 = tpu.memref_slice %arg11[%run_scoped3A_221, %dma_wait3A_238, %dma_wait3A_239] : memref<8x128x8xf32, #tpu.memory_space<vmem>> -> memref<1x128x8xf32, #tpu.memory_space<vmem>>
        %dma_wait3A_241 = tpu.memref_squeeze %dma_wait3A_240 : memref<1x128x8xf32, #tpu.memory_space<vmem>> -> memref<128x8xf32, #tpu.memory_space<vmem>>
        %dma_wait3A_242 = arith.constant 0 : i32
        %dma_wait3A_243 = tpu.memref_slice %arg10[%run_scoped3A_222, %dma_wait3A_242] : memref<8x128xi32, #tpu.memory_space<vmem>> -> memref<1x128xi32, #tpu.memory_space<vmem>>
        %dma_wait3A_244 = tpu.memref_squeeze %dma_wait3A_243 : memref<1x128xi32, #tpu.memory_space<vmem>> -> memref<128xi32, #tpu.memory_space<vmem>>
        %dma_wait3A_245 = arith.constant 0 : i32
        %dma_wait3A_246 = arith.constant 0 : i32
        %dma_wait3A_247 = tpu.memref_slice %arg8[%dma_wait3A_245, %dma_wait3A_246] : memref<100352x8xf32, #tpu.memory_space<vmem_shared>> -> memref<100352x8xf32, #tpu.memory_space<vmem_shared>>
        tpu.wait_indirect_dma semaphore(%run_scoped3A_227 : memref<!tpu.dma_semaphore, #tpu.memory_space<semaphore_mem>>) src(%dma_wait3A_241 : memref<128x8xf32, #tpu.memory_space<vmem>>) dst(%dma_wait3A_247 : memref<100352x8xf32, #tpu.memory_space<vmem_shared>>)
        tpu.yield
      }) : () -> ()
      %run_scoped3A_223 = arith.constant 6 : i32
      %run_scoped3A_224 = arith.constant 6 : i32
      "tpu.region"() ({
        %run_scoped3A_227 = tpu.sem_alloc : memref<!tpu.dma_semaphore, #tpu.memory_space<semaphore_mem>>
        %dma_start3A_228 = arith.constant 0 : i32
        %dma_start3A_229 = arith.constant 0 : i32
        %dma_start3A_230 = tpu.memref_slice %arg11[%run_scoped3A_223, %dma_start3A_228, %dma_start3A_229] : memref<8x128x8xf32, #tpu.memory_space<vmem>> -> memref<1x128x8xf32, #tpu.memory_space<vmem>>
        %dma_start3A_231 = tpu.memref_squeeze %dma_start3A_230 : memref<1x128x8xf32, #tpu.memory_space<vmem>> -> memref<128x8xf32, #tpu.memory_space<vmem>>
        %dma_start3A_232 = arith.constant 0 : i32
        %dma_start3A_233 = tpu.memref_slice %arg10[%run_scoped3A_224, %dma_start3A_232] : memref<8x128xi32, #tpu.memory_space<vmem>> -> memref<1x128xi32, #tpu.memory_space<vmem>>
        %dma_start3A_234 = tpu.memref_squeeze %dma_start3A_233 : memref<1x128xi32, #tpu.memory_space<vmem>> -> memref<128xi32, #tpu.memory_space<vmem>>
        %dma_start3A_235 = arith.constant 0 : i32
        %dma_start3A_236 = arith.constant 0 : i32
        %dma_start3A_237 = tpu.memref_slice %arg8[%dma_start3A_235, %dma_start3A_236] : memref<100352x8xf32, #tpu.memory_space<vmem_shared>> -> memref<100352x8xf32, #tpu.memory_space<vmem_shared>>
        tpu.enqueue_indirect_dma source(%dma_start3A_231 : memref<128x8xf32, #tpu.memory_space<vmem>>) target(%dma_start3A_237 : memref<100352x8xf32, #tpu.memory_space<vmem_shared>>) offsets(%dma_start3A_234 : memref<128xi32, #tpu.memory_space<vmem>>) semaphore(%run_scoped3A_227 : memref<!tpu.dma_semaphore, #tpu.memory_space<semaphore_mem>>) {add = true}
        %dma_wait3A_238 = arith.constant 0 : i32
        %dma_wait3A_239 = arith.constant 0 : i32
        %dma_wait3A_240 = tpu.memref_slice %arg11[%run_scoped3A_223, %dma_wait3A_238, %dma_wait3A_239] : memref<8x128x8xf32, #tpu.memory_space<vmem>> -> memref<1x128x8xf32, #tpu.memory_space<vmem>>
        %dma_wait3A_241 = tpu.memref_squeeze %dma_wait3A_240 : memref<1x128x8xf32, #tpu.memory_space<vmem>> -> memref<128x8xf32, #tpu.memory_space<vmem>>
        %dma_wait3A_242 = arith.constant 0 : i32
        %dma_wait3A_243 = tpu.memref_slice %arg10[%run_scoped3A_224, %dma_wait3A_242] : memref<8x128xi32, #tpu.memory_space<vmem>> -> memref<1x128xi32, #tpu.memory_space<vmem>>
        %dma_wait3A_244 = tpu.memref_squeeze %dma_wait3A_243 : memref<1x128xi32, #tpu.memory_space<vmem>> -> memref<128xi32, #tpu.memory_space<vmem>>
        %dma_wait3A_245 = arith.constant 0 : i32
        %dma_wait3A_246 = arith.constant 0 : i32
        %dma_wait3A_247 = tpu.memref_slice %arg8[%dma_wait3A_245, %dma_wait3A_246] : memref<100352x8xf32, #tpu.memory_space<vmem_shared>> -> memref<100352x8xf32, #tpu.memory_space<vmem_shared>>
        tpu.wait_indirect_dma semaphore(%run_scoped3A_227 : memref<!tpu.dma_semaphore, #tpu.memory_space<semaphore_mem>>) src(%dma_wait3A_241 : memref<128x8xf32, #tpu.memory_space<vmem>>) dst(%dma_wait3A_247 : memref<100352x8xf32, #tpu.memory_space<vmem_shared>>)
        tpu.yield
      }) : () -> ()
      %run_scoped3A_225 = arith.constant 7 : i32
      %run_scoped3A_226 = arith.constant 7 : i32
      "tpu.region"() ({
        %run_scoped3A_227 = tpu.sem_alloc : memref<!tpu.dma_semaphore, #tpu.memory_space<semaphore_mem>>
        %dma_start3A_228 = arith.constant 0 : i32
        %dma_start3A_229 = arith.constant 0 : i32
        %dma_start3A_230 = tpu.memref_slice %arg11[%run_scoped3A_225, %dma_start3A_228, %dma_start3A_229] : memref<8x128x8xf32, #tpu.memory_space<vmem>> -> memref<1x128x8xf32, #tpu.memory_space<vmem>>
        %dma_start3A_231 = tpu.memref_squeeze %dma_start3A_230 : memref<1x128x8xf32, #tpu.memory_space<vmem>> -> memref<128x8xf32, #tpu.memory_space<vmem>>
        %dma_start3A_232 = arith.constant 0 : i32
        %dma_start3A_233 = tpu.memref_slice %arg10[%run_scoped3A_226, %dma_start3A_232] : memref<8x128xi32, #tpu.memory_space<vmem>> -> memref<1x128xi32, #tpu.memory_space<vmem>>
        %dma_start3A_234 = tpu.memref_squeeze %dma_start3A_233 : memref<1x128xi32, #tpu.memory_space<vmem>> -> memref<128xi32, #tpu.memory_space<vmem>>
        %dma_start3A_235 = arith.constant 0 : i32
        %dma_start3A_236 = arith.constant 0 : i32
        %dma_start3A_237 = tpu.memref_slice %arg8[%dma_start3A_235, %dma_start3A_236] : memref<100352x8xf32, #tpu.memory_space<vmem_shared>> -> memref<100352x8xf32, #tpu.memory_space<vmem_shared>>
        tpu.enqueue_indirect_dma source(%dma_start3A_231 : memref<128x8xf32, #tpu.memory_space<vmem>>) target(%dma_start3A_237 : memref<100352x8xf32, #tpu.memory_space<vmem_shared>>) offsets(%dma_start3A_234 : memref<128xi32, #tpu.memory_space<vmem>>) semaphore(%run_scoped3A_227 : memref<!tpu.dma_semaphore, #tpu.memory_space<semaphore_mem>>) {add = true}
        %dma_wait3A_238 = arith.constant 0 : i32
        %dma_wait3A_239 = arith.constant 0 : i32
        %dma_wait3A_240 = tpu.memref_slice %arg11[%run_scoped3A_225, %dma_wait3A_238, %dma_wait3A_239] : memref<8x128x8xf32, #tpu.memory_space<vmem>> -> memref<1x128x8xf32, #tpu.memory_space<vmem>>
        %dma_wait3A_241 = tpu.memref_squeeze %dma_wait3A_240 : memref<1x128x8xf32, #tpu.memory_space<vmem>> -> memref<128x8xf32, #tpu.memory_space<vmem>>
        %dma_wait3A_242 = arith.constant 0 : i32
        %dma_wait3A_243 = tpu.memref_slice %arg10[%run_scoped3A_226, %dma_wait3A_242] : memref<8x128xi32, #tpu.memory_space<vmem>> -> memref<1x128xi32, #tpu.memory_space<vmem>>
        %dma_wait3A_244 = tpu.memref_squeeze %dma_wait3A_243 : memref<1x128xi32, #tpu.memory_space<vmem>> -> memref<128xi32, #tpu.memory_space<vmem>>
        %dma_wait3A_245 = arith.constant 0 : i32
        %dma_wait3A_246 = arith.constant 0 : i32
        %dma_wait3A_247 = tpu.memref_slice %arg8[%dma_wait3A_245, %dma_wait3A_246] : memref<100352x8xf32, #tpu.memory_space<vmem_shared>> -> memref<100352x8xf32, #tpu.memory_space<vmem_shared>>
        tpu.wait_indirect_dma semaphore(%run_scoped3A_227 : memref<!tpu.dma_semaphore, #tpu.memory_space<semaphore_mem>>) src(%dma_wait3A_241 : memref<128x8xf32, #tpu.memory_space<vmem>>) dst(%dma_wait3A_247 : memref<100352x8xf32, #tpu.memory_space<vmem_shared>>)
        tpu.yield
      }) : () -> ()
    }
    %scan3A_9 = arith.constant 49 : i32
    %barrier3A_10 = arith.constant 0 : index
    tpu.barrier barrier_id(%barrier3A_10)
    %eq3A = arith.constant 0 : i32
    %eq3A_11 = arith.cmpi eq, %arg0, %eq3A : i32
    %convert_element_type3A = arith.extui %eq3A_11 : i1 to i32
    %cond3A = arith.constant 0 : i32
    %cond3A_12 = arith.cmpi ne, %convert_element_type3A, %cond3A : i32
    scf.if %cond3A_12 {
      "tpu.region"() ({
        %run_scoped3A = tpu.sem_alloc : memref<!tpu.dma_semaphore, #tpu.memory_space<semaphore_mem>>
        %dma_start3A = arith.constant 0 : i32
        %dma_start3A_18 = tpu.memref_slice %arg6[%mul3A_2, %dma_start3A] : memref<100352x8xf32, #tpu.memory_space<hbm>> -> memref<6272x8xf32, #tpu.memory_space<hbm>>
        %dma_start3A_19 = arith.constant 0 : i32
        %dma_start3A_20 = tpu.memref_slice %arg8[%mul3A_2, %dma_start3A_19] : memref<100352x8xf32, #tpu.memory_space<vmem_shared>> -> memref<6272x8xf32, #tpu.memory_space<vmem_shared>>
        tpu.enqueue_dma source(%dma_start3A_20 : memref<6272x8xf32, #tpu.memory_space<vmem_shared>>) target(%dma_start3A_18 : memref<6272x8xf32, #tpu.memory_space<hbm>>) target_semaphore(%run_scoped3A : memref<!tpu.dma_semaphore, #tpu.memory_space<semaphore_mem>>)
        %dma_wait3A = arith.constant 0 : i32
        %dma_wait3A_21 = tpu.memref_slice %arg6[%mul3A_2, %dma_wait3A] : memref<100352x8xf32, #tpu.memory_space<hbm>> -> memref<6272x8xf32, #tpu.memory_space<hbm>>
        %dma_wait3A_22 = arith.constant 0 : i32
        %dma_wait3A_23 = tpu.memref_slice %arg8[%mul3A_2, %dma_wait3A_22] : memref<100352x8xf32, #tpu.memory_space<vmem_shared>> -> memref<6272x8xf32, #tpu.memory_space<vmem_shared>>
        tpu.wait_dma2 semaphore(%run_scoped3A : memref<!tpu.dma_semaphore, #tpu.memory_space<semaphore_mem>>) src(%dma_wait3A_23 : memref<6272x8xf32, #tpu.memory_space<vmem_shared>>) dst(%dma_wait3A_21 : memref<6272x8xf32, #tpu.memory_space<hbm>>)
        tpu.yield
      }) : () -> ()
    } else {
    }
    %eq3A_13 = arith.constant 1 : i32
    %eq3A_14 = arith.cmpi eq, %arg0, %eq3A_13 : i32
    %convert_element_type3A_15 = arith.extui %eq3A_14 : i1 to i32
    %cond3A_16 = arith.constant 0 : i32
    %cond3A_17 = arith.cmpi ne, %convert_element_type3A_15, %cond3A_16 : i32
    scf.if %cond3A_17 {
      "tpu.region"() ({
        %run_scoped3A = tpu.sem_alloc : memref<!tpu.dma_semaphore, #tpu.memory_space<semaphore_mem>>
        %dma_start3A = arith.constant 0 : i32
        %dma_start3A_18 = tpu.memref_slice %arg7[%mul3A_2, %dma_start3A] : memref<100352x8xf32, #tpu.memory_space<hbm>> -> memref<6272x8xf32, #tpu.memory_space<hbm>>
        %dma_start3A_19 = arith.constant 0 : i32
        %dma_start3A_20 = tpu.memref_slice %arg8[%mul3A_2, %dma_start3A_19] : memref<100352x8xf32, #tpu.memory_space<vmem_shared>> -> memref<6272x8xf32, #tpu.memory_space<vmem_shared>>
        tpu.enqueue_dma source(%dma_start3A_20 : memref<6272x8xf32, #tpu.memory_space<vmem_shared>>) target(%dma_start3A_18 : memref<6272x8xf32, #tpu.memory_space<hbm>>) target_semaphore(%run_scoped3A : memref<!tpu.dma_semaphore, #tpu.memory_space<semaphore_mem>>)
        %dma_wait3A = arith.constant 0 : i32
        %dma_wait3A_21 = tpu.memref_slice %arg7[%mul3A_2, %dma_wait3A] : memref<100352x8xf32, #tpu.memory_space<hbm>> -> memref<6272x8xf32, #tpu.memory_space<hbm>>
        %dma_wait3A_22 = arith.constant 0 : i32
        %dma_wait3A_23 = tpu.memref_slice %arg8[%mul3A_2, %dma_wait3A_22] : memref<100352x8xf32, #tpu.memory_space<vmem_shared>> -> memref<6272x8xf32, #tpu.memory_space<vmem_shared>>
        tpu.wait_dma2 semaphore(%run_scoped3A : memref<!tpu.dma_semaphore, #tpu.memory_space<semaphore_mem>>) src(%dma_wait3A_23 : memref<6272x8xf32, #tpu.memory_space<vmem_shared>>) dst(%dma_wait3A_21 : memref<6272x8xf32, #tpu.memory_space<hbm>>)
        tpu.yield
      }) : () -> ()
    } else {
    }
    return
  }
}

#map = affine_map<(d0, d1) -> (0, 0)>
module attributes {stable_mosaic.version = 14 : i64} {
  func.func @body(%arg0: i32, %arg1: i32, %arg2: memref<12544x128xi32, #tpu.memory_space<hbm>>, %arg3: memref<12544x128xi32, #tpu.memory_space<hbm>>, %arg4: memref<100352x16xf32, #tpu.memory_space<hbm>>, %arg5: memref<100352x16xf32, #tpu.memory_space<hbm>>, %arg6: memref<100352x16xf32, #tpu.memory_space<hbm>>, %arg7: memref<100352x16xf32, #tpu.memory_space<hbm>>, %arg8: memref<100352x16xf32, #tpu.memory_space<vmem_shared>>, %arg9: memref<8x128xi32, #tpu.memory_space<vmem>>, %arg10: memref<8x128xi32, #tpu.memory_space<vmem>>, %arg11: memref<8x128x16xf32, #tpu.memory_space<vmem>>, %arg12: memref<!tpu.dma_semaphore, #tpu.memory_space<semaphore_mem>>) attributes {dimension_semantics = [#tpu.dimension_semantics<core_parallel>, #tpu.dimension_semantics<subcore_parallel>], iteration_bounds = array<i64: 2, 16>, scalar_prefetch = 0 : i64, scratch_operands = 5 : i64, tpu.core_type = #tpu.core_type<sc_vector_subcore>, window_params = [{transform_indices = #map}, {transform_indices = #map}, {transform_indices = #map}, {transform_indices = #map}, {transform_indices = #map}, {transform_indices = #map}]} {
    %mul3A = arith.constant 16 : i32
    %mul3A_0 = arith.muli %arg0, %mul3A : i32
    %add3A = arith.addi %mul3A_0, %arg1 : i32
    %mul3A_1 = arith.constant 6272 : i32
    %mul3A_2 = arith.muli %arg1, %mul3A_1 : i32
    "tpu.region"() ({
      %run_scoped3A = tpu.sem_alloc : memref<!tpu.dma_semaphore, #tpu.memory_space<semaphore_mem>>
      %dma_start3A = arith.constant 0 : i32
      %dma_start3A_18 = tpu.memref_slice %arg8[%mul3A_2, %dma_start3A] : memref<100352x16xf32, #tpu.memory_space<vmem_shared>> -> memref<6272x16xf32, #tpu.memory_space<vmem_shared>>
      %dma_start3A_19 = arith.constant 0 : i32
      %dma_start3A_20 = tpu.memref_slice %arg5[%mul3A_2, %dma_start3A_19] : memref<100352x16xf32, #tpu.memory_space<hbm>> -> memref<6272x16xf32, #tpu.memory_space<hbm>>
      tpu.enqueue_dma source(%dma_start3A_20 : memref<6272x16xf32, #tpu.memory_space<hbm>>) target(%dma_start3A_18 : memref<6272x16xf32, #tpu.memory_space<vmem_shared>>) target_semaphore(%run_scoped3A : memref<!tpu.dma_semaphore, #tpu.memory_space<semaphore_mem>>)
      %dma_wait3A = arith.constant 0 : i32
      %dma_wait3A_21 = tpu.memref_slice %arg8[%mul3A_2, %dma_wait3A] : memref<100352x16xf32, #tpu.memory_space<vmem_shared>> -> memref<6272x16xf32, #tpu.memory_space<vmem_shared>>
      %dma_wait3A_22 = arith.constant 0 : i32
      %dma_wait3A_23 = tpu.memref_slice %arg5[%mul3A_2, %dma_wait3A_22] : memref<100352x16xf32, #tpu.memory_space<hbm>> -> memref<6272x16xf32, #tpu.memory_space<hbm>>
      tpu.wait_dma2 semaphore(%run_scoped3A : memref<!tpu.dma_semaphore, #tpu.memory_space<semaphore_mem>>) src(%dma_wait3A_23 : memref<6272x16xf32, #tpu.memory_space<hbm>>) dst(%dma_wait3A_21 : memref<6272x16xf32, #tpu.memory_space<vmem_shared>>)
      tpu.yield
    }) : () -> ()
    %barrier3A = arith.constant 0 : index
    tpu.barrier barrier_id(%barrier3A)
    %mul3A_3 = arith.constant 392 : i32
    %mul3A_4 = arith.muli %add3A, %mul3A_3 : i32
    %scan3A = arith.constant 0 : i32
    %scan3A_5 = arith.constant 0 : i32
    %scan3A_6 = arith.constant 49 : i32
    %scan3A_7 = arith.addi %scan3A_5, %scan3A_6 : i32
    %scan3A_8 = arith.constant 1 : i32
    scf.for %scan3A_18 = %scan3A_5 to %scan3A_7 step %scan3A_8  : i32 {
      %mul3A_19 = arith.constant 8 : i32
      %mul3A_20 = arith.muli %scan3A_18, %mul3A_19 : i32
      %add3A_21 = arith.addi %mul3A_4, %mul3A_20 : i32
      "tpu.region"() ({
        %run_scoped3A_227 = tpu.sem_alloc : memref<!tpu.dma_semaphore, #tpu.memory_space<semaphore_mem>>
        %dma_start3A_228 = arith.constant 0 : i32
        %dma_start3A_229 = tpu.memref_slice %arg2[%add3A_21, %dma_start3A_228] : memref<12544x128xi32, #tpu.memory_space<hbm>> -> memref<8x128xi32, #tpu.memory_space<hbm>>
        %dma_start3A_230 = arith.constant 0 : i32
        %dma_start3A_231 = tpu.memref_slice %arg2[%add3A_21, %dma_start3A_230] : memref<12544x128xi32, #tpu.memory_space<hbm>> -> memref<8x128xi32, #tpu.memory_space<hbm>>
        tpu.enqueue_dma source(%dma_start3A_231 : memref<8x128xi32, #tpu.memory_space<hbm>>) target(%arg9 : memref<8x128xi32, #tpu.memory_space<vmem>>) target_semaphore(%run_scoped3A_227 : memref<!tpu.dma_semaphore, #tpu.memory_space<semaphore_mem>>)
        %dma_wait3A_232 = arith.constant 0 : i32
        %dma_wait3A_233 = tpu.memref_slice %arg2[%add3A_21, %dma_wait3A_232] : memref<12544x128xi32, #tpu.memory_space<hbm>> -> memref<8x128xi32, #tpu.memory_space<hbm>>
        %dma_wait3A_234 = arith.constant 0 : i32
        %dma_wait3A_235 = tpu.memref_slice %arg2[%add3A_21, %dma_wait3A_234] : memref<12544x128xi32, #tpu.memory_space<hbm>> -> memref<8x128xi32, #tpu.memory_space<hbm>>
        tpu.wait_dma2 semaphore(%run_scoped3A_227 : memref<!tpu.dma_semaphore, #tpu.memory_space<semaphore_mem>>) src(%dma_wait3A_235 : memref<8x128xi32, #tpu.memory_space<hbm>>) dst(%arg9 : memref<8x128xi32, #tpu.memory_space<vmem>>)
        tpu.yield
      }) : () -> ()
      "tpu.region"() ({
        %run_scoped3A_227 = tpu.sem_alloc : memref<!tpu.dma_semaphore, #tpu.memory_space<semaphore_mem>>
        %dma_start3A_228 = arith.constant 0 : i32
        %dma_start3A_229 = tpu.memref_slice %arg3[%add3A_21, %dma_start3A_228] : memref<12544x128xi32, #tpu.memory_space<hbm>> -> memref<8x128xi32, #tpu.memory_space<hbm>>
        %dma_start3A_230 = arith.constant 0 : i32
        %dma_start3A_231 = tpu.memref_slice %arg3[%add3A_21, %dma_start3A_230] : memref<12544x128xi32, #tpu.memory_space<hbm>> -> memref<8x128xi32, #tpu.memory_space<hbm>>
        tpu.enqueue_dma source(%dma_start3A_231 : memref<8x128xi32, #tpu.memory_space<hbm>>) target(%arg10 : memref<8x128xi32, #tpu.memory_space<vmem>>) target_semaphore(%run_scoped3A_227 : memref<!tpu.dma_semaphore, #tpu.memory_space<semaphore_mem>>)
        %dma_wait3A_232 = arith.constant 0 : i32
        %dma_wait3A_233 = tpu.memref_slice %arg3[%add3A_21, %dma_wait3A_232] : memref<12544x128xi32, #tpu.memory_space<hbm>> -> memref<8x128xi32, #tpu.memory_space<hbm>>
        %dma_wait3A_234 = arith.constant 0 : i32
        %dma_wait3A_235 = tpu.memref_slice %arg3[%add3A_21, %dma_wait3A_234] : memref<12544x128xi32, #tpu.memory_space<hbm>> -> memref<8x128xi32, #tpu.memory_space<hbm>>
        tpu.wait_dma2 semaphore(%run_scoped3A_227 : memref<!tpu.dma_semaphore, #tpu.memory_space<semaphore_mem>>) src(%dma_wait3A_235 : memref<8x128xi32, #tpu.memory_space<hbm>>) dst(%arg10 : memref<8x128xi32, #tpu.memory_space<vmem>>)
        tpu.yield
      }) : () -> ()
      %dma_start3A = arith.constant 0 : i32
      %dma_start3A_22 = arith.constant 0 : i32
      %dma_start3A_23 = arith.constant 0 : i32
      %dma_start3A_24 = arith.constant 0 : i32
      %dma_start3A_25 = tpu.memref_slice %arg11[%dma_start3A_22, %dma_start3A_23, %dma_start3A_24] : memref<8x128x16xf32, #tpu.memory_space<vmem>> -> memref<1x128x16xf32, #tpu.memory_space<vmem>>
      %dma_start3A_26 = tpu.memref_squeeze %dma_start3A_25 : memref<1x128x16xf32, #tpu.memory_space<vmem>> -> memref<128x16xf32, #tpu.memory_space<vmem>>
      %dma_start3A_27 = arith.constant 0 : i32
      %dma_start3A_28 = tpu.memref_slice %arg9[%dma_start3A, %dma_start3A_27] : memref<8x128xi32, #tpu.memory_space<vmem>> -> memref<1x128xi32, #tpu.memory_space<vmem>>
      %dma_start3A_29 = tpu.memref_squeeze %dma_start3A_28 : memref<1x128xi32, #tpu.memory_space<vmem>> -> memref<128xi32, #tpu.memory_space<vmem>>
      %dma_start3A_30 = arith.constant 0 : i32
      %dma_start3A_31 = arith.constant 0 : i32
      %dma_start3A_32 = tpu.memref_slice %arg4[%dma_start3A_30, %dma_start3A_31] : memref<100352x16xf32, #tpu.memory_space<hbm>> -> memref<100352x16xf32, #tpu.memory_space<hbm>>
      tpu.enqueue_indirect_dma source(%dma_start3A_32 : memref<100352x16xf32, #tpu.memory_space<hbm>>) target(%dma_start3A_26 : memref<128x16xf32, #tpu.memory_space<vmem>>) offsets(%dma_start3A_29 : memref<128xi32, #tpu.memory_space<vmem>>) semaphore(%arg12 : memref<!tpu.dma_semaphore, #tpu.memory_space<semaphore_mem>>)
      %dma_start3A_33 = arith.constant 1 : i32
      %dma_start3A_34 = arith.constant 1 : i32
      %dma_start3A_35 = arith.constant 0 : i32
      %dma_start3A_36 = arith.constant 0 : i32
      %dma_start3A_37 = tpu.memref_slice %arg11[%dma_start3A_34, %dma_start3A_35, %dma_start3A_36] : memref<8x128x16xf32, #tpu.memory_space<vmem>> -> memref<1x128x16xf32, #tpu.memory_space<vmem>>
      %dma_start3A_38 = tpu.memref_squeeze %dma_start3A_37 : memref<1x128x16xf32, #tpu.memory_space<vmem>> -> memref<128x16xf32, #tpu.memory_space<vmem>>
      %dma_start3A_39 = arith.constant 0 : i32
      %dma_start3A_40 = tpu.memref_slice %arg9[%dma_start3A_33, %dma_start3A_39] : memref<8x128xi32, #tpu.memory_space<vmem>> -> memref<1x128xi32, #tpu.memory_space<vmem>>
      %dma_start3A_41 = tpu.memref_squeeze %dma_start3A_40 : memref<1x128xi32, #tpu.memory_space<vmem>> -> memref<128xi32, #tpu.memory_space<vmem>>
      %dma_start3A_42 = arith.constant 0 : i32
      %dma_start3A_43 = arith.constant 0 : i32
      %dma_start3A_44 = tpu.memref_slice %arg4[%dma_start3A_42, %dma_start3A_43] : memref<100352x16xf32, #tpu.memory_space<hbm>> -> memref<100352x16xf32, #tpu.memory_space<hbm>>
      tpu.enqueue_indirect_dma source(%dma_start3A_44 : memref<100352x16xf32, #tpu.memory_space<hbm>>) target(%dma_start3A_38 : memref<128x16xf32, #tpu.memory_space<vmem>>) offsets(%dma_start3A_41 : memref<128xi32, #tpu.memory_space<vmem>>) semaphore(%arg12 : memref<!tpu.dma_semaphore, #tpu.memory_space<semaphore_mem>>)
      %dma_start3A_45 = arith.constant 2 : i32
      %dma_start3A_46 = arith.constant 2 : i32
      %dma_start3A_47 = arith.constant 0 : i32
      %dma_start3A_48 = arith.constant 0 : i32
      %dma_start3A_49 = tpu.memref_slice %arg11[%dma_start3A_46, %dma_start3A_47, %dma_start3A_48] : memref<8x128x16xf32, #tpu.memory_space<vmem>> -> memref<1x128x16xf32, #tpu.memory_space<vmem>>
      %dma_start3A_50 = tpu.memref_squeeze %dma_start3A_49 : memref<1x128x16xf32, #tpu.memory_space<vmem>> -> memref<128x16xf32, #tpu.memory_space<vmem>>
      %dma_start3A_51 = arith.constant 0 : i32
      %dma_start3A_52 = tpu.memref_slice %arg9[%dma_start3A_45, %dma_start3A_51] : memref<8x128xi32, #tpu.memory_space<vmem>> -> memref<1x128xi32, #tpu.memory_space<vmem>>
      %dma_start3A_53 = tpu.memref_squeeze %dma_start3A_52 : memref<1x128xi32, #tpu.memory_space<vmem>> -> memref<128xi32, #tpu.memory_space<vmem>>
      %dma_start3A_54 = arith.constant 0 : i32
      %dma_start3A_55 = arith.constant 0 : i32
      %dma_start3A_56 = tpu.memref_slice %arg4[%dma_start3A_54, %dma_start3A_55] : memref<100352x16xf32, #tpu.memory_space<hbm>> -> memref<100352x16xf32, #tpu.memory_space<hbm>>
      tpu.enqueue_indirect_dma source(%dma_start3A_56 : memref<100352x16xf32, #tpu.memory_space<hbm>>) target(%dma_start3A_50 : memref<128x16xf32, #tpu.memory_space<vmem>>) offsets(%dma_start3A_53 : memref<128xi32, #tpu.memory_space<vmem>>) semaphore(%arg12 : memref<!tpu.dma_semaphore, #tpu.memory_space<semaphore_mem>>)
      %dma_start3A_57 = arith.constant 3 : i32
      %dma_start3A_58 = arith.constant 3 : i32
      %dma_start3A_59 = arith.constant 0 : i32
      %dma_start3A_60 = arith.constant 0 : i32
      %dma_start3A_61 = tpu.memref_slice %arg11[%dma_start3A_58, %dma_start3A_59, %dma_start3A_60] : memref<8x128x16xf32, #tpu.memory_space<vmem>> -> memref<1x128x16xf32, #tpu.memory_space<vmem>>
      %dma_start3A_62 = tpu.memref_squeeze %dma_start3A_61 : memref<1x128x16xf32, #tpu.memory_space<vmem>> -> memref<128x16xf32, #tpu.memory_space<vmem>>
      %dma_start3A_63 = arith.constant 0 : i32
      %dma_start3A_64 = tpu.memref_slice %arg9[%dma_start3A_57, %dma_start3A_63] : memref<8x128xi32, #tpu.memory_space<vmem>> -> memref<1x128xi32, #tpu.memory_space<vmem>>
      %dma_start3A_65 = tpu.memref_squeeze %dma_start3A_64 : memref<1x128xi32, #tpu.memory_space<vmem>> -> memref<128xi32, #tpu.memory_space<vmem>>
      %dma_start3A_66 = arith.constant 0 : i32
      %dma_start3A_67 = arith.constant 0 : i32
      %dma_start3A_68 = tpu.memref_slice %arg4[%dma_start3A_66, %dma_start3A_67] : memref<100352x16xf32, #tpu.memory_space<hbm>> -> memref<100352x16xf32, #tpu.memory_space<hbm>>
      tpu.enqueue_indirect_dma source(%dma_start3A_68 : memref<100352x16xf32, #tpu.memory_space<hbm>>) target(%dma_start3A_62 : memref<128x16xf32, #tpu.memory_space<vmem>>) offsets(%dma_start3A_65 : memref<128xi32, #tpu.memory_space<vmem>>) semaphore(%arg12 : memref<!tpu.dma_semaphore, #tpu.memory_space<semaphore_mem>>)
      %dma_start3A_69 = arith.constant 4 : i32
      %dma_start3A_70 = arith.constant 4 : i32
      %dma_start3A_71 = arith.constant 0 : i32
      %dma_start3A_72 = arith.constant 0 : i32
      %dma_start3A_73 = tpu.memref_slice %arg11[%dma_start3A_70, %dma_start3A_71, %dma_start3A_72] : memref<8x128x16xf32, #tpu.memory_space<vmem>> -> memref<1x128x16xf32, #tpu.memory_space<vmem>>
      %dma_start3A_74 = tpu.memref_squeeze %dma_start3A_73 : memref<1x128x16xf32, #tpu.memory_space<vmem>> -> memref<128x16xf32, #tpu.memory_space<vmem>>
      %dma_start3A_75 = arith.constant 0 : i32
      %dma_start3A_76 = tpu.memref_slice %arg9[%dma_start3A_69, %dma_start3A_75] : memref<8x128xi32, #tpu.memory_space<vmem>> -> memref<1x128xi32, #tpu.memory_space<vmem>>
      %dma_start3A_77 = tpu.memref_squeeze %dma_start3A_76 : memref<1x128xi32, #tpu.memory_space<vmem>> -> memref<128xi32, #tpu.memory_space<vmem>>
      %dma_start3A_78 = arith.constant 0 : i32
      %dma_start3A_79 = arith.constant 0 : i32
      %dma_start3A_80 = tpu.memref_slice %arg4[%dma_start3A_78, %dma_start3A_79] : memref<100352x16xf32, #tpu.memory_space<hbm>> -> memref<100352x16xf32, #tpu.memory_space<hbm>>
      tpu.enqueue_indirect_dma source(%dma_start3A_80 : memref<100352x16xf32, #tpu.memory_space<hbm>>) target(%dma_start3A_74 : memref<128x16xf32, #tpu.memory_space<vmem>>) offsets(%dma_start3A_77 : memref<128xi32, #tpu.memory_space<vmem>>) semaphore(%arg12 : memref<!tpu.dma_semaphore, #tpu.memory_space<semaphore_mem>>)
      %dma_start3A_81 = arith.constant 5 : i32
      %dma_start3A_82 = arith.constant 5 : i32
      %dma_start3A_83 = arith.constant 0 : i32
      %dma_start3A_84 = arith.constant 0 : i32
      %dma_start3A_85 = tpu.memref_slice %arg11[%dma_start3A_82, %dma_start3A_83, %dma_start3A_84] : memref<8x128x16xf32, #tpu.memory_space<vmem>> -> memref<1x128x16xf32, #tpu.memory_space<vmem>>
      %dma_start3A_86 = tpu.memref_squeeze %dma_start3A_85 : memref<1x128x16xf32, #tpu.memory_space<vmem>> -> memref<128x16xf32, #tpu.memory_space<vmem>>
      %dma_start3A_87 = arith.constant 0 : i32
      %dma_start3A_88 = tpu.memref_slice %arg9[%dma_start3A_81, %dma_start3A_87] : memref<8x128xi32, #tpu.memory_space<vmem>> -> memref<1x128xi32, #tpu.memory_space<vmem>>
      %dma_start3A_89 = tpu.memref_squeeze %dma_start3A_88 : memref<1x128xi32, #tpu.memory_space<vmem>> -> memref<128xi32, #tpu.memory_space<vmem>>
      %dma_start3A_90 = arith.constant 0 : i32
      %dma_start3A_91 = arith.constant 0 : i32
      %dma_start3A_92 = tpu.memref_slice %arg4[%dma_start3A_90, %dma_start3A_91] : memref<100352x16xf32, #tpu.memory_space<hbm>> -> memref<100352x16xf32, #tpu.memory_space<hbm>>
      tpu.enqueue_indirect_dma source(%dma_start3A_92 : memref<100352x16xf32, #tpu.memory_space<hbm>>) target(%dma_start3A_86 : memref<128x16xf32, #tpu.memory_space<vmem>>) offsets(%dma_start3A_89 : memref<128xi32, #tpu.memory_space<vmem>>) semaphore(%arg12 : memref<!tpu.dma_semaphore, #tpu.memory_space<semaphore_mem>>)
      %dma_start3A_93 = arith.constant 6 : i32
      %dma_start3A_94 = arith.constant 6 : i32
      %dma_start3A_95 = arith.constant 0 : i32
      %dma_start3A_96 = arith.constant 0 : i32
      %dma_start3A_97 = tpu.memref_slice %arg11[%dma_start3A_94, %dma_start3A_95, %dma_start3A_96] : memref<8x128x16xf32, #tpu.memory_space<vmem>> -> memref<1x128x16xf32, #tpu.memory_space<vmem>>
      %dma_start3A_98 = tpu.memref_squeeze %dma_start3A_97 : memref<1x128x16xf32, #tpu.memory_space<vmem>> -> memref<128x16xf32, #tpu.memory_space<vmem>>
      %dma_start3A_99 = arith.constant 0 : i32
      %dma_start3A_100 = tpu.memref_slice %arg9[%dma_start3A_93, %dma_start3A_99] : memref<8x128xi32, #tpu.memory_space<vmem>> -> memref<1x128xi32, #tpu.memory_space<vmem>>
      %dma_start3A_101 = tpu.memref_squeeze %dma_start3A_100 : memref<1x128xi32, #tpu.memory_space<vmem>> -> memref<128xi32, #tpu.memory_space<vmem>>
      %dma_start3A_102 = arith.constant 0 : i32
      %dma_start3A_103 = arith.constant 0 : i32
      %dma_start3A_104 = tpu.memref_slice %arg4[%dma_start3A_102, %dma_start3A_103] : memref<100352x16xf32, #tpu.memory_space<hbm>> -> memref<100352x16xf32, #tpu.memory_space<hbm>>
      tpu.enqueue_indirect_dma source(%dma_start3A_104 : memref<100352x16xf32, #tpu.memory_space<hbm>>) target(%dma_start3A_98 : memref<128x16xf32, #tpu.memory_space<vmem>>) offsets(%dma_start3A_101 : memref<128xi32, #tpu.memory_space<vmem>>) semaphore(%arg12 : memref<!tpu.dma_semaphore, #tpu.memory_space<semaphore_mem>>)
      %dma_start3A_105 = arith.constant 7 : i32
      %dma_start3A_106 = arith.constant 7 : i32
      %dma_start3A_107 = arith.constant 0 : i32
      %dma_start3A_108 = arith.constant 0 : i32
      %dma_start3A_109 = tpu.memref_slice %arg11[%dma_start3A_106, %dma_start3A_107, %dma_start3A_108] : memref<8x128x16xf32, #tpu.memory_space<vmem>> -> memref<1x128x16xf32, #tpu.memory_space<vmem>>
      %dma_start3A_110 = tpu.memref_squeeze %dma_start3A_109 : memref<1x128x16xf32, #tpu.memory_space<vmem>> -> memref<128x16xf32, #tpu.memory_space<vmem>>
      %dma_start3A_111 = arith.constant 0 : i32
      %dma_start3A_112 = tpu.memref_slice %arg9[%dma_start3A_105, %dma_start3A_111] : memref<8x128xi32, #tpu.memory_space<vmem>> -> memref<1x128xi32, #tpu.memory_space<vmem>>
      %dma_start3A_113 = tpu.memref_squeeze %dma_start3A_112 : memref<1x128xi32, #tpu.memory_space<vmem>> -> memref<128xi32, #tpu.memory_space<vmem>>
      %dma_start3A_114 = arith.constant 0 : i32
      %dma_start3A_115 = arith.constant 0 : i32
      %dma_start3A_116 = tpu.memref_slice %arg4[%dma_start3A_114, %dma_start3A_115] : memref<100352x16xf32, #tpu.memory_space<hbm>> -> memref<100352x16xf32, #tpu.memory_space<hbm>>
      tpu.enqueue_indirect_dma source(%dma_start3A_116 : memref<100352x16xf32, #tpu.memory_space<hbm>>) target(%dma_start3A_110 : memref<128x16xf32, #tpu.memory_space<vmem>>) offsets(%dma_start3A_113 : memref<128xi32, #tpu.memory_space<vmem>>) semaphore(%arg12 : memref<!tpu.dma_semaphore, #tpu.memory_space<semaphore_mem>>)
      %dma_wait3A = arith.constant 0 : i32
      %dma_wait3A_117 = arith.constant 0 : i32
      %dma_wait3A_118 = arith.constant 0 : i32
      %dma_wait3A_119 = arith.constant 0 : i32
      %dma_wait3A_120 = tpu.memref_slice %arg11[%dma_wait3A_117, %dma_wait3A_118, %dma_wait3A_119] : memref<8x128x16xf32, #tpu.memory_space<vmem>> -> memref<1x128x16xf32, #tpu.memory_space<vmem>>
      %dma_wait3A_121 = tpu.memref_squeeze %dma_wait3A_120 : memref<1x128x16xf32, #tpu.memory_space<vmem>> -> memref<128x16xf32, #tpu.memory_space<vmem>>
      %dma_wait3A_122 = arith.constant 0 : i32
      %dma_wait3A_123 = tpu.memref_slice %arg9[%dma_wait3A, %dma_wait3A_122] : memref<8x128xi32, #tpu.memory_space<vmem>> -> memref<1x128xi32, #tpu.memory_space<vmem>>
      %dma_wait3A_124 = tpu.memref_squeeze %dma_wait3A_123 : memref<1x128xi32, #tpu.memory_space<vmem>> -> memref<128xi32, #tpu.memory_space<vmem>>
      %dma_wait3A_125 = arith.constant 0 : i32
      %dma_wait3A_126 = arith.constant 0 : i32
      %dma_wait3A_127 = tpu.memref_slice %arg4[%dma_wait3A_125, %dma_wait3A_126] : memref<100352x16xf32, #tpu.memory_space<hbm>> -> memref<100352x16xf32, #tpu.memory_space<hbm>>
      tpu.wait_indirect_dma semaphore(%arg12 : memref<!tpu.dma_semaphore, #tpu.memory_space<semaphore_mem>>) src(%dma_wait3A_127 : memref<100352x16xf32, #tpu.memory_space<hbm>>) dst(%dma_wait3A_121 : memref<128x16xf32, #tpu.memory_space<vmem>>)
      %dma_wait3A_128 = arith.constant 1 : i32
      %dma_wait3A_129 = arith.constant 1 : i32
      %dma_wait3A_130 = arith.constant 0 : i32
      %dma_wait3A_131 = arith.constant 0 : i32
      %dma_wait3A_132 = tpu.memref_slice %arg11[%dma_wait3A_129, %dma_wait3A_130, %dma_wait3A_131] : memref<8x128x16xf32, #tpu.memory_space<vmem>> -> memref<1x128x16xf32, #tpu.memory_space<vmem>>
      %dma_wait3A_133 = tpu.memref_squeeze %dma_wait3A_132 : memref<1x128x16xf32, #tpu.memory_space<vmem>> -> memref<128x16xf32, #tpu.memory_space<vmem>>
      %dma_wait3A_134 = arith.constant 0 : i32
      %dma_wait3A_135 = tpu.memref_slice %arg9[%dma_wait3A_128, %dma_wait3A_134] : memref<8x128xi32, #tpu.memory_space<vmem>> -> memref<1x128xi32, #tpu.memory_space<vmem>>
      %dma_wait3A_136 = tpu.memref_squeeze %dma_wait3A_135 : memref<1x128xi32, #tpu.memory_space<vmem>> -> memref<128xi32, #tpu.memory_space<vmem>>
      %dma_wait3A_137 = arith.constant 0 : i32
      %dma_wait3A_138 = arith.constant 0 : i32
      %dma_wait3A_139 = tpu.memref_slice %arg4[%dma_wait3A_137, %dma_wait3A_138] : memref<100352x16xf32, #tpu.memory_space<hbm>> -> memref<100352x16xf32, #tpu.memory_space<hbm>>
      tpu.wait_indirect_dma semaphore(%arg12 : memref<!tpu.dma_semaphore, #tpu.memory_space<semaphore_mem>>) src(%dma_wait3A_139 : memref<100352x16xf32, #tpu.memory_space<hbm>>) dst(%dma_wait3A_133 : memref<128x16xf32, #tpu.memory_space<vmem>>)
      %dma_wait3A_140 = arith.constant 2 : i32
      %dma_wait3A_141 = arith.constant 2 : i32
      %dma_wait3A_142 = arith.constant 0 : i32
      %dma_wait3A_143 = arith.constant 0 : i32
      %dma_wait3A_144 = tpu.memref_slice %arg11[%dma_wait3A_141, %dma_wait3A_142, %dma_wait3A_143] : memref<8x128x16xf32, #tpu.memory_space<vmem>> -> memref<1x128x16xf32, #tpu.memory_space<vmem>>
      %dma_wait3A_145 = tpu.memref_squeeze %dma_wait3A_144 : memref<1x128x16xf32, #tpu.memory_space<vmem>> -> memref<128x16xf32, #tpu.memory_space<vmem>>
      %dma_wait3A_146 = arith.constant 0 : i32
      %dma_wait3A_147 = tpu.memref_slice %arg9[%dma_wait3A_140, %dma_wait3A_146] : memref<8x128xi32, #tpu.memory_space<vmem>> -> memref<1x128xi32, #tpu.memory_space<vmem>>
      %dma_wait3A_148 = tpu.memref_squeeze %dma_wait3A_147 : memref<1x128xi32, #tpu.memory_space<vmem>> -> memref<128xi32, #tpu.memory_space<vmem>>
      %dma_wait3A_149 = arith.constant 0 : i32
      %dma_wait3A_150 = arith.constant 0 : i32
      %dma_wait3A_151 = tpu.memref_slice %arg4[%dma_wait3A_149, %dma_wait3A_150] : memref<100352x16xf32, #tpu.memory_space<hbm>> -> memref<100352x16xf32, #tpu.memory_space<hbm>>
      tpu.wait_indirect_dma semaphore(%arg12 : memref<!tpu.dma_semaphore, #tpu.memory_space<semaphore_mem>>) src(%dma_wait3A_151 : memref<100352x16xf32, #tpu.memory_space<hbm>>) dst(%dma_wait3A_145 : memref<128x16xf32, #tpu.memory_space<vmem>>)
      %dma_wait3A_152 = arith.constant 3 : i32
      %dma_wait3A_153 = arith.constant 3 : i32
      %dma_wait3A_154 = arith.constant 0 : i32
      %dma_wait3A_155 = arith.constant 0 : i32
      %dma_wait3A_156 = tpu.memref_slice %arg11[%dma_wait3A_153, %dma_wait3A_154, %dma_wait3A_155] : memref<8x128x16xf32, #tpu.memory_space<vmem>> -> memref<1x128x16xf32, #tpu.memory_space<vmem>>
      %dma_wait3A_157 = tpu.memref_squeeze %dma_wait3A_156 : memref<1x128x16xf32, #tpu.memory_space<vmem>> -> memref<128x16xf32, #tpu.memory_space<vmem>>
      %dma_wait3A_158 = arith.constant 0 : i32
      %dma_wait3A_159 = tpu.memref_slice %arg9[%dma_wait3A_152, %dma_wait3A_158] : memref<8x128xi32, #tpu.memory_space<vmem>> -> memref<1x128xi32, #tpu.memory_space<vmem>>
      %dma_wait3A_160 = tpu.memref_squeeze %dma_wait3A_159 : memref<1x128xi32, #tpu.memory_space<vmem>> -> memref<128xi32, #tpu.memory_space<vmem>>
      %dma_wait3A_161 = arith.constant 0 : i32
      %dma_wait3A_162 = arith.constant 0 : i32
      %dma_wait3A_163 = tpu.memref_slice %arg4[%dma_wait3A_161, %dma_wait3A_162] : memref<100352x16xf32, #tpu.memory_space<hbm>> -> memref<100352x16xf32, #tpu.memory_space<hbm>>
      tpu.wait_indirect_dma semaphore(%arg12 : memref<!tpu.dma_semaphore, #tpu.memory_space<semaphore_mem>>) src(%dma_wait3A_163 : memref<100352x16xf32, #tpu.memory_space<hbm>>) dst(%dma_wait3A_157 : memref<128x16xf32, #tpu.memory_space<vmem>>)
      %dma_wait3A_164 = arith.constant 4 : i32
      %dma_wait3A_165 = arith.constant 4 : i32
      %dma_wait3A_166 = arith.constant 0 : i32
      %dma_wait3A_167 = arith.constant 0 : i32
      %dma_wait3A_168 = tpu.memref_slice %arg11[%dma_wait3A_165, %dma_wait3A_166, %dma_wait3A_167] : memref<8x128x16xf32, #tpu.memory_space<vmem>> -> memref<1x128x16xf32, #tpu.memory_space<vmem>>
      %dma_wait3A_169 = tpu.memref_squeeze %dma_wait3A_168 : memref<1x128x16xf32, #tpu.memory_space<vmem>> -> memref<128x16xf32, #tpu.memory_space<vmem>>
      %dma_wait3A_170 = arith.constant 0 : i32
      %dma_wait3A_171 = tpu.memref_slice %arg9[%dma_wait3A_164, %dma_wait3A_170] : memref<8x128xi32, #tpu.memory_space<vmem>> -> memref<1x128xi32, #tpu.memory_space<vmem>>
      %dma_wait3A_172 = tpu.memref_squeeze %dma_wait3A_171 : memref<1x128xi32, #tpu.memory_space<vmem>> -> memref<128xi32, #tpu.memory_space<vmem>>
      %dma_wait3A_173 = arith.constant 0 : i32
      %dma_wait3A_174 = arith.constant 0 : i32
      %dma_wait3A_175 = tpu.memref_slice %arg4[%dma_wait3A_173, %dma_wait3A_174] : memref<100352x16xf32, #tpu.memory_space<hbm>> -> memref<100352x16xf32, #tpu.memory_space<hbm>>
      tpu.wait_indirect_dma semaphore(%arg12 : memref<!tpu.dma_semaphore, #tpu.memory_space<semaphore_mem>>) src(%dma_wait3A_175 : memref<100352x16xf32, #tpu.memory_space<hbm>>) dst(%dma_wait3A_169 : memref<128x16xf32, #tpu.memory_space<vmem>>)
      %dma_wait3A_176 = arith.constant 5 : i32
      %dma_wait3A_177 = arith.constant 5 : i32
      %dma_wait3A_178 = arith.constant 0 : i32
      %dma_wait3A_179 = arith.constant 0 : i32
      %dma_wait3A_180 = tpu.memref_slice %arg11[%dma_wait3A_177, %dma_wait3A_178, %dma_wait3A_179] : memref<8x128x16xf32, #tpu.memory_space<vmem>> -> memref<1x128x16xf32, #tpu.memory_space<vmem>>
      %dma_wait3A_181 = tpu.memref_squeeze %dma_wait3A_180 : memref<1x128x16xf32, #tpu.memory_space<vmem>> -> memref<128x16xf32, #tpu.memory_space<vmem>>
      %dma_wait3A_182 = arith.constant 0 : i32
      %dma_wait3A_183 = tpu.memref_slice %arg9[%dma_wait3A_176, %dma_wait3A_182] : memref<8x128xi32, #tpu.memory_space<vmem>> -> memref<1x128xi32, #tpu.memory_space<vmem>>
      %dma_wait3A_184 = tpu.memref_squeeze %dma_wait3A_183 : memref<1x128xi32, #tpu.memory_space<vmem>> -> memref<128xi32, #tpu.memory_space<vmem>>
      %dma_wait3A_185 = arith.constant 0 : i32
      %dma_wait3A_186 = arith.constant 0 : i32
      %dma_wait3A_187 = tpu.memref_slice %arg4[%dma_wait3A_185, %dma_wait3A_186] : memref<100352x16xf32, #tpu.memory_space<hbm>> -> memref<100352x16xf32, #tpu.memory_space<hbm>>
      tpu.wait_indirect_dma semaphore(%arg12 : memref<!tpu.dma_semaphore, #tpu.memory_space<semaphore_mem>>) src(%dma_wait3A_187 : memref<100352x16xf32, #tpu.memory_space<hbm>>) dst(%dma_wait3A_181 : memref<128x16xf32, #tpu.memory_space<vmem>>)
      %dma_wait3A_188 = arith.constant 6 : i32
      %dma_wait3A_189 = arith.constant 6 : i32
      %dma_wait3A_190 = arith.constant 0 : i32
      %dma_wait3A_191 = arith.constant 0 : i32
      %dma_wait3A_192 = tpu.memref_slice %arg11[%dma_wait3A_189, %dma_wait3A_190, %dma_wait3A_191] : memref<8x128x16xf32, #tpu.memory_space<vmem>> -> memref<1x128x16xf32, #tpu.memory_space<vmem>>
      %dma_wait3A_193 = tpu.memref_squeeze %dma_wait3A_192 : memref<1x128x16xf32, #tpu.memory_space<vmem>> -> memref<128x16xf32, #tpu.memory_space<vmem>>
      %dma_wait3A_194 = arith.constant 0 : i32
      %dma_wait3A_195 = tpu.memref_slice %arg9[%dma_wait3A_188, %dma_wait3A_194] : memref<8x128xi32, #tpu.memory_space<vmem>> -> memref<1x128xi32, #tpu.memory_space<vmem>>
      %dma_wait3A_196 = tpu.memref_squeeze %dma_wait3A_195 : memref<1x128xi32, #tpu.memory_space<vmem>> -> memref<128xi32, #tpu.memory_space<vmem>>
      %dma_wait3A_197 = arith.constant 0 : i32
      %dma_wait3A_198 = arith.constant 0 : i32
      %dma_wait3A_199 = tpu.memref_slice %arg4[%dma_wait3A_197, %dma_wait3A_198] : memref<100352x16xf32, #tpu.memory_space<hbm>> -> memref<100352x16xf32, #tpu.memory_space<hbm>>
      tpu.wait_indirect_dma semaphore(%arg12 : memref<!tpu.dma_semaphore, #tpu.memory_space<semaphore_mem>>) src(%dma_wait3A_199 : memref<100352x16xf32, #tpu.memory_space<hbm>>) dst(%dma_wait3A_193 : memref<128x16xf32, #tpu.memory_space<vmem>>)
      %dma_wait3A_200 = arith.constant 7 : i32
      %dma_wait3A_201 = arith.constant 7 : i32
      %dma_wait3A_202 = arith.constant 0 : i32
      %dma_wait3A_203 = arith.constant 0 : i32
      %dma_wait3A_204 = tpu.memref_slice %arg11[%dma_wait3A_201, %dma_wait3A_202, %dma_wait3A_203] : memref<8x128x16xf32, #tpu.memory_space<vmem>> -> memref<1x128x16xf32, #tpu.memory_space<vmem>>
      %dma_wait3A_205 = tpu.memref_squeeze %dma_wait3A_204 : memref<1x128x16xf32, #tpu.memory_space<vmem>> -> memref<128x16xf32, #tpu.memory_space<vmem>>
      %dma_wait3A_206 = arith.constant 0 : i32
      %dma_wait3A_207 = tpu.memref_slice %arg9[%dma_wait3A_200, %dma_wait3A_206] : memref<8x128xi32, #tpu.memory_space<vmem>> -> memref<1x128xi32, #tpu.memory_space<vmem>>
      %dma_wait3A_208 = tpu.memref_squeeze %dma_wait3A_207 : memref<1x128xi32, #tpu.memory_space<vmem>> -> memref<128xi32, #tpu.memory_space<vmem>>
      %dma_wait3A_209 = arith.constant 0 : i32
      %dma_wait3A_210 = arith.constant 0 : i32
      %dma_wait3A_211 = tpu.memref_slice %arg4[%dma_wait3A_209, %dma_wait3A_210] : memref<100352x16xf32, #tpu.memory_space<hbm>> -> memref<100352x16xf32, #tpu.memory_space<hbm>>
      tpu.wait_indirect_dma semaphore(%arg12 : memref<!tpu.dma_semaphore, #tpu.memory_space<semaphore_mem>>) src(%dma_wait3A_211 : memref<100352x16xf32, #tpu.memory_space<hbm>>) dst(%dma_wait3A_205 : memref<128x16xf32, #tpu.memory_space<vmem>>)
      %run_scoped3A = arith.constant 0 : i32
      %run_scoped3A_212 = arith.constant 0 : i32
      "tpu.region"() ({
        %run_scoped3A_227 = tpu.sem_alloc : memref<!tpu.dma_semaphore, #tpu.memory_space<semaphore_mem>>
        %dma_start3A_228 = arith.constant 0 : i32
        %dma_start3A_229 = arith.constant 0 : i32
        %dma_start3A_230 = tpu.memref_slice %arg11[%run_scoped3A, %dma_start3A_228, %dma_start3A_229] : memref<8x128x16xf32, #tpu.memory_space<vmem>> -> memref<1x128x16xf32, #tpu.memory_space<vmem>>
        %dma_start3A_231 = tpu.memref_squeeze %dma_start3A_230 : memref<1x128x16xf32, #tpu.memory_space<vmem>> -> memref<128x16xf32, #tpu.memory_space<vmem>>
        %dma_start3A_232 = arith.constant 0 : i32
        %dma_start3A_233 = tpu.memref_slice %arg10[%run_scoped3A_212, %dma_start3A_232] : memref<8x128xi32, #tpu.memory_space<vmem>> -> memref<1x128xi32, #tpu.memory_space<vmem>>
        %dma_start3A_234 = tpu.memref_squeeze %dma_start3A_233 : memref<1x128xi32, #tpu.memory_space<vmem>> -> memref<128xi32, #tpu.memory_space<vmem>>
        %dma_start3A_235 = arith.constant 0 : i32
        %dma_start3A_236 = arith.constant 0 : i32
        %dma_start3A_237 = tpu.memref_slice %arg8[%dma_start3A_235, %dma_start3A_236] : memref<100352x16xf32, #tpu.memory_space<vmem_shared>> -> memref<100352x16xf32, #tpu.memory_space<vmem_shared>>
        tpu.enqueue_indirect_dma source(%dma_start3A_231 : memref<128x16xf32, #tpu.memory_space<vmem>>) target(%dma_start3A_237 : memref<100352x16xf32, #tpu.memory_space<vmem_shared>>) offsets(%dma_start3A_234 : memref<128xi32, #tpu.memory_space<vmem>>) semaphore(%run_scoped3A_227 : memref<!tpu.dma_semaphore, #tpu.memory_space<semaphore_mem>>) {add = true}
        %dma_wait3A_238 = arith.constant 0 : i32
        %dma_wait3A_239 = arith.constant 0 : i32
        %dma_wait3A_240 = tpu.memref_slice %arg11[%run_scoped3A, %dma_wait3A_238, %dma_wait3A_239] : memref<8x128x16xf32, #tpu.memory_space<vmem>> -> memref<1x128x16xf32, #tpu.memory_space<vmem>>
        %dma_wait3A_241 = tpu.memref_squeeze %dma_wait3A_240 : memref<1x128x16xf32, #tpu.memory_space<vmem>> -> memref<128x16xf32, #tpu.memory_space<vmem>>
        %dma_wait3A_242 = arith.constant 0 : i32
        %dma_wait3A_243 = tpu.memref_slice %arg10[%run_scoped3A_212, %dma_wait3A_242] : memref<8x128xi32, #tpu.memory_space<vmem>> -> memref<1x128xi32, #tpu.memory_space<vmem>>
        %dma_wait3A_244 = tpu.memref_squeeze %dma_wait3A_243 : memref<1x128xi32, #tpu.memory_space<vmem>> -> memref<128xi32, #tpu.memory_space<vmem>>
        %dma_wait3A_245 = arith.constant 0 : i32
        %dma_wait3A_246 = arith.constant 0 : i32
        %dma_wait3A_247 = tpu.memref_slice %arg8[%dma_wait3A_245, %dma_wait3A_246] : memref<100352x16xf32, #tpu.memory_space<vmem_shared>> -> memref<100352x16xf32, #tpu.memory_space<vmem_shared>>
        tpu.wait_indirect_dma semaphore(%run_scoped3A_227 : memref<!tpu.dma_semaphore, #tpu.memory_space<semaphore_mem>>) src(%dma_wait3A_241 : memref<128x16xf32, #tpu.memory_space<vmem>>) dst(%dma_wait3A_247 : memref<100352x16xf32, #tpu.memory_space<vmem_shared>>)
        tpu.yield
      }) : () -> ()
      %run_scoped3A_213 = arith.constant 1 : i32
      %run_scoped3A_214 = arith.constant 1 : i32
      "tpu.region"() ({
        %run_scoped3A_227 = tpu.sem_alloc : memref<!tpu.dma_semaphore, #tpu.memory_space<semaphore_mem>>
        %dma_start3A_228 = arith.constant 0 : i32
        %dma_start3A_229 = arith.constant 0 : i32
        %dma_start3A_230 = tpu.memref_slice %arg11[%run_scoped3A_213, %dma_start3A_228, %dma_start3A_229] : memref<8x128x16xf32, #tpu.memory_space<vmem>> -> memref<1x128x16xf32, #tpu.memory_space<vmem>>
        %dma_start3A_231 = tpu.memref_squeeze %dma_start3A_230 : memref<1x128x16xf32, #tpu.memory_space<vmem>> -> memref<128x16xf32, #tpu.memory_space<vmem>>
        %dma_start3A_232 = arith.constant 0 : i32
        %dma_start3A_233 = tpu.memref_slice %arg10[%run_scoped3A_214, %dma_start3A_232] : memref<8x128xi32, #tpu.memory_space<vmem>> -> memref<1x128xi32, #tpu.memory_space<vmem>>
        %dma_start3A_234 = tpu.memref_squeeze %dma_start3A_233 : memref<1x128xi32, #tpu.memory_space<vmem>> -> memref<128xi32, #tpu.memory_space<vmem>>
        %dma_start3A_235 = arith.constant 0 : i32
        %dma_start3A_236 = arith.constant 0 : i32
        %dma_start3A_237 = tpu.memref_slice %arg8[%dma_start3A_235, %dma_start3A_236] : memref<100352x16xf32, #tpu.memory_space<vmem_shared>> -> memref<100352x16xf32, #tpu.memory_space<vmem_shared>>
        tpu.enqueue_indirect_dma source(%dma_start3A_231 : memref<128x16xf32, #tpu.memory_space<vmem>>) target(%dma_start3A_237 : memref<100352x16xf32, #tpu.memory_space<vmem_shared>>) offsets(%dma_start3A_234 : memref<128xi32, #tpu.memory_space<vmem>>) semaphore(%run_scoped3A_227 : memref<!tpu.dma_semaphore, #tpu.memory_space<semaphore_mem>>) {add = true}
        %dma_wait3A_238 = arith.constant 0 : i32
        %dma_wait3A_239 = arith.constant 0 : i32
        %dma_wait3A_240 = tpu.memref_slice %arg11[%run_scoped3A_213, %dma_wait3A_238, %dma_wait3A_239] : memref<8x128x16xf32, #tpu.memory_space<vmem>> -> memref<1x128x16xf32, #tpu.memory_space<vmem>>
        %dma_wait3A_241 = tpu.memref_squeeze %dma_wait3A_240 : memref<1x128x16xf32, #tpu.memory_space<vmem>> -> memref<128x16xf32, #tpu.memory_space<vmem>>
        %dma_wait3A_242 = arith.constant 0 : i32
        %dma_wait3A_243 = tpu.memref_slice %arg10[%run_scoped3A_214, %dma_wait3A_242] : memref<8x128xi32, #tpu.memory_space<vmem>> -> memref<1x128xi32, #tpu.memory_space<vmem>>
        %dma_wait3A_244 = tpu.memref_squeeze %dma_wait3A_243 : memref<1x128xi32, #tpu.memory_space<vmem>> -> memref<128xi32, #tpu.memory_space<vmem>>
        %dma_wait3A_245 = arith.constant 0 : i32
        %dma_wait3A_246 = arith.constant 0 : i32
        %dma_wait3A_247 = tpu.memref_slice %arg8[%dma_wait3A_245, %dma_wait3A_246] : memref<100352x16xf32, #tpu.memory_space<vmem_shared>> -> memref<100352x16xf32, #tpu.memory_space<vmem_shared>>
        tpu.wait_indirect_dma semaphore(%run_scoped3A_227 : memref<!tpu.dma_semaphore, #tpu.memory_space<semaphore_mem>>) src(%dma_wait3A_241 : memref<128x16xf32, #tpu.memory_space<vmem>>) dst(%dma_wait3A_247 : memref<100352x16xf32, #tpu.memory_space<vmem_shared>>)
        tpu.yield
      }) : () -> ()
      %run_scoped3A_215 = arith.constant 2 : i32
      %run_scoped3A_216 = arith.constant 2 : i32
      "tpu.region"() ({
        %run_scoped3A_227 = tpu.sem_alloc : memref<!tpu.dma_semaphore, #tpu.memory_space<semaphore_mem>>
        %dma_start3A_228 = arith.constant 0 : i32
        %dma_start3A_229 = arith.constant 0 : i32
        %dma_start3A_230 = tpu.memref_slice %arg11[%run_scoped3A_215, %dma_start3A_228, %dma_start3A_229] : memref<8x128x16xf32, #tpu.memory_space<vmem>> -> memref<1x128x16xf32, #tpu.memory_space<vmem>>
        %dma_start3A_231 = tpu.memref_squeeze %dma_start3A_230 : memref<1x128x16xf32, #tpu.memory_space<vmem>> -> memref<128x16xf32, #tpu.memory_space<vmem>>
        %dma_start3A_232 = arith.constant 0 : i32
        %dma_start3A_233 = tpu.memref_slice %arg10[%run_scoped3A_216, %dma_start3A_232] : memref<8x128xi32, #tpu.memory_space<vmem>> -> memref<1x128xi32, #tpu.memory_space<vmem>>
        %dma_start3A_234 = tpu.memref_squeeze %dma_start3A_233 : memref<1x128xi32, #tpu.memory_space<vmem>> -> memref<128xi32, #tpu.memory_space<vmem>>
        %dma_start3A_235 = arith.constant 0 : i32
        %dma_start3A_236 = arith.constant 0 : i32
        %dma_start3A_237 = tpu.memref_slice %arg8[%dma_start3A_235, %dma_start3A_236] : memref<100352x16xf32, #tpu.memory_space<vmem_shared>> -> memref<100352x16xf32, #tpu.memory_space<vmem_shared>>
        tpu.enqueue_indirect_dma source(%dma_start3A_231 : memref<128x16xf32, #tpu.memory_space<vmem>>) target(%dma_start3A_237 : memref<100352x16xf32, #tpu.memory_space<vmem_shared>>) offsets(%dma_start3A_234 : memref<128xi32, #tpu.memory_space<vmem>>) semaphore(%run_scoped3A_227 : memref<!tpu.dma_semaphore, #tpu.memory_space<semaphore_mem>>) {add = true}
        %dma_wait3A_238 = arith.constant 0 : i32
        %dma_wait3A_239 = arith.constant 0 : i32
        %dma_wait3A_240 = tpu.memref_slice %arg11[%run_scoped3A_215, %dma_wait3A_238, %dma_wait3A_239] : memref<8x128x16xf32, #tpu.memory_space<vmem>> -> memref<1x128x16xf32, #tpu.memory_space<vmem>>
        %dma_wait3A_241 = tpu.memref_squeeze %dma_wait3A_240 : memref<1x128x16xf32, #tpu.memory_space<vmem>> -> memref<128x16xf32, #tpu.memory_space<vmem>>
        %dma_wait3A_242 = arith.constant 0 : i32
        %dma_wait3A_243 = tpu.memref_slice %arg10[%run_scoped3A_216, %dma_wait3A_242] : memref<8x128xi32, #tpu.memory_space<vmem>> -> memref<1x128xi32, #tpu.memory_space<vmem>>
        %dma_wait3A_244 = tpu.memref_squeeze %dma_wait3A_243 : memref<1x128xi32, #tpu.memory_space<vmem>> -> memref<128xi32, #tpu.memory_space<vmem>>
        %dma_wait3A_245 = arith.constant 0 : i32
        %dma_wait3A_246 = arith.constant 0 : i32
        %dma_wait3A_247 = tpu.memref_slice %arg8[%dma_wait3A_245, %dma_wait3A_246] : memref<100352x16xf32, #tpu.memory_space<vmem_shared>> -> memref<100352x16xf32, #tpu.memory_space<vmem_shared>>
        tpu.wait_indirect_dma semaphore(%run_scoped3A_227 : memref<!tpu.dma_semaphore, #tpu.memory_space<semaphore_mem>>) src(%dma_wait3A_241 : memref<128x16xf32, #tpu.memory_space<vmem>>) dst(%dma_wait3A_247 : memref<100352x16xf32, #tpu.memory_space<vmem_shared>>)
        tpu.yield
      }) : () -> ()
      %run_scoped3A_217 = arith.constant 3 : i32
      %run_scoped3A_218 = arith.constant 3 : i32
      "tpu.region"() ({
        %run_scoped3A_227 = tpu.sem_alloc : memref<!tpu.dma_semaphore, #tpu.memory_space<semaphore_mem>>
        %dma_start3A_228 = arith.constant 0 : i32
        %dma_start3A_229 = arith.constant 0 : i32
        %dma_start3A_230 = tpu.memref_slice %arg11[%run_scoped3A_217, %dma_start3A_228, %dma_start3A_229] : memref<8x128x16xf32, #tpu.memory_space<vmem>> -> memref<1x128x16xf32, #tpu.memory_space<vmem>>
        %dma_start3A_231 = tpu.memref_squeeze %dma_start3A_230 : memref<1x128x16xf32, #tpu.memory_space<vmem>> -> memref<128x16xf32, #tpu.memory_space<vmem>>
        %dma_start3A_232 = arith.constant 0 : i32
        %dma_start3A_233 = tpu.memref_slice %arg10[%run_scoped3A_218, %dma_start3A_232] : memref<8x128xi32, #tpu.memory_space<vmem>> -> memref<1x128xi32, #tpu.memory_space<vmem>>
        %dma_start3A_234 = tpu.memref_squeeze %dma_start3A_233 : memref<1x128xi32, #tpu.memory_space<vmem>> -> memref<128xi32, #tpu.memory_space<vmem>>
        %dma_start3A_235 = arith.constant 0 : i32
        %dma_start3A_236 = arith.constant 0 : i32
        %dma_start3A_237 = tpu.memref_slice %arg8[%dma_start3A_235, %dma_start3A_236] : memref<100352x16xf32, #tpu.memory_space<vmem_shared>> -> memref<100352x16xf32, #tpu.memory_space<vmem_shared>>
        tpu.enqueue_indirect_dma source(%dma_start3A_231 : memref<128x16xf32, #tpu.memory_space<vmem>>) target(%dma_start3A_237 : memref<100352x16xf32, #tpu.memory_space<vmem_shared>>) offsets(%dma_start3A_234 : memref<128xi32, #tpu.memory_space<vmem>>) semaphore(%run_scoped3A_227 : memref<!tpu.dma_semaphore, #tpu.memory_space<semaphore_mem>>) {add = true}
        %dma_wait3A_238 = arith.constant 0 : i32
        %dma_wait3A_239 = arith.constant 0 : i32
        %dma_wait3A_240 = tpu.memref_slice %arg11[%run_scoped3A_217, %dma_wait3A_238, %dma_wait3A_239] : memref<8x128x16xf32, #tpu.memory_space<vmem>> -> memref<1x128x16xf32, #tpu.memory_space<vmem>>
        %dma_wait3A_241 = tpu.memref_squeeze %dma_wait3A_240 : memref<1x128x16xf32, #tpu.memory_space<vmem>> -> memref<128x16xf32, #tpu.memory_space<vmem>>
        %dma_wait3A_242 = arith.constant 0 : i32
        %dma_wait3A_243 = tpu.memref_slice %arg10[%run_scoped3A_218, %dma_wait3A_242] : memref<8x128xi32, #tpu.memory_space<vmem>> -> memref<1x128xi32, #tpu.memory_space<vmem>>
        %dma_wait3A_244 = tpu.memref_squeeze %dma_wait3A_243 : memref<1x128xi32, #tpu.memory_space<vmem>> -> memref<128xi32, #tpu.memory_space<vmem>>
        %dma_wait3A_245 = arith.constant 0 : i32
        %dma_wait3A_246 = arith.constant 0 : i32
        %dma_wait3A_247 = tpu.memref_slice %arg8[%dma_wait3A_245, %dma_wait3A_246] : memref<100352x16xf32, #tpu.memory_space<vmem_shared>> -> memref<100352x16xf32, #tpu.memory_space<vmem_shared>>
        tpu.wait_indirect_dma semaphore(%run_scoped3A_227 : memref<!tpu.dma_semaphore, #tpu.memory_space<semaphore_mem>>) src(%dma_wait3A_241 : memref<128x16xf32, #tpu.memory_space<vmem>>) dst(%dma_wait3A_247 : memref<100352x16xf32, #tpu.memory_space<vmem_shared>>)
        tpu.yield
      }) : () -> ()
      %run_scoped3A_219 = arith.constant 4 : i32
      %run_scoped3A_220 = arith.constant 4 : i32
      "tpu.region"() ({
        %run_scoped3A_227 = tpu.sem_alloc : memref<!tpu.dma_semaphore, #tpu.memory_space<semaphore_mem>>
        %dma_start3A_228 = arith.constant 0 : i32
        %dma_start3A_229 = arith.constant 0 : i32
        %dma_start3A_230 = tpu.memref_slice %arg11[%run_scoped3A_219, %dma_start3A_228, %dma_start3A_229] : memref<8x128x16xf32, #tpu.memory_space<vmem>> -> memref<1x128x16xf32, #tpu.memory_space<vmem>>
        %dma_start3A_231 = tpu.memref_squeeze %dma_start3A_230 : memref<1x128x16xf32, #tpu.memory_space<vmem>> -> memref<128x16xf32, #tpu.memory_space<vmem>>
        %dma_start3A_232 = arith.constant 0 : i32
        %dma_start3A_233 = tpu.memref_slice %arg10[%run_scoped3A_220, %dma_start3A_232] : memref<8x128xi32, #tpu.memory_space<vmem>> -> memref<1x128xi32, #tpu.memory_space<vmem>>
        %dma_start3A_234 = tpu.memref_squeeze %dma_start3A_233 : memref<1x128xi32, #tpu.memory_space<vmem>> -> memref<128xi32, #tpu.memory_space<vmem>>
        %dma_start3A_235 = arith.constant 0 : i32
        %dma_start3A_236 = arith.constant 0 : i32
        %dma_start3A_237 = tpu.memref_slice %arg8[%dma_start3A_235, %dma_start3A_236] : memref<100352x16xf32, #tpu.memory_space<vmem_shared>> -> memref<100352x16xf32, #tpu.memory_space<vmem_shared>>
        tpu.enqueue_indirect_dma source(%dma_start3A_231 : memref<128x16xf32, #tpu.memory_space<vmem>>) target(%dma_start3A_237 : memref<100352x16xf32, #tpu.memory_space<vmem_shared>>) offsets(%dma_start3A_234 : memref<128xi32, #tpu.memory_space<vmem>>) semaphore(%run_scoped3A_227 : memref<!tpu.dma_semaphore, #tpu.memory_space<semaphore_mem>>) {add = true}
        %dma_wait3A_238 = arith.constant 0 : i32
        %dma_wait3A_239 = arith.constant 0 : i32
        %dma_wait3A_240 = tpu.memref_slice %arg11[%run_scoped3A_219, %dma_wait3A_238, %dma_wait3A_239] : memref<8x128x16xf32, #tpu.memory_space<vmem>> -> memref<1x128x16xf32, #tpu.memory_space<vmem>>
        %dma_wait3A_241 = tpu.memref_squeeze %dma_wait3A_240 : memref<1x128x16xf32, #tpu.memory_space<vmem>> -> memref<128x16xf32, #tpu.memory_space<vmem>>
        %dma_wait3A_242 = arith.constant 0 : i32
        %dma_wait3A_243 = tpu.memref_slice %arg10[%run_scoped3A_220, %dma_wait3A_242] : memref<8x128xi32, #tpu.memory_space<vmem>> -> memref<1x128xi32, #tpu.memory_space<vmem>>
        %dma_wait3A_244 = tpu.memref_squeeze %dma_wait3A_243 : memref<1x128xi32, #tpu.memory_space<vmem>> -> memref<128xi32, #tpu.memory_space<vmem>>
        %dma_wait3A_245 = arith.constant 0 : i32
        %dma_wait3A_246 = arith.constant 0 : i32
        %dma_wait3A_247 = tpu.memref_slice %arg8[%dma_wait3A_245, %dma_wait3A_246] : memref<100352x16xf32, #tpu.memory_space<vmem_shared>> -> memref<100352x16xf32, #tpu.memory_space<vmem_shared>>
        tpu.wait_indirect_dma semaphore(%run_scoped3A_227 : memref<!tpu.dma_semaphore, #tpu.memory_space<semaphore_mem>>) src(%dma_wait3A_241 : memref<128x16xf32, #tpu.memory_space<vmem>>) dst(%dma_wait3A_247 : memref<100352x16xf32, #tpu.memory_space<vmem_shared>>)
        tpu.yield
      }) : () -> ()
      %run_scoped3A_221 = arith.constant 5 : i32
      %run_scoped3A_222 = arith.constant 5 : i32
      "tpu.region"() ({
        %run_scoped3A_227 = tpu.sem_alloc : memref<!tpu.dma_semaphore, #tpu.memory_space<semaphore_mem>>
        %dma_start3A_228 = arith.constant 0 : i32
        %dma_start3A_229 = arith.constant 0 : i32
        %dma_start3A_230 = tpu.memref_slice %arg11[%run_scoped3A_221, %dma_start3A_228, %dma_start3A_229] : memref<8x128x16xf32, #tpu.memory_space<vmem>> -> memref<1x128x16xf32, #tpu.memory_space<vmem>>
        %dma_start3A_231 = tpu.memref_squeeze %dma_start3A_230 : memref<1x128x16xf32, #tpu.memory_space<vmem>> -> memref<128x16xf32, #tpu.memory_space<vmem>>
        %dma_start3A_232 = arith.constant 0 : i32
        %dma_start3A_233 = tpu.memref_slice %arg10[%run_scoped3A_222, %dma_start3A_232] : memref<8x128xi32, #tpu.memory_space<vmem>> -> memref<1x128xi32, #tpu.memory_space<vmem>>
        %dma_start3A_234 = tpu.memref_squeeze %dma_start3A_233 : memref<1x128xi32, #tpu.memory_space<vmem>> -> memref<128xi32, #tpu.memory_space<vmem>>
        %dma_start3A_235 = arith.constant 0 : i32
        %dma_start3A_236 = arith.constant 0 : i32
        %dma_start3A_237 = tpu.memref_slice %arg8[%dma_start3A_235, %dma_start3A_236] : memref<100352x16xf32, #tpu.memory_space<vmem_shared>> -> memref<100352x16xf32, #tpu.memory_space<vmem_shared>>
        tpu.enqueue_indirect_dma source(%dma_start3A_231 : memref<128x16xf32, #tpu.memory_space<vmem>>) target(%dma_start3A_237 : memref<100352x16xf32, #tpu.memory_space<vmem_shared>>) offsets(%dma_start3A_234 : memref<128xi32, #tpu.memory_space<vmem>>) semaphore(%run_scoped3A_227 : memref<!tpu.dma_semaphore, #tpu.memory_space<semaphore_mem>>) {add = true}
        %dma_wait3A_238 = arith.constant 0 : i32
        %dma_wait3A_239 = arith.constant 0 : i32
        %dma_wait3A_240 = tpu.memref_slice %arg11[%run_scoped3A_221, %dma_wait3A_238, %dma_wait3A_239] : memref<8x128x16xf32, #tpu.memory_space<vmem>> -> memref<1x128x16xf32, #tpu.memory_space<vmem>>
        %dma_wait3A_241 = tpu.memref_squeeze %dma_wait3A_240 : memref<1x128x16xf32, #tpu.memory_space<vmem>> -> memref<128x16xf32, #tpu.memory_space<vmem>>
        %dma_wait3A_242 = arith.constant 0 : i32
        %dma_wait3A_243 = tpu.memref_slice %arg10[%run_scoped3A_222, %dma_wait3A_242] : memref<8x128xi32, #tpu.memory_space<vmem>> -> memref<1x128xi32, #tpu.memory_space<vmem>>
        %dma_wait3A_244 = tpu.memref_squeeze %dma_wait3A_243 : memref<1x128xi32, #tpu.memory_space<vmem>> -> memref<128xi32, #tpu.memory_space<vmem>>
        %dma_wait3A_245 = arith.constant 0 : i32
        %dma_wait3A_246 = arith.constant 0 : i32
        %dma_wait3A_247 = tpu.memref_slice %arg8[%dma_wait3A_245, %dma_wait3A_246] : memref<100352x16xf32, #tpu.memory_space<vmem_shared>> -> memref<100352x16xf32, #tpu.memory_space<vmem_shared>>
        tpu.wait_indirect_dma semaphore(%run_scoped3A_227 : memref<!tpu.dma_semaphore, #tpu.memory_space<semaphore_mem>>) src(%dma_wait3A_241 : memref<128x16xf32, #tpu.memory_space<vmem>>) dst(%dma_wait3A_247 : memref<100352x16xf32, #tpu.memory_space<vmem_shared>>)
        tpu.yield
      }) : () -> ()
      %run_scoped3A_223 = arith.constant 6 : i32
      %run_scoped3A_224 = arith.constant 6 : i32
      "tpu.region"() ({
        %run_scoped3A_227 = tpu.sem_alloc : memref<!tpu.dma_semaphore, #tpu.memory_space<semaphore_mem>>
        %dma_start3A_228 = arith.constant 0 : i32
        %dma_start3A_229 = arith.constant 0 : i32
        %dma_start3A_230 = tpu.memref_slice %arg11[%run_scoped3A_223, %dma_start3A_228, %dma_start3A_229] : memref<8x128x16xf32, #tpu.memory_space<vmem>> -> memref<1x128x16xf32, #tpu.memory_space<vmem>>
        %dma_start3A_231 = tpu.memref_squeeze %dma_start3A_230 : memref<1x128x16xf32, #tpu.memory_space<vmem>> -> memref<128x16xf32, #tpu.memory_space<vmem>>
        %dma_start3A_232 = arith.constant 0 : i32
        %dma_start3A_233 = tpu.memref_slice %arg10[%run_scoped3A_224, %dma_start3A_232] : memref<8x128xi32, #tpu.memory_space<vmem>> -> memref<1x128xi32, #tpu.memory_space<vmem>>
        %dma_start3A_234 = tpu.memref_squeeze %dma_start3A_233 : memref<1x128xi32, #tpu.memory_space<vmem>> -> memref<128xi32, #tpu.memory_space<vmem>>
        %dma_start3A_235 = arith.constant 0 : i32
        %dma_start3A_236 = arith.constant 0 : i32
        %dma_start3A_237 = tpu.memref_slice %arg8[%dma_start3A_235, %dma_start3A_236] : memref<100352x16xf32, #tpu.memory_space<vmem_shared>> -> memref<100352x16xf32, #tpu.memory_space<vmem_shared>>
        tpu.enqueue_indirect_dma source(%dma_start3A_231 : memref<128x16xf32, #tpu.memory_space<vmem>>) target(%dma_start3A_237 : memref<100352x16xf32, #tpu.memory_space<vmem_shared>>) offsets(%dma_start3A_234 : memref<128xi32, #tpu.memory_space<vmem>>) semaphore(%run_scoped3A_227 : memref<!tpu.dma_semaphore, #tpu.memory_space<semaphore_mem>>) {add = true}
        %dma_wait3A_238 = arith.constant 0 : i32
        %dma_wait3A_239 = arith.constant 0 : i32
        %dma_wait3A_240 = tpu.memref_slice %arg11[%run_scoped3A_223, %dma_wait3A_238, %dma_wait3A_239] : memref<8x128x16xf32, #tpu.memory_space<vmem>> -> memref<1x128x16xf32, #tpu.memory_space<vmem>>
        %dma_wait3A_241 = tpu.memref_squeeze %dma_wait3A_240 : memref<1x128x16xf32, #tpu.memory_space<vmem>> -> memref<128x16xf32, #tpu.memory_space<vmem>>
        %dma_wait3A_242 = arith.constant 0 : i32
        %dma_wait3A_243 = tpu.memref_slice %arg10[%run_scoped3A_224, %dma_wait3A_242] : memref<8x128xi32, #tpu.memory_space<vmem>> -> memref<1x128xi32, #tpu.memory_space<vmem>>
        %dma_wait3A_244 = tpu.memref_squeeze %dma_wait3A_243 : memref<1x128xi32, #tpu.memory_space<vmem>> -> memref<128xi32, #tpu.memory_space<vmem>>
        %dma_wait3A_245 = arith.constant 0 : i32
        %dma_wait3A_246 = arith.constant 0 : i32
        %dma_wait3A_247 = tpu.memref_slice %arg8[%dma_wait3A_245, %dma_wait3A_246] : memref<100352x16xf32, #tpu.memory_space<vmem_shared>> -> memref<100352x16xf32, #tpu.memory_space<vmem_shared>>
        tpu.wait_indirect_dma semaphore(%run_scoped3A_227 : memref<!tpu.dma_semaphore, #tpu.memory_space<semaphore_mem>>) src(%dma_wait3A_241 : memref<128x16xf32, #tpu.memory_space<vmem>>) dst(%dma_wait3A_247 : memref<100352x16xf32, #tpu.memory_space<vmem_shared>>)
        tpu.yield
      }) : () -> ()
      %run_scoped3A_225 = arith.constant 7 : i32
      %run_scoped3A_226 = arith.constant 7 : i32
      "tpu.region"() ({
        %run_scoped3A_227 = tpu.sem_alloc : memref<!tpu.dma_semaphore, #tpu.memory_space<semaphore_mem>>
        %dma_start3A_228 = arith.constant 0 : i32
        %dma_start3A_229 = arith.constant 0 : i32
        %dma_start3A_230 = tpu.memref_slice %arg11[%run_scoped3A_225, %dma_start3A_228, %dma_start3A_229] : memref<8x128x16xf32, #tpu.memory_space<vmem>> -> memref<1x128x16xf32, #tpu.memory_space<vmem>>
        %dma_start3A_231 = tpu.memref_squeeze %dma_start3A_230 : memref<1x128x16xf32, #tpu.memory_space<vmem>> -> memref<128x16xf32, #tpu.memory_space<vmem>>
        %dma_start3A_232 = arith.constant 0 : i32
        %dma_start3A_233 = tpu.memref_slice %arg10[%run_scoped3A_226, %dma_start3A_232] : memref<8x128xi32, #tpu.memory_space<vmem>> -> memref<1x128xi32, #tpu.memory_space<vmem>>
        %dma_start3A_234 = tpu.memref_squeeze %dma_start3A_233 : memref<1x128xi32, #tpu.memory_space<vmem>> -> memref<128xi32, #tpu.memory_space<vmem>>
        %dma_start3A_235 = arith.constant 0 : i32
        %dma_start3A_236 = arith.constant 0 : i32
        %dma_start3A_237 = tpu.memref_slice %arg8[%dma_start3A_235, %dma_start3A_236] : memref<100352x16xf32, #tpu.memory_space<vmem_shared>> -> memref<100352x16xf32, #tpu.memory_space<vmem_shared>>
        tpu.enqueue_indirect_dma source(%dma_start3A_231 : memref<128x16xf32, #tpu.memory_space<vmem>>) target(%dma_start3A_237 : memref<100352x16xf32, #tpu.memory_space<vmem_shared>>) offsets(%dma_start3A_234 : memref<128xi32, #tpu.memory_space<vmem>>) semaphore(%run_scoped3A_227 : memref<!tpu.dma_semaphore, #tpu.memory_space<semaphore_mem>>) {add = true}
        %dma_wait3A_238 = arith.constant 0 : i32
        %dma_wait3A_239 = arith.constant 0 : i32
        %dma_wait3A_240 = tpu.memref_slice %arg11[%run_scoped3A_225, %dma_wait3A_238, %dma_wait3A_239] : memref<8x128x16xf32, #tpu.memory_space<vmem>> -> memref<1x128x16xf32, #tpu.memory_space<vmem>>
        %dma_wait3A_241 = tpu.memref_squeeze %dma_wait3A_240 : memref<1x128x16xf32, #tpu.memory_space<vmem>> -> memref<128x16xf32, #tpu.memory_space<vmem>>
        %dma_wait3A_242 = arith.constant 0 : i32
        %dma_wait3A_243 = tpu.memref_slice %arg10[%run_scoped3A_226, %dma_wait3A_242] : memref<8x128xi32, #tpu.memory_space<vmem>> -> memref<1x128xi32, #tpu.memory_space<vmem>>
        %dma_wait3A_244 = tpu.memref_squeeze %dma_wait3A_243 : memref<1x128xi32, #tpu.memory_space<vmem>> -> memref<128xi32, #tpu.memory_space<vmem>>
        %dma_wait3A_245 = arith.constant 0 : i32
        %dma_wait3A_246 = arith.constant 0 : i32
        %dma_wait3A_247 = tpu.memref_slice %arg8[%dma_wait3A_245, %dma_wait3A_246] : memref<100352x16xf32, #tpu.memory_space<vmem_shared>> -> memref<100352x16xf32, #tpu.memory_space<vmem_shared>>
        tpu.wait_indirect_dma semaphore(%run_scoped3A_227 : memref<!tpu.dma_semaphore, #tpu.memory_space<semaphore_mem>>) src(%dma_wait3A_241 : memref<128x16xf32, #tpu.memory_space<vmem>>) dst(%dma_wait3A_247 : memref<100352x16xf32, #tpu.memory_space<vmem_shared>>)
        tpu.yield
      }) : () -> ()
    }
    %scan3A_9 = arith.constant 49 : i32
    %barrier3A_10 = arith.constant 0 : index
    tpu.barrier barrier_id(%barrier3A_10)
    %eq3A = arith.constant 0 : i32
    %eq3A_11 = arith.cmpi eq, %arg0, %eq3A : i32
    %convert_element_type3A = arith.extui %eq3A_11 : i1 to i32
    %cond3A = arith.constant 0 : i32
    %cond3A_12 = arith.cmpi ne, %convert_element_type3A, %cond3A : i32
    scf.if %cond3A_12 {
      "tpu.region"() ({
        %run_scoped3A = tpu.sem_alloc : memref<!tpu.dma_semaphore, #tpu.memory_space<semaphore_mem>>
        %dma_start3A = arith.constant 0 : i32
        %dma_start3A_18 = tpu.memref_slice %arg6[%mul3A_2, %dma_start3A] : memref<100352x16xf32, #tpu.memory_space<hbm>> -> memref<6272x16xf32, #tpu.memory_space<hbm>>
        %dma_start3A_19 = arith.constant 0 : i32
        %dma_start3A_20 = tpu.memref_slice %arg8[%mul3A_2, %dma_start3A_19] : memref<100352x16xf32, #tpu.memory_space<vmem_shared>> -> memref<6272x16xf32, #tpu.memory_space<vmem_shared>>
        tpu.enqueue_dma source(%dma_start3A_20 : memref<6272x16xf32, #tpu.memory_space<vmem_shared>>) target(%dma_start3A_18 : memref<6272x16xf32, #tpu.memory_space<hbm>>) target_semaphore(%run_scoped3A : memref<!tpu.dma_semaphore, #tpu.memory_space<semaphore_mem>>)
        %dma_wait3A = arith.constant 0 : i32
        %dma_wait3A_21 = tpu.memref_slice %arg6[%mul3A_2, %dma_wait3A] : memref<100352x16xf32, #tpu.memory_space<hbm>> -> memref<6272x16xf32, #tpu.memory_space<hbm>>
        %dma_wait3A_22 = arith.constant 0 : i32
        %dma_wait3A_23 = tpu.memref_slice %arg8[%mul3A_2, %dma_wait3A_22] : memref<100352x16xf32, #tpu.memory_space<vmem_shared>> -> memref<6272x16xf32, #tpu.memory_space<vmem_shared>>
        tpu.wait_dma2 semaphore(%run_scoped3A : memref<!tpu.dma_semaphore, #tpu.memory_space<semaphore_mem>>) src(%dma_wait3A_23 : memref<6272x16xf32, #tpu.memory_space<vmem_shared>>) dst(%dma_wait3A_21 : memref<6272x16xf32, #tpu.memory_space<hbm>>)
        tpu.yield
      }) : () -> ()
    } else {
    }
    %eq3A_13 = arith.constant 1 : i32
    %eq3A_14 = arith.cmpi eq, %arg0, %eq3A_13 : i32
    %convert_element_type3A_15 = arith.extui %eq3A_14 : i1 to i32
    %cond3A_16 = arith.constant 0 : i32
    %cond3A_17 = arith.cmpi ne, %convert_element_type3A_15, %cond3A_16 : i32
    scf.if %cond3A_17 {
      "tpu.region"() ({
        %run_scoped3A = tpu.sem_alloc : memref<!tpu.dma_semaphore, #tpu.memory_space<semaphore_mem>>
        %dma_start3A = arith.constant 0 : i32
        %dma_start3A_18 = tpu.memref_slice %arg7[%mul3A_2, %dma_start3A] : memref<100352x16xf32, #tpu.memory_space<hbm>> -> memref<6272x16xf32, #tpu.memory_space<hbm>>
        %dma_start3A_19 = arith.constant 0 : i32
        %dma_start3A_20 = tpu.memref_slice %arg8[%mul3A_2, %dma_start3A_19] : memref<100352x16xf32, #tpu.memory_space<vmem_shared>> -> memref<6272x16xf32, #tpu.memory_space<vmem_shared>>
        tpu.enqueue_dma source(%dma_start3A_20 : memref<6272x16xf32, #tpu.memory_space<vmem_shared>>) target(%dma_start3A_18 : memref<6272x16xf32, #tpu.memory_space<hbm>>) target_semaphore(%run_scoped3A : memref<!tpu.dma_semaphore, #tpu.memory_space<semaphore_mem>>)
        %dma_wait3A = arith.constant 0 : i32
        %dma_wait3A_21 = tpu.memref_slice %arg7[%mul3A_2, %dma_wait3A] : memref<100352x16xf32, #tpu.memory_space<hbm>> -> memref<6272x16xf32, #tpu.memory_space<hbm>>
        %dma_wait3A_22 = arith.constant 0 : i32
        %dma_wait3A_23 = tpu.memref_slice %arg8[%mul3A_2, %dma_wait3A_22] : memref<100352x16xf32, #tpu.memory_space<vmem_shared>> -> memref<6272x16xf32, #tpu.memory_space<vmem_shared>>
        tpu.wait_dma2 semaphore(%run_scoped3A : memref<!tpu.dma_semaphore, #tpu.memory_space<semaphore_mem>>) src(%dma_wait3A_23 : memref<6272x16xf32, #tpu.memory_space<vmem_shared>>) dst(%dma_wait3A_21 : memref<6272x16xf32, #tpu.memory_space<hbm>>)
        tpu.yield
      }) : () -> ()
    } else {
    }
    return
  }
}

module attributes {stable_mosaic.version = 14 : i64} {
  func.func @_tc1_body(%arg0: i32, %arg1: memref<2048x8xf32, #tpu.memory_space<vmem>>, %arg2: memref<2048x8xf32, #tpu.memory_space<vmem>>, %arg3: memref<2048x8xf32, #tpu.memory_space<vmem>>, %arg4: memref<8x32xf32, #tpu.memory_space<vmem>>, %arg5: memref<32x32xf32, #tpu.memory_space<vmem>>, %arg6: memref<2048x16xf32, #tpu.memory_space<vmem>>, %arg7: memref<2048x16xf32, #tpu.memory_space<vmem>>) attributes {dimension_semantics = [#tpu.dimension_semantics<arbitrary>], iteration_bounds = array<i64: 49>, scalar_prefetch = 0 : i64, scratch_operands = 0 : i64, tpu.core_type = #tpu.core_type<tc>, window_params = [{transform_indices = @transform_0, window_bounds = array<i64: 2048, 8>}, {transform_indices = @transform_1, window_bounds = array<i64: 2048, 8>}, {transform_indices = @transform_2, window_bounds = array<i64: 2048, 8>}, {pipeline_mode = #tpu.pipeline_mode<synchronous>, transform_indices = @transform_3, window_bounds = array<i64: 8, 32>}, {pipeline_mode = #tpu.pipeline_mode<synchronous>, transform_indices = @transform_4, window_bounds = array<i64: 32, 32>}, {transform_indices = @transform_5, window_bounds = array<i64: 2048, 16>}, {transform_indices = @transform_6, window_bounds = array<i64: 2048, 16>}]} {
    %get3A = arith.constant 0 : index
    %get3A_0 = arith.constant 0 : index
    %get3A_1 = vector.load %arg1[%get3A, %get3A_0] : memref<2048x8xf32, #tpu.memory_space<vmem>>, vector<2048x8xf32>
    %get3A_2 = arith.constant 0 : index
    %get3A_3 = arith.constant 0 : index
    %get3A_4 = vector.load %arg2[%get3A_2, %get3A_3] : memref<2048x8xf32, #tpu.memory_space<vmem>>, vector<2048x8xf32>
    %add3A = arith.addf %get3A_1, %get3A_4 : vector<2048x8xf32>
    %get3A_5 = arith.constant 0 : index
    %get3A_6 = arith.constant 0 : index
    %get3A_7 = vector.load %arg3[%get3A_5, %get3A_6] : memref<2048x8xf32, #tpu.memory_space<vmem>>, vector<2048x8xf32>
    %slice3A = vector.extract_strided_slice %add3A {offsets = [0, 0], sizes = [2048, 2], strides = [1, 1]} : vector<2048x8xf32> to vector<2048x2xf32>
    %slice3A_8 = vector.extract_strided_slice %get3A_7 {offsets = [0, 0], sizes = [2048, 2], strides = [1, 1]} : vector<2048x8xf32> to vector<2048x2xf32>
    %slice3A_9 = vector.extract_strided_slice %slice3A {offsets = [0, 0], sizes = [2048, 1], strides = [1, 1]} : vector<2048x2xf32> to vector<2048x1xf32>
    %get3A_10 = arith.constant 0 : index
    %get3A_11 = arith.constant 0 : index
    %get3A_12 = vector.load %arg4[%get3A_10, %get3A_11] : memref<8x32xf32, #tpu.memory_space<vmem>>, vector<1x32xf32>
    %mul3A = vector.broadcast %slice3A_9 : vector<2048x1xf32> to vector<2048x32xf32>
    %mul3A_13 = vector.broadcast %get3A_12 : vector<1x32xf32> to vector<2048x32xf32>
    %mul3A_14 = arith.mulf %mul3A, %mul3A_13 : vector<2048x32xf32>
    %slice3A_15 = vector.extract_strided_slice %slice3A {offsets = [0, 1], sizes = [2048, 1], strides = [1, 1]} : vector<2048x2xf32> to vector<2048x1xf32>
    %get3A_16 = arith.constant 1 : index
    %get3A_17 = arith.constant 0 : index
    %get3A_18 = vector.load %arg4[%get3A_16, %get3A_17] : memref<8x32xf32, #tpu.memory_space<vmem>>, vector<1x32xf32>
    %mul3A_19 = vector.broadcast %slice3A_15 : vector<2048x1xf32> to vector<2048x32xf32>
    %mul3A_20 = vector.broadcast %get3A_18 : vector<1x32xf32> to vector<2048x32xf32>
    %mul3A_21 = arith.mulf %mul3A_19, %mul3A_20 : vector<2048x32xf32>
    %add3A_22 = arith.addf %mul3A_14, %mul3A_21 : vector<2048x32xf32>
    %slice3A_23 = vector.extract_strided_slice %slice3A_8 {offsets = [0, 0], sizes = [2048, 1], strides = [1, 1]} : vector<2048x2xf32> to vector<2048x1xf32>
    %get3A_24 = arith.constant 2 : index
    %get3A_25 = arith.constant 0 : index
    %get3A_26 = vector.load %arg4[%get3A_24, %get3A_25] : memref<8x32xf32, #tpu.memory_space<vmem>>, vector<1x32xf32>
    %mul3A_27 = vector.broadcast %slice3A_23 : vector<2048x1xf32> to vector<2048x32xf32>
    %mul3A_28 = vector.broadcast %get3A_26 : vector<1x32xf32> to vector<2048x32xf32>
    %mul3A_29 = arith.mulf %mul3A_27, %mul3A_28 : vector<2048x32xf32>
    %add3A_30 = arith.addf %add3A_22, %mul3A_29 : vector<2048x32xf32>
    %slice3A_31 = vector.extract_strided_slice %slice3A_8 {offsets = [0, 1], sizes = [2048, 1], strides = [1, 1]} : vector<2048x2xf32> to vector<2048x1xf32>
    %get3A_32 = arith.constant 3 : index
    %get3A_33 = arith.constant 0 : index
    %get3A_34 = vector.load %arg4[%get3A_32, %get3A_33] : memref<8x32xf32, #tpu.memory_space<vmem>>, vector<1x32xf32>
    %mul3A_35 = vector.broadcast %slice3A_31 : vector<2048x1xf32> to vector<2048x32xf32>
    %mul3A_36 = vector.broadcast %get3A_34 : vector<1x32xf32> to vector<2048x32xf32>
    %mul3A_37 = arith.mulf %mul3A_35, %mul3A_36 : vector<2048x32xf32>
    %add3A_38 = arith.addf %add3A_30, %mul3A_37 : vector<2048x32xf32>
    %get3A_39 = arith.constant 4 : index
    %get3A_40 = arith.constant 0 : index
    %get3A_41 = vector.load %arg4[%get3A_39, %get3A_40] : memref<8x32xf32, #tpu.memory_space<vmem>>, vector<1x32xf32>
    %add3A_42 = vector.broadcast %get3A_41 : vector<1x32xf32> to vector<2048x32xf32>
    %add3A_43 = arith.addf %add3A_38, %add3A_42 : vector<2048x32xf32>
    %ge3A = arith.constant 0.000000e+00 : f32
    %ge3A_44 = vector.broadcast %ge3A : f32 to vector<2048x32xf32>
    %ge3A_45 = arith.cmpf oge, %add3A_43, %ge3A_44 : vector<2048x32xf32>
    %mul3A_46 = arith.constant 0.00999999977 : f32
    %mul3A_47 = vector.broadcast %mul3A_46 : f32 to vector<2048x32xf32>
    %mul3A_48 = arith.mulf %mul3A_47, %add3A_43 : vector<2048x32xf32>
    %select_n3A = arith.select %ge3A_45, %add3A_43, %mul3A_48 : vector<2048x32xi1>, vector<2048x32xf32>
    %get3A_49 = arith.constant 0 : index
    %get3A_50 = arith.constant 0 : index
    %get3A_51 = vector.load %arg5[%get3A_49, %get3A_50] : memref<32x32xf32, #tpu.memory_space<vmem>>, vector<32x32xf32>
    %dot_general3A = arith.constant dense<0.000000e+00> : vector<2048x32xf32>
    %dot_general3A_52 = tpu.matmul %select_n3A, %get3A_51, %dot_general3A {dimension_numbers = #tpu.dot_dimension_numbers<[1], [0], [0], [1], [0, 0, 1, 1], [], []>, transpose_lhs_hint = false} : vector<2048x32xf32>, vector<32x32xf32>, vector<2048x32xf32> -> vector<2048x32xf32>
    %mul3A_53 = arith.constant 0.176776692 : f32
    %mul3A_54 = vector.broadcast %mul3A_53 : f32 to vector<2048x32xf32>
    %mul3A_55 = arith.mulf %dot_general3A_52, %mul3A_54 : vector<2048x32xf32>
    %slice3A_56 = vector.extract_strided_slice %mul3A_55 {offsets = [0, 0], sizes = [2048, 16], strides = [1, 1]} : vector<2048x32xf32> to vector<2048x16xf32>
    %swap3A = arith.constant 0 : index
    %swap3A_57 = arith.constant 0 : index
    %swap3A_58 = vector.load %arg6[%swap3A, %swap3A_57] : memref<2048x16xf32, #tpu.memory_space<vmem>>, vector<2048x16xf32>
    tpu.vector_store %arg6[%swap3A, %swap3A_57], %slice3A_56 {strides = array<i32>} : memref<2048x16xf32, #tpu.memory_space<vmem>>, vector<2048x16xf32>,
    %slice3A_59 = vector.extract_strided_slice %mul3A_55 {offsets = [0, 16], sizes = [2048, 16], strides = [1, 1]} : vector<2048x32xf32> to vector<2048x16xf32>
    %swap3A_60 = arith.constant 0 : index
    %swap3A_61 = arith.constant 0 : index
    %swap3A_62 = vector.load %arg7[%swap3A_60, %swap3A_61] : memref<2048x16xf32, #tpu.memory_space<vmem>>, vector<2048x16xf32>
    tpu.vector_store %arg7[%swap3A_60, %swap3A_61], %slice3A_59 {strides = array<i32>} : memref<2048x16xf32, #tpu.memory_space<vmem>>, vector<2048x16xf32>,
    return
  }
  func.func @transform_0(%arg0: i32) -> (i32, i32) {
    %c0_i32 = arith.constant 0 : i32
    %c0_i32_0 = arith.constant 0 : i32
    return %arg0, %c0_i32 : i32, i32
  }
  func.func @transform_1(%arg0: i32) -> (i32, i32) {
    %c0_i32 = arith.constant 0 : i32
    %c0_i32_0 = arith.constant 0 : i32
    return %arg0, %c0_i32 : i32, i32
  }
  func.func @transform_2(%arg0: i32) -> (i32, i32) {
    %c0_i32 = arith.constant 0 : i32
    %c0_i32_0 = arith.constant 0 : i32
    return %arg0, %c0_i32 : i32, i32
  }
  func.func @transform_3(%arg0: i32) -> (i32, i32) {
    %c0_i32 = arith.constant 0 : i32
    %c0_i32_0 = arith.constant 0 : i32
    %c0_i32_1 = arith.constant 0 : i32
    return %c0_i32, %c0_i32_0 : i32, i32
  }
  func.func @transform_4(%arg0: i32) -> (i32, i32) {
    %c0_i32 = arith.constant 0 : i32
    %c0_i32_0 = arith.constant 0 : i32
    %c0_i32_1 = arith.constant 0 : i32
    return %c0_i32, %c0_i32_0 : i32, i32
  }
  func.func @transform_5(%arg0: i32) -> (i32, i32) {
    %c0_i32 = arith.constant 0 : i32
    %c0_i32_0 = arith.constant 0 : i32
    return %arg0, %c0_i32 : i32, i32
  }
  func.func @transform_6(%arg0: i32) -> (i32, i32) {
    %c0_i32 = arith.constant 0 : i32
    %c0_i32_0 = arith.constant 0 : i32
    return %arg0, %c0_i32 : i32, i32
  }
}

module attributes {stable_mosaic.version = 14 : i64} {
  func.func @_tc2_body(%arg0: i32, %arg1: memref<2048x16xf32, #tpu.memory_space<vmem>>, %arg2: memref<2048x16xf32, #tpu.memory_space<vmem>>, %arg3: memref<2048x16xf32, #tpu.memory_space<vmem>>, %arg4: memref<2048x16xf32, #tpu.memory_space<vmem>>, %arg5: memref<2048x16xf32, #tpu.memory_space<vmem>>, %arg6: memref<2048x16xf32, #tpu.memory_space<vmem>>, %arg7: memref<32x32xf32, #tpu.memory_space<vmem>>, %arg8: memref<32x32xf32, #tpu.memory_space<vmem>>, %arg9: memref<32x32xf32, #tpu.memory_space<vmem>>, %arg10: memref<32x32xf32, #tpu.memory_space<vmem>>, %arg11: memref<8x32xf32, #tpu.memory_space<vmem>>, %arg12: memref<2048x1xf32, #tpu.memory_space<vmem>>) attributes {dimension_semantics = [#tpu.dimension_semantics<arbitrary>], iteration_bounds = array<i64: 49>, scalar_prefetch = 0 : i64, scratch_operands = 0 : i64, tpu.core_type = #tpu.core_type<tc>, window_params = [{transform_indices = @transform_0, window_bounds = array<i64: 2048, 16>}, {transform_indices = @transform_1, window_bounds = array<i64: 2048, 16>}, {transform_indices = @transform_2, window_bounds = array<i64: 2048, 16>}, {transform_indices = @transform_3, window_bounds = array<i64: 2048, 16>}, {transform_indices = @transform_4, window_bounds = array<i64: 2048, 16>}, {transform_indices = @transform_5, window_bounds = array<i64: 2048, 16>}, {pipeline_mode = #tpu.pipeline_mode<synchronous>, transform_indices = @transform_6, window_bounds = array<i64: 32, 32>}, {pipeline_mode = #tpu.pipeline_mode<synchronous>, transform_indices = @transform_7, window_bounds = array<i64: 32, 32>}, {pipeline_mode = #tpu.pipeline_mode<synchronous>, transform_indices = @transform_8, window_bounds = array<i64: 32, 32>}, {pipeline_mode = #tpu.pipeline_mode<synchronous>, transform_indices = @transform_9, window_bounds = array<i64: 32, 32>}, {pipeline_mode = #tpu.pipeline_mode<synchronous>, transform_indices = @transform_10, window_bounds = array<i64: 8, 32>}, {transform_indices = @transform_11, window_bounds = array<i64: 2048, 1>}]} {
    %get3A = arith.constant 0 : index
    %get3A_0 = arith.constant 0 : index
    %get3A_1 = vector.load %arg5[%get3A, %get3A_0] : memref<2048x16xf32, #tpu.memory_space<vmem>>, vector<2048x16xf32>
    %get3A_2 = arith.constant 0 : index
    %get3A_3 = arith.constant 0 : index
    %get3A_4 = vector.load %arg6[%get3A_2, %get3A_3] : memref<2048x16xf32, #tpu.memory_space<vmem>>, vector<2048x16xf32>
    %concatenate3A = tpu.concatenate %get3A_1, %get3A_4 in 1 : vector<2048x16xf32>, vector<2048x16xf32> -> vector<2048x32xf32>
    %get3A_5 = arith.constant 0 : index
    %get3A_6 = arith.constant 0 : index
    %get3A_7 = vector.load %arg1[%get3A_5, %get3A_6] : memref<2048x16xf32, #tpu.memory_space<vmem>>, vector<2048x16xf32>
    %get3A_8 = arith.constant 0 : index
    %get3A_9 = arith.constant 0 : index
    %get3A_10 = vector.load %arg2[%get3A_8, %get3A_9] : memref<2048x16xf32, #tpu.memory_space<vmem>>, vector<2048x16xf32>
    %add3A = arith.addf %get3A_7, %get3A_10 : vector<2048x16xf32>
    %get3A_11 = arith.constant 0 : index
    %get3A_12 = arith.constant 0 : index
    %get3A_13 = vector.load %arg3[%get3A_11, %get3A_12] : memref<2048x16xf32, #tpu.memory_space<vmem>>, vector<2048x16xf32>
    %get3A_14 = arith.constant 0 : index
    %get3A_15 = arith.constant 0 : index
    %get3A_16 = vector.load %arg4[%get3A_14, %get3A_15] : memref<2048x16xf32, #tpu.memory_space<vmem>>, vector<2048x16xf32>
    %add3A_17 = arith.addf %get3A_13, %get3A_16 : vector<2048x16xf32>
    %concatenate3A_18 = tpu.concatenate %add3A, %add3A_17 in 1 : vector<2048x16xf32>, vector<2048x16xf32> -> vector<2048x32xf32>
    %get3A_19 = arith.constant 0 : index
    %get3A_20 = arith.constant 0 : index
    %get3A_21 = vector.load %arg7[%get3A_19, %get3A_20] : memref<32x32xf32, #tpu.memory_space<vmem>>, vector<32x32xf32>
    %dot_general3A = arith.constant dense<0.000000e+00> : vector<2048x32xf32>
    %dot_general3A_22 = tpu.matmul %concatenate3A_18, %get3A_21, %dot_general3A {dimension_numbers = #tpu.dot_dimension_numbers<[1], [0], [0], [1], [0, 0, 1, 1], [], []>, transpose_lhs_hint = false} : vector<2048x32xf32>, vector<32x32xf32>, vector<2048x32xf32> -> vector<2048x32xf32>
    %get3A_23 = arith.constant 0 : index
    %get3A_24 = arith.constant 0 : index
    %get3A_25 = vector.load %arg8[%get3A_23, %get3A_24] : memref<32x32xf32, #tpu.memory_space<vmem>>, vector<32x32xf32>
    %dot_general3A_26 = arith.constant dense<0.000000e+00> : vector<2048x32xf32>
    %dot_general3A_27 = tpu.matmul %concatenate3A, %get3A_25, %dot_general3A_26 {dimension_numbers = #tpu.dot_dimension_numbers<[1], [0], [0], [1], [0, 0, 1, 1], [], []>, transpose_lhs_hint = false} : vector<2048x32xf32>, vector<32x32xf32>, vector<2048x32xf32> -> vector<2048x32xf32>
    %add3A_28 = arith.addf %dot_general3A_22, %dot_general3A_27 : vector<2048x32xf32>
    %get3A_29 = arith.constant 0 : index
    %get3A_30 = arith.constant 0 : index
    %get3A_31 = vector.load %arg11[%get3A_29, %get3A_30] : memref<8x32xf32, #tpu.memory_space<vmem>>, vector<1x32xf32>
    %add3A_32 = vector.broadcast %get3A_31 : vector<1x32xf32> to vector<2048x32xf32>
    %add3A_33 = arith.addf %add3A_28, %add3A_32 : vector<2048x32xf32>
    %ge3A = arith.constant 0.000000e+00 : f32
    %ge3A_34 = vector.broadcast %ge3A : f32 to vector<2048x32xf32>
    %ge3A_35 = arith.cmpf oge, %add3A_33, %ge3A_34 : vector<2048x32xf32>
    %mul3A = arith.constant 0.00999999977 : f32
    %mul3A_36 = vector.broadcast %mul3A : f32 to vector<2048x32xf32>
    %mul3A_37 = arith.mulf %mul3A_36, %add3A_33 : vector<2048x32xf32>
    %select_n3A = arith.select %ge3A_35, %add3A_33, %mul3A_37 : vector<2048x32xi1>, vector<2048x32xf32>
    %get3A_38 = arith.constant 0 : index
    %get3A_39 = arith.constant 0 : index
    %get3A_40 = vector.load %arg9[%get3A_38, %get3A_39] : memref<32x32xf32, #tpu.memory_space<vmem>>, vector<32x32xf32>
    %dot_general3A_41 = arith.constant dense<0.000000e+00> : vector<2048x32xf32>
    %dot_general3A_42 = tpu.matmul %select_n3A, %get3A_40, %dot_general3A_41 {dimension_numbers = #tpu.dot_dimension_numbers<[1], [0], [0], [1], [0, 0, 1, 1], [], []>, transpose_lhs_hint = false} : vector<2048x32xf32>, vector<32x32xf32>, vector<2048x32xf32> -> vector<2048x32xf32>
    %mul3A_43 = arith.constant 0.176776692 : f32
    %mul3A_44 = vector.broadcast %mul3A_43 : f32 to vector<2048x32xf32>
    %mul3A_45 = arith.mulf %dot_general3A_42, %mul3A_44 : vector<2048x32xf32>
    %get3A_46 = arith.constant 3 : index
    %get3A_47 = arith.constant 1 : index
    %get3A_48 = vector.load %arg11[%get3A_46, %get3A_47] : memref<8x32xf32, #tpu.memory_space<vmem>>, vector<1x1xf32>
    %get3A_49 = vector.extract %get3A_48[0, 0] : f32 from vector<1x1xf32>
    %mul3A_50 = vector.broadcast %get3A_49 : f32 to vector<2048x32xf32>
    %mul3A_51 = arith.mulf %mul3A_50, %concatenate3A : vector<2048x32xf32>
    %add3A_52 = arith.addf %mul3A_51, %mul3A_45 : vector<2048x32xf32>
    %get3A_53 = arith.constant 0 : index
    %get3A_54 = arith.constant 0 : index
    %get3A_55 = vector.load %arg10[%get3A_53, %get3A_54] : memref<32x32xf32, #tpu.memory_space<vmem>>, vector<32x32xf32>
    %dot_general3A_56 = arith.constant dense<0.000000e+00> : vector<2048x32xf32>
    %dot_general3A_57 = tpu.matmul %add3A_52, %get3A_55, %dot_general3A_56 {dimension_numbers = #tpu.dot_dimension_numbers<[1], [0], [0], [1], [0, 0, 1, 1], [], []>, transpose_lhs_hint = false} : vector<2048x32xf32>, vector<32x32xf32>, vector<2048x32xf32> -> vector<2048x32xf32>
    %get3A_58 = arith.constant 1 : index
    %get3A_59 = arith.constant 0 : index
    %get3A_60 = vector.load %arg11[%get3A_58, %get3A_59] : memref<8x32xf32, #tpu.memory_space<vmem>>, vector<1x32xf32>
    %add3A_61 = vector.broadcast %get3A_60 : vector<1x32xf32> to vector<2048x32xf32>
    %add3A_62 = arith.addf %dot_general3A_57, %add3A_61 : vector<2048x32xf32>
    %max3A = arith.constant 0.000000e+00 : f32
    %max3A_63 = vector.broadcast %max3A : f32 to vector<2048x32xf32>
    %max3A_64 = arith.maximumf %add3A_62, %max3A_63 : vector<2048x32xf32>
    %get3A_65 = arith.constant 2 : index
    %get3A_66 = arith.constant 0 : index
    %get3A_67 = vector.load %arg11[%get3A_65, %get3A_66] : memref<8x32xf32, #tpu.memory_space<vmem>>, vector<1x32xf32>
    %mul3A_68 = vector.broadcast %get3A_67 : vector<1x32xf32> to vector<2048x32xf32>
    %mul3A_69 = arith.mulf %max3A_64, %mul3A_68 : vector<2048x32xf32>
    %reduce_sum3A = arith.constant dense<0.000000e+00> : vector<2048xf32>
    %reduce_sum3A_70 = vector.multi_reduction <add>, %mul3A_69, %reduce_sum3A [1] : vector<2048x32xf32> to vector<2048xf32>
    %broadcast_in_dim3A = vector.shape_cast %reduce_sum3A_70 : vector<2048xf32> to vector<2048x1xf32>
    %get3A_71 = arith.constant 3 : index
    %get3A_72 = arith.constant 0 : index
    %get3A_73 = vector.load %arg11[%get3A_71, %get3A_72] : memref<8x32xf32, #tpu.memory_space<vmem>>, vector<1x1xf32>
    %get3A_74 = vector.extract %get3A_73[0, 0] : f32 from vector<1x1xf32>
    %add3A_75 = vector.broadcast %get3A_74 : f32 to vector<2048x1xf32>
    %add3A_76 = arith.addf %broadcast_in_dim3A, %add3A_75 : vector<2048x1xf32>
    %swap3A = arith.constant 0 : index
    %swap3A_77 = arith.constant 0 : index
    %swap3A_78 = vector.load %arg12[%swap3A, %swap3A_77] : memref<2048x1xf32, #tpu.memory_space<vmem>>, vector<2048x1xf32>
    tpu.vector_store %arg12[%swap3A, %swap3A_77], %add3A_76 {strides = array<i32>} : memref<2048x1xf32, #tpu.memory_space<vmem>>, vector<2048x1xf32>,
    return
  }
  func.func @transform_0(%arg0: i32) -> (i32, i32) {
    %c0_i32 = arith.constant 0 : i32
    %c0_i32_0 = arith.constant 0 : i32
    return %arg0, %c0_i32 : i32, i32
  }
  func.func @transform_1(%arg0: i32) -> (i32, i32) {
    %c0_i32 = arith.constant 0 : i32
    %c0_i32_0 = arith.constant 0 : i32
    return %arg0, %c0_i32 : i32, i32
  }
  func.func @transform_2(%arg0: i32) -> (i32, i32) {
    %c0_i32 = arith.constant 0 : i32
    %c0_i32_0 = arith.constant 0 : i32
    return %arg0, %c0_i32 : i32, i32
  }
  func.func @transform_3(%arg0: i32) -> (i32, i32) {
    %c0_i32 = arith.constant 0 : i32
    %c0_i32_0 = arith.constant 0 : i32
    return %arg0, %c0_i32 : i32, i32
  }
  func.func @transform_4(%arg0: i32) -> (i32, i32) {
    %c0_i32 = arith.constant 0 : i32
    %c0_i32_0 = arith.constant 0 : i32
    return %arg0, %c0_i32 : i32, i32
  }
  func.func @transform_5(%arg0: i32) -> (i32, i32) {
    %c0_i32 = arith.constant 0 : i32
    %c0_i32_0 = arith.constant 0 : i32
    return %arg0, %c0_i32 : i32, i32
  }
  func.func @transform_6(%arg0: i32) -> (i32, i32) {
    %c0_i32 = arith.constant 0 : i32
    %c0_i32_0 = arith.constant 0 : i32
    %c0_i32_1 = arith.constant 0 : i32
    return %c0_i32, %c0_i32_0 : i32, i32
  }
  func.func @transform_7(%arg0: i32) -> (i32, i32) {
    %c0_i32 = arith.constant 0 : i32
    %c0_i32_0 = arith.constant 0 : i32
    %c0_i32_1 = arith.constant 0 : i32
    return %c0_i32, %c0_i32_0 : i32, i32
  }
  func.func @transform_8(%arg0: i32) -> (i32, i32) {
    %c0_i32 = arith.constant 0 : i32
    %c0_i32_0 = arith.constant 0 : i32
    %c0_i32_1 = arith.constant 0 : i32
    return %c0_i32, %c0_i32_0 : i32, i32
  }
  func.func @transform_9(%arg0: i32) -> (i32, i32) {
    %c0_i32 = arith.constant 0 : i32
    %c0_i32_0 = arith.constant 0 : i32
    %c0_i32_1 = arith.constant 0 : i32
    return %c0_i32, %c0_i32_0 : i32, i32
  }
  func.func @transform_10(%arg0: i32) -> (i32, i32) {
    %c0_i32 = arith.constant 0 : i32
    %c0_i32_0 = arith.constant 0 : i32
    %c0_i32_1 = arith.constant 0 : i32
    return %c0_i32, %c0_i32_0 : i32, i32
  }
  func.func @transform_11(%arg0: i32) -> (i32, i32) {
    %c0_i32 = arith.constant 0 : i32
    %c0_i32_0 = arith.constant 0 : i32
    return %arg0, %c0_i32 : i32, i32
  }
}

</mosaic_0001>

<sc_bundles>
// kernel: kernel.10.cloned.1.call-start
scs
__scs_entry_jumppad:
0x0: {  	(pc) =	sbr.rel $0x88, $3  }
0x1: {  	(tag) =	ssettag $0x0;
	lr =	simm.s32 $0x1  }
0x2: {  	[smem:$0x3F92] =	sst lr;
	_ =	strace $0xD0000000  }
0x3: {  	_ = 	snop  }
0x4: {  	_ = 	snop  }
0x5: {  	_ = 	snop  }
0x6: {  	_ = 	snop  }
0x7: {  	_ = 	snop  }
__scs_overlays_trampoline_lowered:
0x8: {  	[smem:$0x3FA1] =	sst s0  }
0x9: {  	[smem:$0x3FA2] =	sst s1  }
0xa: {  	[smem:$0x3FA3] =	sst s2  }
0xb: {  	[smem:$0x3FA4] =	sst s3  }
0xc: {  	[smem:$0x3FA5] =	sst s4  }
0xd: {  	[smem:$0x3FA6] =	sst s5  }
0xe: {  	[smem:$0x3FA7] =	sst s6  }
0xf: {  	[smem:$0x3FA8] =	sst s7  }
0x10: {  	[smem:$0x3FA9] =	sst s8  }
0x11: {  	[smem:$0x3FAA] =	sst s9;
	s0 =	simm.s32 @!p0 $0x0  }
0x12: {  	s1 =	sld [smem:$0x3F90];
	s0 =	simm.s32 @p0 $0x1  }
0x13: {  	[smem:$0x3FAB] =	sst s0;
	s0 =	simm.s32 @!p1 $0x0  }
0x14: {  	s2 =	sld [smem:$0x3F8F];
	s0 =	simm.s32 @p1 $0x1  }
0x15: {  	[smem:$0x3FAC] =	sst s0;
	s0 =	simm.s32 @!p2 $0x0  }
0x16: {  	s3 =	sld [smem:$0x3FDB];
	s0 =	simm.s32 @p2 $0x1  }
0x17: {  	s4 =	simm.s32 $0x1BF5;
	[smem:$0x3FAE] =	sst s0  }
0x18: {  	s0 =	sld [smem:$0x3F91];
	_ =	swait.ge [sflag:s4], $0x0  }
0x19: {  	s7 =	sld [smem:$0x3F92]  }
0x1a: {  	s8 =	sadd.s32 $0xFFFFE003, lr  }
0x1b: {  	s9 =	sadd.s32 $0xFFFFFEF7, lr;
	s5 =	simm.s32 $0xFFFFFFFF;
	p2 =	slt.u32 s8, $0xFFFFF086  }
0x1c: {  	p1 =	slt.u32 s9, $0xF7A;
	s5 =	simm.s32 @!p2 $0x0  }
0x1d: {  	s5 =	simm.s32 @p1 $0x1;
	p0 =	seq.s32 s7, s2  }
0x1e: {  	s7 =	smul.u32 @!p0 $0xF7A, s2;
	p2 =	seq.s32 @!p0 s5, $0x0  }
0x1f: {  	s9 =	smul.u32 $0xF7A, s1;
	s8 =	simm.s32 @!p0 $0x1BF5;
	p2 =	por !p2, p0  }
0x20: {  	[sflag:s8] =	ssyncset.s32 @!p0 $0xFFFFF086;
	s6 =	sadd.s32 @!p0 s3, s7;
	s7 =	simm.s32 @!p0 $0x108  }
0x21: {  	s3 =	sadd.s32 s3, s9;
	s6 =	sadd.s32 @!p0 $0x88, s6;
	s7 =	simm.s32 @p2 $0x1082  }
0x22: {  	[simem:s7], [sflag:s8] =	dma.local @!p0 [hbm:s6], $0xF7A  }
0x23: {  	s9 =	sor.u32 $0xD0000000, s2;
	s6 =	simm.s32 $0x108;
	_ =	swait.ge @!p0 [sflag:s8], $0x0  }
0x24: {  	s3 =	sadd.s32 $0x88, s3;
	s6 =	simm.s32 @!p1 $0x1082;
	[sflag:s4] =	ssyncset.s32 $0xFFFFF086  }
0x25: {  	[simem:s6], [sflag:s4] =	dma.local [hbm:s3], $0xF7A  }
0x26: {  	[smem:$0x3F92] =	sst s1;
	(tag) =	ssettag s2;
	_ =	strace s9  }
0x27: {  	s1 =	sld [smem:$0x3FA2]  }
0x28: {  	s2 =	sld [smem:$0x3FA3]  }
0x29: {  	s4 =	sld [smem:$0x3FA5]  }
0x2a: {  	p0 =	seq.s32 s5, $0x0;
	s5 =	sld [smem:$0x3FA6]  }
0x2b: {  	s6 =	sld [smem:$0x3FA7]  }
0x2c: {  	s7 =	sld [smem:$0x3FA8]  }
0x2d: {  	s3 =	simm.s32 $0x108;
	s8 =	sld [smem:$0x3FA9]  }
0x2e: {  	s3 =	simm.s32 @!p0 $0x1082;
	s9 =	sld [smem:$0x3FAA]  }
0x2f: {  	lr =	sadd.s32 s0, s3;
	s0 =	sld [smem:$0x3FA1]  }
0x30: {  	s3 =	sld [smem:$0x3FA4]  }
0x31: {  	[smem:$0x3FAD] =	sst s10  }
0x32: {  	s10 =	sld [smem:$0x3FAB];
	_ =	sdelay $0x3  }
0x33: {  	p0 =	seq.s32 s10, $0x1;
	s10 =	sld [smem:$0x3FAD];
	_ =	sdelay $0x3  }
0x34: {  	[smem:$0x3FAD] =	sst s10  }
0x35: {  	s10 =	sld [smem:$0x3FAC];
	_ =	sdelay $0x3  }
0x36: {  	p1 =	seq.s32 s10, $0x1;
	s10 =	sld [smem:$0x3FAD];
	_ =	sdelay $0x3  }
0x37: {  	[smem:$0x3FAD] =	sst s10  }
0x38: {  	s10 =	sld [smem:$0x3FAE]  }
0x39: {  	_ = 	snop;
	(pc) =	sbr.ind lr, $3  }
0x3a: {  	_ = 	snop  }
0x3b: {  	_ = 	snop  }
0x3c: {  	p2 =	seq.s32 s10, $0x1;
	s10 =	sld [smem:$0x3FAD]  }
0x3d: {  	_ =	shalt  }
0x3e: {  	_ =	shalt  }
0x3f: {  	_ =	shalt  }
0x40: {  	_ =	shalt  }
0x41: {  	_ =	shalt  }
0x42: {  	_ =	shalt  }
0x43: {  	_ =	shalt  }
0x44: {  	_ =	shalt  }
0x45: {  	_ =	shalt  }
0x46: {  	_ =	shalt  }
0x47: {  	_ =	shalt  }
0x48: {  	_ =	shalt  }
0x49: {  	_ =	shalt  }
0x4a: {  	_ =	shalt  }
0x4b: {  	_ =	shalt  }
0x4c: {  	_ =	shalt  }
0x4d: {  	_ =	shalt  }
0x4e: {  	_ =	shalt  }
0x4f: {  	_ =	shalt  }
0x50: {  	_ =	shalt  }
0x51: {  	_ =	shalt  }
0x52: {  	_ =	shalt  }
0x53: {  	_ =	shalt  }
0x54: {  	_ =	shalt  }
0x55: {  	_ =	shalt  }
0x56: {  	_ =	shalt  }
0x57: {  	_ =	shalt  }
0x58: {  	_ =	shalt  }
0x59: {  	_ =	shalt  }
0x5a: {  	_ =	shalt  }
0x5b: {  	_ =	shalt  }
0x5c: {  	_ =	shalt  }
0x5d: {  	_ =	shalt  }
0x5e: {  	_ =	shalt  }
0x5f: {  	_ =	shalt  }
0x60: {  	_ =	shalt  }
0x61: {  	_ =	shalt  }
0x62: {  	_ =	shalt  }
0x63: {  	_ =	shalt  }
0x64: {  	_ =	shalt  }
0x65: {  	_ =	shalt  }
0x66: {  	_ =	shalt  }
0x67: {  	_ =	shalt  }
0x68: {  	_ =	shalt  }
0x69: {  	_ =	shalt  }
0x6a: {  	_ =	shalt  }
0x6b: {  	_ =	shalt  }
0x6c: {  	_ =	shalt  }
0x6d: {  	_ =	shalt  }
0x6e: {  	_ =	shalt  }
0x6f: {  	_ =	shalt  }
0x70: {  	_ =	shalt  }
0x71: {  	_ =	shalt  }
0x72: {  	_ =	shalt  }
0x73: {  	_ =	shalt  }
0x74: {  	_ =	shalt  }
0x75: {  	_ =	shalt  }
0x76: {  	_ =	shalt  }
0x77: {  	_ =	shalt  }
0x78: {  	_ =	shalt  }
0x79: {  	_ =	shalt  }
0x7a: {  	_ =	shalt  }
0x7b: {  	_ =	shalt  }
0x7c: {  	_ =	shalt  }
0x7d: {  	_ =	shalt  }
0x7e: {  	_ =	shalt  }
0x7f: {  	_ =	shalt  }
0x80: {  	_ =	shalt  }
0x81: {  	_ =	shalt  }
0x82: {  	_ =	shalt  }
0x83: {  	_ =	shalt  }
0x84: {  	_ =	shalt  }
0x85: {  	_ =	shalt  }
0x86: {  	_ =	shalt  }
0x87: {  	_ =	shalt  }
.Lfunc_end0:
.L_simem_size_0:
called_computation.1_lowered:
.L_overlay_start_0:
0x88: {  	s2 =	sld [smem:$0x3FD9]  }
0x89: {  	s3 =	sld [smem:$0x3FFE];
	_ =	sdelay $0x1  }
0x8a: {  	s1 =	srdreg.scid  }
0x8b: {  	s0 =	sand.u32 $0x1, s1  }
0x8c: {  	s16 =	sshll.u32 s0, $0xA;
	s2 =	sadd.s32 s3, s2  }
0x8d: {  	s2 =	sadd.s32 s2, s16  }
0x8e: {  	[smem:$0x3FB9] =	sst s2  }
0x8f: {  	_ = 	snop  }
0x90: {  	(tm) =	ssettm $0x1  }
0x91: {  	s17 =	sld [smem:$0x3FFB];
	_ =	sdelay $0x3  }
0x92: {  	_ =	strace s17  }
0x93: {  	s2 =	sld [smem:$0x3FFC];
	_ =	sdelay $0x3  }
0x94: {  	_ =	strace s2  }
0x95: {  	s2 =	sld [smem:$0x3FFD];
	_ =	sdelay $0x3  }
0x96: {  	_ =	strace s2  }
0x97: {  	_ =	strace $0x8FFFFFFF  }
0x98: {  	s18 =	sld [smem:$0x3FDB];
	_ =	sdelay $0x1  }
0x99: {  	s19 =	simm.s32 $_scs_section_size  }
0x9a: {  	s4 =	simm.s32 $_size__tile_overlayer_lowered;
	s5 =	simm.s32 $_tile_overlayer_lowered  }
0x9b: {  	s22 =	simm.s32 $0x1BFF;
	s21 =	sshll.u32 s5, $0x1;
	s2 =	sadd.s32 s19, s18  }
0x9c: {  	s6 =	simm.s32 $0x0;
	s20 =	sshll.u32 s4, $0x1;
	s4 =	sadd.s32 s21, s2  }
0x9d: {  	[timem:s6], [sflag:s22] =	dma.local [hbm:s4], s20  }
0x9e: {  	_ =	swait.ge [sflag:s22], s20  }
0x9f: {  	s3 =	ssub.s32 $0x0, s20;
	[sflag:s22] =	ssyncset.done $0x0  }
0xa0: {  	[sflag:s22] =	ssyncadd.s32 s3;
	_ =	sdelay $0x1  }
0xa1: {  	s23 =	simm.s32 $0x1B8B  }
0xa2: {  	_ =	swait.ge [sflag:s23], $0x1  }
0xa3: {  	[sflag:s23] =	ssyncset.done $0x0  }
0xa4: {  	s25 =	simm.s32 $0x1B8E;
	s24 =	sld [smem:$0x3FFE];
	[sflag:s23] =	ssyncadd.s32 $0xFFFFFFFF  }
0xa5: {  	s26 =	simm.s32 $execute0_lowered;
	[smem:$0x3FD2] =	sst s25  }
0xa6: {  	s4 =	sshll.u32 s26, $0x1;
	_ =	strace $0x80000049;
	[dreg:$0x1] =	wrdreg $0xFFFFFFFF  }
0xa7: {  	s28 =	simm.s32 $_size_execute0_lowered;
	s2 =	sadd.s32 s2, s4;
	[dreg:$0x0] =	wrdreg $0x0  }
0xa8: {  	s4 =	sshll.u32 s28, $0x1;
	[dreg:$0x2] =	wrdreg s2  }
0xa9: {  	[dreg:$0x3] =	wrdreg s4  }
0xaa: {  	[dreg:$0x4] =	wrdreg $0xC0  }
0xab: {  	_ =	task [dreg:s6], $0x5FFFF  }
0xac: {  	[dreg:$0x1] =	wrdreg $0xFFFFFFFF  }
0xad: {  	[dreg:$0x0] =	wrdreg $0x60  }
0xae: {  	[dreg:$0x2] =	wrdreg s24  }
0xaf: {  	[dreg:$0x3] =	wrdreg $0x0  }
0xb0: {  	[dreg:$0x4] =	wrdreg $0x9  }
0xb1: {  	_ =	task.clear_ibuf [dreg:s6], $0x5FFFF;
	_ =	strace $0x90000049  }
0xb2: {  	s29 =	simm.s32 $0x9;
	_ =	strace $0x8000004B  }
0xb3: {  	_ =	swait.ge [sflag:s29], $0x1  }
0xb4: {  	[sflag:s29] =	ssyncadd.s32 $0xFFFFFFFF  }
0xb5: {  	_ =	strace $0x9000004B  }
0xb6: {  	_ =	sfence  }
0xb7: {  	s30 =	sld [smem:$0x0];
	_ =	sdelay $0x2  }
0xb8: {  	s31 =	sshll.u32 s1, $0xD;
	s1 =	sshrl.u32 s1, $0x2  }
0xb9: {  	s3 =	sand.u32 $0x4000, s31;
	s1 =	sadd.s32 s1, s30  }
0xba: {  	s0 =	sor.u32 s3, s0;
	s1 =	sshll.u32 s1, $0x11  }
0xbb: {  	s0 =	sor.u32 s1, s0  }
0xbc: {  	s0 =	sadd.s32 $0x8F2B, s0  }
0xbd: {  	[sflag:s0] =	ssyncadd.remote.s32 $0x1  }
0xbe: {  	_ =	sfence.sel $0xFFFF  }
0xbf: {  	[dreg:$0x0] =	wrdreg $0xFFFFFFFF;
	(pc) =	sbr.abs _section_cstart, $3  }
0xc0: {  	[dreg:$0x1] =	wrdreg $0xFFFFFFFF  }
0xc1: {  	_ =	task.clear_ibuf [dreg:s6], $0x2FFFF;
	_ =	strace $0x9FFFFFFF  }
0xc2: {  	(tm) =	ssettm $0x7FFFFFFF  }
0xc3: {  	_ =	shalt  }
tec
execute0_lowered:
.L_overlay_start_1:
0x0: {  	(tag) =	ssettag $0x1  }
0x1: {  	s0 =	srdreg.scid;
	s1 =	rddreg [dreg:$0x0]  }
0x2: {  	s10 =	stileid.u32;
	s2 =	rddreg [dreg:$0x1]  }
0x3: {  	s3 =	simm.s32 $0x0;
	s11 =	simm.s32 $0x18800;
	s12 =	simm.s32 $0x18C00  }
0x4: {  	s24 =	simm.s32 $0x18880;
	s13 =	simm.s32 $0x80;
	s25 =	simm.s32 $0x18900  }
0x5: {  	s14 =	simm.s32 $0x19000;
	s26 =	simm.s32 $0x18980;
	s15 =	simm.s32 $0x19800  }
0x6: {  	s16 =	simm.s32 $0x1A000;
	s17 =	simm.s32 $0x1A800;
	s18 =	simm.s32 $0x18A00  }
0x7: {  	s19 =	simm.s32 $0x1B000;
	s28 =	simm.s32 $0x18C80;
	s29 =	simm.s32 $0x18D00  }
0x8: {  	s30 =	simm.s32 $0x18D80;
	s31 =	simm.s32 $0x18E00;
	s5 =	smul.u32 $0xC400, s10  }
0x9: {  	s0 =	sand.u32 $0x1, s0;
	[smem:$0x7FF] =	sst s3;
	s20 =	smul.u32 $0x18800, s10  }
0xa: {  	s21 =	sshll.u32 s10, $0x6;
	s10 =	simm.s32 $0x2;
	s4 =	smul.u32 $0xC4000, s0  }
0xb: {  	_ =	strace $0x8000004A;
	s6 =	ssub.s32 $0x2, s0;
	[dreg:$0x5] =	wrdreg s24  }
0xc: {  	p0 =	seq.s32 s0, $0x1;
	s0 =	simm.s32 $0xDF600;
	[dreg:$0x6] =	wrdreg s25  }
0xd: {  	[dreg:$0x7] =	wrdreg s26;
	s24 =	simm.s32 $0x18B80;
	s25 =	simm.s32 $0x1C800  }
0xe: {  	s26 =	simm.s32 $0x1;
	s8 =	sshrl.u32 s20, $0x3;
	s9 =	sshrl.u32 s6, $0x1  }
0xf: {  	s0 =	simm.s32 @!p0 $0x110600;
	s4 =	sadd.s32 s5, s4;
	s6 =	ssub.s32 s6, s9  }
0x10: {  	s5 =	sadd.s32 s20, s2;
	s4 =	sshrl.u32 s4, $0x3;
	s6 =	smax.u32 s6, $0x1  }
0x11: {  	s7 =	sadd.s32 s4, s1;
	s4 =	sadd.s32 $0x7D600, s1;
	s1 =	sadd.s32 s8, s1  }
0x12: {  	s20 =	simm.s32 $0x18A80;
	[dreg:$0xa] =	wrdreg s6;
	s8 =	sadd.s32 $0xAE600, s1  }
0x13: {  	s9 =	simm.s32 $0x0;
	s0 =	sadd.s32 s0, s1;
	[dreg:$0x8] =	wrdreg s8  }
0x14: {  	s22 =	sadd.s32 $0x1B600, s7;
	s23 =	sadd.s32 $0x4C600, s7;
	[dreg:$0xb] =	wrdreg s0  }
0x15: {  	s7 =	sshrl.u32 s5, $0x3;
	s1 =	simm.s32 $0x18E80;
	[dreg:$0x3] =	wrdreg s22  }
0x16: {  	s5 =	simm.s32 $0x18F80;
	s8 =	sor.u32 $0x1C02, s21;
	[dreg:$0x4] =	wrdreg s23  }
0x17: {  	s21 =	simm.s32 $0x1B800;
	s22 =	simm.s32 $0x18B00;
	[dreg:$0xc] =	wrdreg s7  }
0x18: {  	s23 =	simm.s32 $0x1C000;
	s0 =	simm.s32 $0x18F00;
	[dreg:$0x9] =	wrdreg s8  }
.LBB2_1:
0x19: {  	[dreg:$0xd] =	wrdreg s9  }
0x1a: {  	s6 =	rddreg [dreg:$0x8]  }
0x1b: {  	[spmem:s7], [sflag:s8] =	dma.local [hbm:s6], $0x3100  }
0x1c: {  	_ =	swait.ge [sflag:s10], $0x3100  }
0x1d: {  	[sflag:s10] =	ssyncset.done $0x0  }
0x1e: {  	[sflag:s10] =	ssyncadd.s32 $0xFFFFCF00  }
0x1f: {  	[bflag:$0x0] =	sbarrier.arrive $0xFFFF  }
0x20: {  	s7 =	rddreg [dreg:$0x4]  }
0x21: {  	s6 =	sadd.s32 $0x0, s7  }
0x22: {  	[tilespmem:s11], [sflag:$0x2] =	stream.linear.gather [hbm4b:s6+s3], $0x400, $0x38;
	[tilespmem:$0x1D000] =	vst v63  }
0x23: {  	_ =	swait.ge [sflag:s10], $0x400  }
0x24: {  	s8 =	rddreg [dreg:$0x3];
	[sflag:s10] =	ssyncset.done $0x0  }
0x25: {  	[sflag:s10] =	ssyncadd.s32 $0xFFFFFC00;
	s6 =	sadd.s32 $0x0, s8  }
0x26: {  	[tilespmem:s12], [sflag:$0x2] =	stream.linear.gather [hbm4b:s6+s3], $0x400, $0x38;
	[tilespmem:$0x1D000] =	vst v63  }
0x27: {  	_ =	swait.ge [sflag:s10], $0x400  }
0x28: {  	[sflag:s10] =	ssyncset.done $0x0  }
0x29: {  	[sflag:s10] =	ssyncadd.s32 $0xFFFFFC00  }
0x2a: {  	[tilespmem:s14], [sflag:$0x1] =	stream.indirect.gather [hbm4b:s4+s13], $0x10, s11, s13, $0xb8;
	[tilespmem:$0x1D000] =	vst v63  }
0x2b: {  	s9 =	rddreg [dreg:$0x5]  }
0x2c: {  	[tilespmem:s15], [sflag:$0x1] =	stream.indirect.gather [hbm4b:s4+s13], $0x10, s9, s13, $0xb8;
	[tilespmem:$0x1D000] =	vst v63  }
0x2d: {  	s7 =	rddreg [dreg:$0x6]  }
0x2e: {  	[tilespmem:s16], [sflag:$0x1] =	stream.indirect.gather [hbm4b:s4+s13], $0x10, s7, s13, $0xb8;
	[tilespmem:$0x1D000] =	vst v63  }
0x2f: {  	s9 =	rddreg [dreg:$0x7]  }
0x30: {  	[tilespmem:s17], [sflag:$0x1] =	stream.indirect.gather [hbm4b:s4+s13], $0x10, s9, s13, $0xb8;
	[tilespmem:$0x1D000] =	vst v63  }
0x31: {  	_ = 	snop  }
0x32: {  	[tilespmem:s19], [sflag:$0x1] =	stream.indirect.gather [hbm4b:s4+s13], $0x10, s18, s13, $0xb8;
	[tilespmem:$0x1D000] =	vst v63  }
0x33: {  	_ = 	snop  }
0x34: {  	[tilespmem:s21], [sflag:$0x1] =	stream.indirect.gather [hbm4b:s4+s13], $0x10, s20, s13, $0xb8;
	[tilespmem:$0x1D000] =	vst v63  }
0x35: {  	_ = 	snop  }
0x36: {  	[tilespmem:s23], [sflag:$0x1] =	stream.indirect.gather [hbm4b:s4+s13], $0x10, s22, s13, $0xb8;
	[tilespmem:$0x1D000] =	vst v63  }
0x37: {  	_ = 	snop  }
0x38: {  	[tilespmem:s25], [sflag:$0x1] =	stream.indirect.gather [hbm4b:s4+s13], $0x10, s24, s13, $0xb8;
	[tilespmem:$0x1D000] =	vst v63  }
0x39: {  	_ =	swait.ge [sflag:s26], $0x800  }
0x3a: {  	[sflag:s26] =	ssyncset.done $0x0  }
0x3b: {  	[sflag:s26] =	ssyncadd.s32 $0xFFFFF800  }
0x3c: {  	_ =	swait.ge [sflag:s26], $0x800  }
0x3d: {  	[sflag:s26] =	ssyncset.done $0x0  }
0x3e: {  	[sflag:s26] =	ssyncadd.s32 $0xFFFFF800  }
0x3f: {  	_ =	swait.ge [sflag:s26], $0x800  }
0x40: {  	[sflag:s26] =	ssyncset.done $0x0  }
0x41: {  	[sflag:s26] =	ssyncadd.s32 $0xFFFFF800  }
0x42: {  	_ =	swait.ge [sflag:s26], $0x800  }
0x43: {  	[sflag:s26] =	ssyncset.done $0x0  }
0x44: {  	[sflag:s26] =	ssyncadd.s32 $0xFFFFF800  }
0x45: {  	_ =	swait.ge [sflag:s26], $0x800  }
0x46: {  	[sflag:s26] =	ssyncset.done $0x0  }
0x47: {  	[sflag:s26] =	ssyncadd.s32 $0xFFFFF800  }
0x48: {  	_ =	swait.ge [sflag:s26], $0x800  }
0x49: {  	[sflag:s26] =	ssyncset.done $0x0  }
0x4a: {  	[sflag:s26] =	ssyncadd.s32 $0xFFFFF800  }
0x4b: {  	_ =	swait.ge [sflag:s26], $0x800  }
0x4c: {  	[sflag:s26] =	ssyncset.done $0x0  }
0x4d: {  	[sflag:s26] =	ssyncadd.s32 $0xFFFFF800  }
0x4e: {  	_ =	swait.ge [sflag:s26], $0x800  }
0x4f: {  	[sflag:s26] =	ssyncset.done $0x0  }
0x50: {  	[sflag:s26] =	ssyncadd.s32 $0xFFFFF800  }
0x51: {  	[spmem:s2] =	stream.indirect.scatter.add.f32 [tilespmem:s14], [sflag:$0x2], $0x10, s12, s13, $0xb8;
	[tilespmem:$0x1D000] =	vst v63  }
0x52: {  	_ =	swait.ge [sflag:s10], $0x800  }
0x53: {  	[sflag:s10] =	ssyncset.done $0x0  }
0x54: {  	[sflag:s10] =	ssyncadd.s32 $0xFFFFF800  }
0x55: {  	[spmem:s2] =	stream.indirect.scatter.add.f32 [tilespmem:s15], [sflag:$0x2], $0x10, s28, s13, $0xb8;
	[tilespmem:$0x1D000] =	vst v63  }
0x56: {  	_ =	swait.ge [sflag:s10], $0x800  }
0x57: {  	[sflag:s10] =	ssyncset.done $0x0  }
0x58: {  	[sflag:s10] =	ssyncadd.s32 $0xFFFFF800  }
0x59: {  	[spmem:s2] =	stream.indirect.scatter.add.f32 [tilespmem:s16], [sflag:$0x2], $0x10, s29, s13, $0xb8;
	[tilespmem:$0x1D000] =	vst v63  }
0x5a: {  	_ =	swait.ge [sflag:s10], $0x800  }
0x5b: {  	[sflag:s10] =	ssyncset.done $0x0  }
0x5c: {  	[sflag:s10] =	ssyncadd.s32 $0xFFFFF800  }
0x5d: {  	[spmem:s2] =	stream.indirect.scatter.add.f32 [tilespmem:s17], [sflag:$0x2], $0x10, s30, s13, $0xb8;
	[tilespmem:$0x1D000] =	vst v63  }
0x5e: {  	_ =	swait.ge [sflag:s10], $0x800  }
0x5f: {  	[sflag:s10] =	ssyncset.done $0x0  }
0x60: {  	[sflag:s10] =	ssyncadd.s32 $0xFFFFF800  }
0x61: {  	[spmem:s2] =	stream.indirect.scatter.add.f32 [tilespmem:s19], [sflag:$0x2], $0x10, s31, s13, $0xb8;
	[tilespmem:$0x1D000] =	vst v63  }
0x62: {  	_ =	swait.ge [sflag:s10], $0x800  }
0x63: {  	[sflag:s10] =	ssyncset.done $0x0  }
0x64: {  	[sflag:s10] =	ssyncadd.s32 $0xFFFFF800  }
0x65: {  	[spmem:s2] =	stream.indirect.scatter.add.f32 [tilespmem:s21], [sflag:$0x2], $0x10, s1, s13, $0xb8;
	[tilespmem:$0x1D000] =	vst v63  }
0x66: {  	_ =	swait.ge [sflag:s10], $0x800  }
0x67: {  	[sflag:s10] =	ssyncset.done $0x0  }
0x68: {  	[sflag:s10] =	ssyncadd.s32 $0xFFFFF800  }
0x69: {  	[spmem:s2] =	stream.indirect.scatter.add.f32 [tilespmem:s23], [sflag:$0x2], $0x10, s0, s13, $0xb8;
	[tilespmem:$0x1D000] =	vst v63  }
0x6a: {  	_ =	swait.ge [sflag:s10], $0x800  }
0x6b: {  	[sflag:s10] =	ssyncset.done $0x0  }
0x6c: {  	[sflag:s10] =	ssyncadd.s32 $0xFFFFF800  }
0x6d: {  	[spmem:s2] =	stream.indirect.scatter.add.f32 [tilespmem:s25], [sflag:$0x2], $0x10, s5, s13, $0xb8;
	[tilespmem:$0x1D000] =	vst v63  }
0x6e: {  	s8 =	simm.s32 $0x80;
	_ =	swait.ge [sflag:s10], $0x800  }
0x6f: {  	s6 =	simm.s32 $0x100;
	s9 =	rddreg [dreg:$0x4];
	[sflag:s10] =	ssyncset.done $0x0  }
.LBB2_2:
0x70: {  	[sflag:s10] =	ssyncadd.s32 $0xFFFFF800;
	s9 =	sadd.s32 s8, s9  }
0x71: {  	[tilespmem:s11], [sflag:$0x2] =	stream.linear.gather [hbm4b:s9+s3], $0x400, $0x38;
	[tilespmem:$0x1D000] =	vst v63  }
0x72: {  	_ =	swait.ge [sflag:s10], $0x400  }
0x73: {  	s9 =	rddreg [dreg:$0x3];
	[sflag:s10] =	ssyncset.done $0x0  }
0x74: {  	[sflag:s10] =	ssyncadd.s32 $0xFFFFFC00;
	s9 =	sadd.s32 s8, s9  }
0x75: {  	[tilespmem:s12], [sflag:$0x2] =	stream.linear.gather [hbm4b:s9+s3], $0x400, $0x38;
	[tilespmem:$0x1D000] =	vst v63  }
0x76: {  	_ =	swait.ge [sflag:s10], $0x400  }
0x77: {  	[sflag:s10] =	ssyncset.done $0x0  }
0x78: {  	s7 =	smov.u32 s6;
	[sflag:s10] =	ssyncadd.s32 $0xFFFFFC00  }
0x79: {  	[tilespmem:s14], [sflag:$0x1] =	stream.indirect.gather [hbm4b:s4+s13], $0x10, s11, s13, $0xb8;
	[tilespmem:$0x1D000] =	vst v63  }
0x7a: {  	s8 =	smov.u32 s7;
	s7 =	rddreg [dreg:$0x5]  }
0x7b: {  	[tilespmem:s15], [sflag:$0x1] =	stream.indirect.gather [hbm4b:s4+s13], $0x10, s7, s13, $0xb8;
	[tilespmem:$0x1D000] =	vst v63  }
0x7c: {  	s9 =	rddreg [dreg:$0x6]  }
0x7d: {  	[tilespmem:s16], [sflag:$0x1] =	stream.indirect.gather [hbm4b:s4+s13], $0x10, s9, s13, $0xb8;
	[tilespmem:$0x1D000] =	vst v63  }
0x7e: {  	s7 =	rddreg [dreg:$0x7]  }
0x7f: {  	[tilespmem:s17], [sflag:$0x1] =	stream.indirect.gather [hbm4b:s4+s13], $0x10, s7, s13, $0xb8;
	[tilespmem:$0x1D000] =	vst v63  }
0x80: {  	_ = 	snop  }
0x81: {  	[tilespmem:s19], [sflag:$0x1] =	stream.indirect.gather [hbm4b:s4+s13], $0x10, s18, s13, $0xb8;
	[tilespmem:$0x1D000] =	vst v63  }
0x82: {  	_ = 	snop  }
0x83: {  	[tilespmem:s21], [sflag:$0x1] =	stream.indirect.gather [hbm4b:s4+s13], $0x10, s20, s13, $0xb8;
	[tilespmem:$0x1D000] =	vst v63  }
0x84: {  	_ = 	snop  }
0x85: {  	[tilespmem:s23], [sflag:$0x1] =	stream.indirect.gather [hbm4b:s4+s13], $0x10, s22, s13, $0xb8;
	[tilespmem:$0x1D000] =	vst v63  }
0x86: {  	_ = 	snop  }
0x87: {  	[tilespmem:s25], [sflag:$0x1] =	stream.indirect.gather [hbm4b:s4+s13], $0x10, s24, s13, $0xb8;
	[tilespmem:$0x1D000] =	vst v63  }
0x88: {  	_ =	swait.ge [sflag:s26], $0x800  }
0x89: {  	[sflag:s26] =	ssyncset.done $0x0  }
0x8a: {  	[sflag:s26] =	ssyncadd.s32 $0xFFFFF800  }
0x8b: {  	_ =	swait.ge [sflag:s26], $0x800  }
0x8c: {  	[sflag:s26] =	ssyncset.done $0x0  }
0x8d: {  	[sflag:s26] =	ssyncadd.s32 $0xFFFFF800  }
0x8e: {  	_ =	swait.ge [sflag:s26], $0x800  }
0x8f: {  	[sflag:s26] =	ssyncset.done $0x0  }
0x90: {  	[sflag:s26] =	ssyncadd.s32 $0xFFFFF800  }
0x91: {  	_ =	swait.ge [sflag:s26], $0x800  }
0x92: {  	[sflag:s26] =	ssyncset.done $0x0  }
0x93: {  	[sflag:s26] =	ssyncadd.s32 $0xFFFFF800  }
0x94: {  	_ =	swait.ge [sflag:s26], $0x800  }
0x95: {  	[sflag:s26] =	ssyncset.done $0x0  }
0x96: {  	[sflag:s26] =	ssyncadd.s32 $0xFFFFF800  }
0x97: {  	_ =	swait.ge [sflag:s26], $0x800  }
0x98: {  	[sflag:s26] =	ssyncset.done $0x0  }
0x99: {  	[sflag:s26] =	ssyncadd.s32 $0xFFFFF800  }
0x9a: {  	_ =	swait.ge [sflag:s26], $0x800  }
0x9b: {  	[sflag:s26] =	ssyncset.done $0x0  }
0x9c: {  	[sflag:s26] =	ssyncadd.s32 $0xFFFFF800  }
0x9d: {  	_ =	swait.ge [sflag:s26], $0x800  }
0x9e: {  	[sflag:s26] =	ssyncset.done $0x0  }
0x9f: {  	[sflag:s26] =	ssyncadd.s32 $0xFFFFF800  }
0xa0: {  	[spmem:s2] =	stream.indirect.scatter.add.f32 [tilespmem:s14], [sflag:$0x2], $0x10, s12, s13, $0xb8;
	[tilespmem:$0x1D000] =	vst v63  }
0xa1: {  	_ =	swait.ge [sflag:s10], $0x800  }
0xa2: {  	[sflag:s10] =	ssyncset.done $0x0  }
0xa3: {  	[sflag:s10] =	ssyncadd.s32 $0xFFFFF800  }
0xa4: {  	[spmem:s2] =	stream.indirect.scatter.add.f32 [tilespmem:s15], [sflag:$0x2], $0x10, s28, s13, $0xb8;
	[tilespmem:$0x1D000] =	vst v63  }
0xa5: {  	_ =	swait.ge [sflag:s10], $0x800  }
0xa6: {  	[sflag:s10] =	ssyncset.done $0x0  }
0xa7: {  	[sflag:s10] =	ssyncadd.s32 $0xFFFFF800  }
0xa8: {  	[spmem:s2] =	stream.indirect.scatter.add.f32 [tilespmem:s16], [sflag:$0x2], $0x10, s29, s13, $0xb8;
	[tilespmem:$0x1D000] =	vst v63  }
0xa9: {  	_ =	swait.ge [sflag:s10], $0x800  }
0xaa: {  	[sflag:s10] =	ssyncset.done $0x0  }
0xab: {  	[sflag:s10] =	ssyncadd.s32 $0xFFFFF800  }
0xac: {  	[spmem:s2] =	stream.indirect.scatter.add.f32 [tilespmem:s17], [sflag:$0x2], $0x10, s30, s13, $0xb8;
	[tilespmem:$0x1D000] =	vst v63  }
0xad: {  	_ =	swait.ge [sflag:s10], $0x800  }
0xae: {  	[sflag:s10] =	ssyncset.done $0x0  }
0xaf: {  	[sflag:s10] =	ssyncadd.s32 $0xFFFFF800  }
0xb0: {  	[spmem:s2] =	stream.indirect.scatter.add.f32 [tilespmem:s19], [sflag:$0x2], $0x10, s31, s13, $0xb8;
	[tilespmem:$0x1D000] =	vst v63  }
0xb1: {  	_ =	swait.ge [sflag:s10], $0x800  }
0xb2: {  	[sflag:s10] =	ssyncset.done $0x0  }
0xb3: {  	[sflag:s10] =	ssyncadd.s32 $0xFFFFF800  }
0xb4: {  	[spmem:s2] =	stream.indirect.scatter.add.f32 [tilespmem:s21], [sflag:$0x2], $0x10, s1, s13, $0xb8;
	[tilespmem:$0x1D000] =	vst v63  }
0xb5: {  	_ =	swait.ge [sflag:s10], $0x800  }
0xb6: {  	[sflag:s10] =	ssyncset.done $0x0  }
0xb7: {  	[sflag:s10] =	ssyncadd.s32 $0xFFFFF800  }
0xb8: {  	[spmem:s2] =	stream.indirect.scatter.add.f32 [tilespmem:s23], [sflag:$0x2], $0x10, s0, s13, $0xb8;
	[tilespmem:$0x1D000] =	vst v63  }
0xb9: {  	p0 =	sne.s32 s6, $0x1800;
	_ =	swait.ge [sflag:s10], $0x800  }
.Ltmp0:
0xba: {  	[sflag:s10] =	ssyncset.done $0x0;
	(pc) =	sbr.rel @p0 .LBB2_2-.Ltmp0, $4  }
0xbb: {  	[sflag:s10] =	ssyncadd.s32 $0xFFFFF800  }
0xbc: {  	[spmem:s2] =	stream.indirect.scatter.add.f32 [tilespmem:s25], [sflag:$0x2], $0x10, s5, s13, $0xb8;
	[tilespmem:$0x1D000] =	vst v63  }
0xbd: {  	_ =	swait.ge [sflag:s10], $0x800  }
0xbe: {  	s6 =	sadd.s32 $0x80, s6;
	s9 =	rddreg [dreg:$0x4];
	[sflag:s10] =	ssyncset.done $0x0  }
0xbf: {  	[sflag:s10] =	ssyncadd.s32 $0xFFFFF800;
	s6 =	sadd.s32 s8, s9  }
0xc0: {  	[tilespmem:s11], [sflag:$0x2] =	stream.linear.gather [hbm4b:s6+s3], $0x400, $0x38;
	[tilespmem:$0x1D000] =	vst v63  }
0xc1: {  	_ =	swait.ge [sflag:s10], $0x400  }
0xc2: {  	s7 =	rddreg [dreg:$0x3];
	[sflag:s10] =	ssyncset.done $0x0  }
0xc3: {  	[sflag:s10] =	ssyncadd.s32 $0xFFFFFC00;
	s6 =	sadd.s32 s8, s7  }
0xc4: {  	[tilespmem:s12], [sflag:$0x2] =	stream.linear.gather [hbm4b:s6+s3], $0x400, $0x38;
	[tilespmem:$0x1D000] =	vst v63  }
0xc5: {  	_ =	swait.ge [sflag:s10], $0x400  }
0xc6: {  	[sflag:s10] =	ssyncset.done $0x0  }
0xc7: {  	[sflag:s10] =	ssyncadd.s32 $0xFFFFFC00  }
0xc8: {  	[tilespmem:s14], [sflag:$0x1] =	stream.indirect.gather [hbm4b:s4+s13], $0x10, s11, s13, $0xb8;
	[tilespmem:$0x1D000] =	vst v63  }
0xc9: {  	s9 =	rddreg [dreg:$0x5]  }
0xca: {  	[tilespmem:s15], [sflag:$0x1] =	stream.indirect.gather [hbm4b:s4+s13], $0x10, s9, s13, $0xb8;
	[tilespmem:$0x1D000] =	vst v63  }
0xcb: {  	s7 =	rddreg [dreg:$0x6]  }
0xcc: {  	[tilespmem:s16], [sflag:$0x1] =	stream.indirect.gather [hbm4b:s4+s13], $0x10, s7, s13, $0xb8;
	[tilespmem:$0x1D000] =	vst v63  }
0xcd: {  	s8 =	rddreg [dreg:$0x7]  }
0xce: {  	[tilespmem:s17], [sflag:$0x1] =	stream.indirect.gather [hbm4b:s4+s13], $0x10, s8, s13, $0xb8;
	[tilespmem:$0x1D000] =	vst v63  }
0xcf: {  	_ = 	snop  }
0xd0: {  	[tilespmem:s19], [sflag:$0x1] =	stream.indirect.gather [hbm4b:s4+s13], $0x10, s18, s13, $0xb8;
	[tilespmem:$0x1D000] =	vst v63  }
0xd1: {  	_ = 	snop  }
0xd2: {  	[tilespmem:s21], [sflag:$0x1] =	stream.indirect.gather [hbm4b:s4+s13], $0x10, s20, s13, $0xb8;
	[tilespmem:$0x1D000] =	vst v63  }
0xd3: {  	_ = 	snop  }
0xd4: {  	[tilespmem:s23], [sflag:$0x1] =	stream.indirect.gather [hbm4b:s4+s13], $0x10, s22, s13, $0xb8;
	[tilespmem:$0x1D000] =	vst v63  }
0xd5: {  	_ = 	snop  }
0xd6: {  	[tilespmem:s25], [sflag:$0x1] =	stream.indirect.gather [hbm4b:s4+s13], $0x10, s24, s13, $0xb8;
	[tilespmem:$0x1D000] =	vst v63  }
0xd7: {  	_ =	swait.ge [sflag:s26], $0x800  }
0xd8: {  	[sflag:s26] =	ssyncset.done $0x0  }
0xd9: {  	[sflag:s26] =	ssyncadd.s32 $0xFFFFF800  }
0xda: {  	_ =	swait.ge [sflag:s26], $0x800  }
0xdb: {  	[sflag:s26] =	ssyncset.done $0x0  }
0xdc: {  	[sflag:s26] =	ssyncadd.s32 $0xFFFFF800  }
0xdd: {  	_ =	swait.ge [sflag:s26], $0x800  }
0xde: {  	[sflag:s26] =	ssyncset.done $0x0  }
0xdf: {  	[sflag:s26] =	ssyncadd.s32 $0xFFFFF800  }
0xe0: {  	_ =	swait.ge [sflag:s26], $0x800  }
0xe1: {  	[sflag:s26] =	ssyncset.done $0x0  }
0xe2: {  	[sflag:s26] =	ssyncadd.s32 $0xFFFFF800  }
0xe3: {  	_ =	swait.ge [sflag:s26], $0x800  }
0xe4: {  	[sflag:s26] =	ssyncset.done $0x0  }
0xe5: {  	[sflag:s26] =	ssyncadd.s32 $0xFFFFF800  }
0xe6: {  	_ =	swait.ge [sflag:s26], $0x800  }
0xe7: {  	[sflag:s26] =	ssyncset.done $0x0  }
0xe8: {  	[sflag:s26] =	ssyncadd.s32 $0xFFFFF800  }
0xe9: {  	_ =	swait.ge [sflag:s26], $0x800  }
0xea: {  	[sflag:s26] =	ssyncset.done $0x0  }
0xeb: {  	[sflag:s26] =	ssyncadd.s32 $0xFFFFF800  }
0xec: {  	_ =	swait.ge [sflag:s26], $0x800  }
0xed: {  	[sflag:s26] =	ssyncset.done $0x0  }
0xee: {  	[sflag:s26] =	ssyncadd.s32 $0xFFFFF800  }
0xef: {  	[spmem:s2] =	stream.indirect.scatter.add.f32 [tilespmem:s14], [sflag:$0x2], $0x10, s12, s13, $0xb8;
	[tilespmem:$0x1D000] =	vst v63  }
0xf0: {  	_ =	swait.ge [sflag:s10], $0x800  }
0xf1: {  	[sflag:s10] =	ssyncset.done $0x0  }
0xf2: {  	[sflag:s10] =	ssyncadd.s32 $0xFFFFF800  }
0xf3: {  	[spmem:s2] =	stream.indirect.scatter.add.f32 [tilespmem:s15], [sflag:$0x2], $0x10, s28, s13, $0xb8;
	[tilespmem:$0x1D000] =	vst v63  }
0xf4: {  	_ =	swait.ge [sflag:s10], $0x800  }
0xf5: {  	[sflag:s10] =	ssyncset.done $0x0  }
0xf6: {  	[sflag:s10] =	ssyncadd.s32 $0xFFFFF800  }
0xf7: {  	[spmem:s2] =	stream.indirect.scatter.add.f32 [tilespmem:s16], [sflag:$0x2], $0x10, s29, s13, $0xb8;
	[tilespmem:$0x1D000] =	vst v63  }
0xf8: {  	_ =	swait.ge [sflag:s10], $0x800  }
0xf9: {  	[sflag:s10] =	ssyncset.done $0x0  }
0xfa: {  	[sflag:s10] =	ssyncadd.s32 $0xFFFFF800  }
0xfb: {  	[spmem:s2] =	stream.indirect.scatter.add.f32 [tilespmem:s17], [sflag:$0x2], $0x10, s30, s13, $0xb8;
	[tilespmem:$0x1D000] =	vst v63  }
0xfc: {  	_ =	swait.ge [sflag:s10], $0x800  }
0xfd: {  	[sflag:s10] =	ssyncset.done $0x0  }
0xfe: {  	[sflag:s10] =	ssyncadd.s32 $0xFFFFF800  }
0xff: {  	[spmem:s2] =	stream.indirect.scatter.add.f32 [tilespmem:s19], [sflag:$0x2], $0x10, s31, s13, $0xb8;
	[tilespmem:$0x1D000] =	vst v63  }
0x100: {  	_ =	swait.ge [sflag:s10], $0x800  }
0x101: {  	[sflag:s10] =	ssyncset.done $0x0  }
0x102: {  	[sflag:s10] =	ssyncadd.s32 $0xFFFFF800  }
0x103: {  	[spmem:s2] =	stream.indirect.scatter.add.f32 [tilespmem:s21], [sflag:$0x2], $0x10, s1, s13, $0xb8;
	[tilespmem:$0x1D000] =	vst v63  }
0x104: {  	_ =	swait.ge [sflag:s10], $0x800  }
0x105: {  	[sflag:s10] =	ssyncset.done $0x0  }
0x106: {  	[sflag:s10] =	ssyncadd.s32 $0xFFFFF800  }
0x107: {  	[spmem:s2] =	stream.indirect.scatter.add.f32 [tilespmem:s23], [sflag:$0x2], $0x10, s0, s13, $0xb8;
	[tilespmem:$0x1D000] =	vst v63  }
0x108: {  	_ =	swait.ge [sflag:s10], $0x800  }
0x109: {  	[sflag:s10] =	ssyncset.done $0x0  }
0x10a: {  	[sflag:s10] =	ssyncadd.s32 $0xFFFFF800  }
0x10b: {  	[spmem:s2] =	stream.indirect.scatter.add.f32 [tilespmem:s25], [sflag:$0x2], $0x10, s5, s13, $0xb8;
	[tilespmem:$0x1D000] =	vst v63  }
0x10c: {  	_ =	swait.ge [sflag:s10], $0x800  }
0x10d: {  	[sflag:s10] =	ssyncset.done $0x0  }
0x10e: {  	[sflag:s10] =	ssyncadd.s32 $0xFFFFF800  }
0x10f: {  	[bflag:$0x0] =	sbarrier.arrive $0xFFFF  }
0x110: {  	s8 =	rddreg [dreg:$0x9]  }
0x111: {  	s9 =	rddreg [dreg:$0xb]  }
0x112: {  	s7 =	rddreg [dreg:$0xc]  }
0x113: {  	[hbm:s9], [sflag:s8] =	dma.local [spmem:s7], $0x3100  }
0x114: {  	_ =	swait.ge [sflag:s10], $0x3100  }
0x115: {  	s6 =	rddreg [dreg:$0xd]  }
0x116: {  	s9 =	sadd.s32 $0x1, s6;
	s6 =	rddreg [dreg:$0xa]  }
0x117: {  	p0 =	sne.s32 s9, s6  }
.Ltmp1:
0x118: {  	_ = 	snop;
	(pc) =	sbr.rel @p0 .LBB2_1-.Ltmp1, $3  }
0x119: {  	_ =	sdelay $0x1  }
0x11a: {  	[sflag:s10] =	ssyncset.done $0x0  }
0x11b: {  	[sflag:s10] =	ssyncadd.s32 $0xFFFFCF00  }
0x11c: {  	_ =	sfence.sel $0x180000  }
0x11d: {  	[bflag:$0x0] =	sbarrier.arrive $0xFFFF  }
0x11e: {  	_ =	strace $0x9000004A  }
0x11f: {  	s0 =	stileid.u32;
	[bflag:$0x2] =	sbarrier.arrive $0xFFFF  }
0x120: {  	p0 =	sne.s32 s0, $0x0;
	s0 =	rddreg [dreg:$0x2]  }
0x121: {  	s0 =	sadd.s32 @!p0 $0x100000, s0  }
0x122: {  	[sflag:s0] =	ssyncadd.tile.s32 @!p0 $0x1;
	_ =	shalt  }
.Lfunc_end2:
_tile_overlayer_lowered:
.L_overlay_start_2:
0x123: {  	(tag) =	ssettag $0x2  }
0x124: {  	s0 =	rddreg [dreg:$0x0];
	s2 =	stileid.u32  }
0x125: {  	s1 =	rddreg [dreg:$0x1];
	p0 =	sne.s32 s2, $0x0  }
0x126: {  	s3 =	rddreg [dreg:$0x2];
	[bflag:$0x3] =	sbarrier.arrive $0xFFFF;
	s2 =	simm.s32 @!p0 $0x1C02  }
0x127: {  	[timem:s3], [sflag:s2] =	dma.local @!p0 [hbm:s0], s1  }
0x128: {  	s0 =	simm.s32 @!p0 $0x2  }
0x129: {  	_ =	swait.ge @!p0 [sflag:s0], s1  }
0x12a: {  	s1 =	ssub.s32 @!p0 $0x0, s1;
	[sflag:s0] =	ssyncset.done @!p0 $0x0  }
0x12b: {  	[sflag:s0] =	ssyncadd.s32 @!p0 s1  }
0x12c: {  	[bflag:$0x3] =	sbarrier.arrive $0xFFFF  }
0x12d: {  	_ =	shalt  }

// kernel: kernel.13.cloned.1.call-start
scs
__scs_entry_jumppad:
0x0: {  	(pc) =	sbr.rel $0x88, $3  }
0x1: {  	(tag) =	ssettag $0x0;
	lr =	simm.s32 $0x1  }
0x2: {  	[smem:$0x3F92] =	sst lr;
	_ =	strace $0xD0000000  }
0x3: {  	_ = 	snop  }
0x4: {  	_ = 	snop  }
0x5: {  	_ = 	snop  }
0x6: {  	_ = 	snop  }
0x7: {  	_ = 	snop  }
__scs_overlays_trampoline_lowered:
0x8: {  	[smem:$0x3FA1] =	sst s0  }
0x9: {  	[smem:$0x3FA2] =	sst s1  }
0xa: {  	[smem:$0x3FA3] =	sst s2  }
0xb: {  	[smem:$0x3FA4] =	sst s3  }
0xc: {  	[smem:$0x3FA5] =	sst s4  }
0xd: {  	[smem:$0x3FA6] =	sst s5  }
0xe: {  	[smem:$0x3FA7] =	sst s6  }
0xf: {  	[smem:$0x3FA8] =	sst s7  }
0x10: {  	[smem:$0x3FA9] =	sst s8  }
0x11: {  	[smem:$0x3FAA] =	sst s9;
	s0 =	simm.s32 @!p0 $0x0  }
0x12: {  	s1 =	sld [smem:$0x3F90];
	s0 =	simm.s32 @p0 $0x1  }
0x13: {  	[smem:$0x3FAB] =	sst s0;
	s0 =	simm.s32 @!p1 $0x0  }
0x14: {  	s2 =	sld [smem:$0x3F8F];
	s0 =	simm.s32 @p1 $0x1  }
0x15: {  	[smem:$0x3FAC] =	sst s0;
	s0 =	simm.s32 @!p2 $0x0  }
0x16: {  	s3 =	sld [smem:$0x3FDB];
	s0 =	simm.s32 @p2 $0x1  }
0x17: {  	s4 =	simm.s32 $0x1BF5;
	[smem:$0x3FAE] =	sst s0  }
0x18: {  	s0 =	sld [smem:$0x3F91];
	_ =	swait.ge [sflag:s4], $0x0  }
0x19: {  	s7 =	sld [smem:$0x3F92]  }
0x1a: {  	s8 =	sadd.s32 $0xFFFFE003, lr  }
0x1b: {  	s9 =	sadd.s32 $0xFFFFFEF7, lr;
	s5 =	simm.s32 $0xFFFFFFFF;
	p2 =	slt.u32 s8, $0xFFFFF086  }
0x1c: {  	p1 =	slt.u32 s9, $0xF7A;
	s5 =	simm.s32 @!p2 $0x0  }
0x1d: {  	s5 =	simm.s32 @p1 $0x1;
	p0 =	seq.s32 s7, s2  }
0x1e: {  	s7 =	smul.u32 @!p0 $0xF7A, s2;
	p2 =	seq.s32 @!p0 s5, $0x0  }
0x1f: {  	s9 =	smul.u32 $0xF7A, s1;
	s8 =	simm.s32 @!p0 $0x1BF5;
	p2 =	por !p2, p0  }
0x20: {  	[sflag:s8] =	ssyncset.s32 @!p0 $0xFFFFF086;
	s6 =	sadd.s32 @!p0 s3, s7;
	s7 =	simm.s32 @!p0 $0x108  }
0x21: {  	s3 =	sadd.s32 s3, s9;
	s6 =	sadd.s32 @!p0 $0x88, s6;
	s7 =	simm.s32 @p2 $0x1082  }
0x22: {  	[simem:s7], [sflag:s8] =	dma.local @!p0 [hbm:s6], $0xF7A  }
0x23: {  	s9 =	sor.u32 $0xD0000000, s2;
	s6 =	simm.s32 $0x108;
	_ =	swait.ge @!p0 [sflag:s8], $0x0  }
0x24: {  	s3 =	sadd.s32 $0x88, s3;
	s6 =	simm.s32 @!p1 $0x1082;
	[sflag:s4] =	ssyncset.s32 $0xFFFFF086  }
0x25: {  	[simem:s6], [sflag:s4] =	dma.local [hbm:s3], $0xF7A  }
0x26: {  	[smem:$0x3F92] =	sst s1;
	(tag) =	ssettag s2;
	_ =	strace s9  }
0x27: {  	s1 =	sld [smem:$0x3FA2]  }
0x28: {  	s2 =	sld [smem:$0x3FA3]  }
0x29: {  	s4 =	sld [smem:$0x3FA5]  }
0x2a: {  	p0 =	seq.s32 s5, $0x0;
	s5 =	sld [smem:$0x3FA6]  }
0x2b: {  	s6 =	sld [smem:$0x3FA7]  }
0x2c: {  	s7 =	sld [smem:$0x3FA8]  }
0x2d: {  	s3 =	simm.s32 $0x108;
	s8 =	sld [smem:$0x3FA9]  }
0x2e: {  	s3 =	simm.s32 @!p0 $0x1082;
	s9 =	sld [smem:$0x3FAA]  }
0x2f: {  	lr =	sadd.s32 s0, s3;
	s0 =	sld [smem:$0x3FA1]  }
0x30: {  	s3 =	sld [smem:$0x3FA4]  }
0x31: {  	[smem:$0x3FAD] =	sst s10  }
0x32: {  	s10 =	sld [smem:$0x3FAB];
	_ =	sdelay $0x3  }
0x33: {  	p0 =	seq.s32 s10, $0x1;
	s10 =	sld [smem:$0x3FAD];
	_ =	sdelay $0x3  }
0x34: {  	[smem:$0x3FAD] =	sst s10  }
0x35: {  	s10 =	sld [smem:$0x3FAC];
	_ =	sdelay $0x3  }
0x36: {  	p1 =	seq.s32 s10, $0x1;
	s10 =	sld [smem:$0x3FAD];
	_ =	sdelay $0x3  }
0x37: {  	[smem:$0x3FAD] =	sst s10  }
0x38: {  	s10 =	sld [smem:$0x3FAE]  }
0x39: {  	_ = 	snop;
	(pc) =	sbr.ind lr, $3  }
0x3a: {  	_ = 	snop  }
0x3b: {  	_ = 	snop  }
0x3c: {  	p2 =	seq.s32 s10, $0x1;
	s10 =	sld [smem:$0x3FAD]  }
0x3d: {  	_ =	shalt  }
0x3e: {  	_ =	shalt  }
0x3f: {  	_ =	shalt  }
0x40: {  	_ =	shalt  }
0x41: {  	_ =	shalt  }
0x42: {  	_ =	shalt  }
0x43: {  	_ =	shalt  }
0x44: {  	_ =	shalt  }
0x45: {  	_ =	shalt  }
0x46: {  	_ =	shalt  }
0x47: {  	_ =	shalt  }
0x48: {  	_ =	shalt  }
0x49: {  	_ =	shalt  }
0x4a: {  	_ =	shalt  }
0x4b: {  	_ =	shalt  }
0x4c: {  	_ =	shalt  }
0x4d: {  	_ =	shalt  }
0x4e: {  	_ =	shalt  }
0x4f: {  	_ =	shalt  }
0x50: {  	_ =	shalt  }
0x51: {  	_ =	shalt  }
0x52: {  	_ =	shalt  }
0x53: {  	_ =	shalt  }
0x54: {  	_ =	shalt  }
0x55: {  	_ =	shalt  }
0x56: {  	_ =	shalt  }
0x57: {  	_ =	shalt  }
0x58: {  	_ =	shalt  }
0x59: {  	_ =	shalt  }
0x5a: {  	_ =	shalt  }
0x5b: {  	_ =	shalt  }
0x5c: {  	_ =	shalt  }
0x5d: {  	_ =	shalt  }
0x5e: {  	_ =	shalt  }
0x5f: {  	_ =	shalt  }
0x60: {  	_ =	shalt  }
0x61: {  	_ =	shalt  }
0x62: {  	_ =	shalt  }
0x63: {  	_ =	shalt  }
0x64: {  	_ =	shalt  }
0x65: {  	_ =	shalt  }
0x66: {  	_ =	shalt  }
0x67: {  	_ =	shalt  }
0x68: {  	_ =	shalt  }
0x69: {  	_ =	shalt  }
0x6a: {  	_ =	shalt  }
0x6b: {  	_ =	shalt  }
0x6c: {  	_ =	shalt  }
0x6d: {  	_ =	shalt  }
0x6e: {  	_ =	shalt  }
0x6f: {  	_ =	shalt  }
0x70: {  	_ =	shalt  }
0x71: {  	_ =	shalt  }
0x72: {  	_ =	shalt  }
0x73: {  	_ =	shalt  }
0x74: {  	_ =	shalt  }
0x75: {  	_ =	shalt  }
0x76: {  	_ =	shalt  }
0x77: {  	_ =	shalt  }
0x78: {  	_ =	shalt  }
0x79: {  	_ =	shalt  }
0x7a: {  	_ =	shalt  }
0x7b: {  	_ =	shalt  }
0x7c: {  	_ =	shalt  }
0x7d: {  	_ =	shalt  }
0x7e: {  	_ =	shalt  }
0x7f: {  	_ =	shalt  }
0x80: {  	_ =	shalt  }
0x81: {  	_ =	shalt  }
0x82: {  	_ =	shalt  }
0x83: {  	_ =	shalt  }
0x84: {  	_ =	shalt  }
0x85: {  	_ =	shalt  }
0x86: {  	_ =	shalt  }
0x87: {  	_ =	shalt  }
.Lfunc_end0:
.L_simem_size_0:
called_computation.2_lowered:
.L_overlay_start_0:
0x88: {  	s2 =	sld [smem:$0x3FD9]  }
0x89: {  	s3 =	sld [smem:$0x3FFE];
	_ =	sdelay $0x1  }
0x8a: {  	s1 =	srdreg.scid  }
0x8b: {  	s0 =	sand.u32 $0x1, s1  }
0x8c: {  	s17 =	sshll.u32 s0, $0xA;
	s2 =	sadd.s32 s3, s2  }
0x8d: {  	s2 =	sadd.s32 s2, s17  }
0x8e: {  	[smem:$0x3FB9] =	sst s2  }
0x8f: {  	_ = 	snop  }
0x90: {  	(tm) =	ssettm $0x1  }
0x91: {  	s18 =	sld [smem:$0x3FFB];
	_ =	sdelay $0x3  }
0x92: {  	_ =	strace s18  }
0x93: {  	s2 =	sld [smem:$0x3FFC];
	_ =	sdelay $0x3  }
0x94: {  	_ =	strace s2  }
0x95: {  	s2 =	sld [smem:$0x3FFD];
	_ =	sdelay $0x3  }
0x96: {  	_ =	strace s2  }
0x97: {  	_ =	strace $0x8FFFFFFF  }
0x98: {  	s19 =	sld [smem:$0x3FDB];
	_ =	sdelay $0x1  }
0x99: {  	s20 =	simm.s32 $_scs_section_size  }
0x9a: {  	s4 =	simm.s32 $_size__tile_overlayer_lowered;
	s5 =	simm.s32 $_tile_overlayer_lowered  }
0x9b: {  	s6 =	simm.s32 $0x1BFF;
	s21 =	sshll.u32 s5, $0x1;
	s3 =	sadd.s32 s20, s19  }
0x9c: {  	s22 =	simm.s32 $0x0;
	s4 =	sshll.u32 s4, $0x1;
	s5 =	sadd.s32 s21, s3  }
0x9d: {  	[timem:s22], [sflag:s6] =	dma.local [hbm:s5], s4  }
0x9e: {  	_ =	swait.ge [sflag:s6], s4  }
0x9f: {  	s4 =	ssub.s32 $0x0, s4;
	[sflag:s6] =	ssyncset.done $0x0  }
0xa0: {  	[sflag:s6] =	ssyncadd.s32 s4;
	_ =	sdelay $0x1  }
0xa1: {  	s23 =	simm.s32 $0x1B8B  }
0xa2: {  	_ =	swait.ge [sflag:s23], $0x1  }
0xa3: {  	[sflag:s23] =	ssyncset.done $0x0  }
0xa4: {  	[sflag:s23] =	ssyncadd.s32 $0xFFFFFFFF  }
0xa5: {  	s4 =	sld [smem:$0x0]  }
0xa6: {  	s5 =	sand.u32 $0xFFFFFFFE, s1  }
0xa7: {  	p0 =	sne.s32 s1, s5  }
0xa8: {  	s5 =	sshll.u32 @p0 s5, $0xE  }
0xa9: {  	s5 =	sadd.s32 @p0 $0x11B8D, s5;
	s6 =	sshll.u32 @p0 s4, $0x11  }
0xaa: {  	s5 =	sor.u32 @p0 s6, s5  }
0xab: {  	[sflag:s5] =	ssyncadd.remote.s32 @p0 $0x1;
	_ =	sdelay $0x1  }
0xac: {  	s5 =	simm.s32 @p0 $0x1B8D  }
0xad: {  	_ =	swait.eq @p0 [sflag:s5], $0x1  }
0xae: {  	[sflag:s5] =	ssyncadd.s32 @p0 $0xFFFFFFFF  }
0xaf: {  	s6 =	sshll.u32 @!p0 s1, $0xE  }
0xb0: {  	s6 =	sor.u32 @!p0 $0x4000, s6;
	s5 =	simm.s32 @!p0 $0x1B8D  }
0xb1: {  	s4 =	sshll.u32 @!p0 s4, $0x11;
	s6 =	sadd.s32 @!p0 $0x11B8D, s6;
	_ =	swait.eq @!p0 [sflag:s5], $0x1  }
0xb2: {  	s4 =	sor.u32 @!p0 s4, s6;
	[sflag:s5] =	ssyncadd.s32 @!p0 $0xFFFFFFFF  }
0xb3: {  	s25 =	simm.s32 $0x1B8E;
	s24 =	sld [smem:$0x3FFE];
	[sflag:s4] =	ssyncadd.remote.s32 @!p0 $0x1  }
0xb4: {  	s26 =	simm.s32 $execute0_lowered;
	[smem:$0x3FD2] =	sst s25  }
0xb5: {  	s5 =	sshll.u32 s26, $0x1;
	_ =	strace $0x8000004C;
	[dreg:$0x1] =	wrdreg $0xFFFFFFFF  }
0xb6: {  	s28 =	simm.s32 $_size_execute0_lowered;
	s3 =	sadd.s32 s3, s5;
	[dreg:$0x0] =	wrdreg $0x0  }
0xb7: {  	s5 =	sshll.u32 s28, $0x1;
	[dreg:$0x2] =	wrdreg s3  }
0xb8: {  	[dreg:$0x3] =	wrdreg s5  }
0xb9: {  	[dreg:$0x4] =	wrdreg $0xC0  }
0xba: {  	_ =	task [dreg:s22], $0x5FFFF  }
0xbb: {  	[dreg:$0x1] =	wrdreg $0xFFFFFFFF  }
0xbc: {  	[dreg:$0x0] =	wrdreg $0x60  }
0xbd: {  	[dreg:$0x2] =	wrdreg s24  }
0xbe: {  	[dreg:$0x3] =	wrdreg $0x0  }
0xbf: {  	[dreg:$0x4] =	wrdreg $0xA  }
0xc0: {  	_ =	task.clear_ibuf [dreg:s22], $0x5FFFF;
	_ =	strace $0x9000004C  }
0xc1: {  	s29 =	simm.s32 $0xA;
	_ =	strace $0x8000004E  }
0xc2: {  	_ =	swait.ge [sflag:s29], $0x1  }
0xc3: {  	[sflag:s29] =	ssyncadd.s32 $0xFFFFFFFF  }
0xc4: {  	_ =	strace $0x9000004E  }
0xc5: {  	_ =	sfence  }
0xc6: {  	s30 =	sld [smem:$0x0];
	_ =	sdelay $0x2  }
0xc7: {  	s31 =	sshll.u32 s1, $0xD;
	s1 =	sshrl.u32 s1, $0x2  }
0xc8: {  	s4 =	sand.u32 $0x4000, s31;
	s1 =	sadd.s32 s1, s30  }
0xc9: {  	s0 =	sor.u32 s4, s0;
	s1 =	sshll.u32 s1, $0x11  }
0xca: {  	s0 =	sor.u32 s1, s0  }
0xcb: {  	s0 =	sadd.s32 $0x8F2B, s0  }
0xcc: {  	[sflag:s0] =	ssyncadd.remote.s32 $0x1  }
0xcd: {  	_ =	sfence.sel $0xFFFF  }
0xce: {  	[dreg:$0x0] =	wrdreg $0xFFFFFFFF;
	(pc) =	sbr.abs _section_cstart, $3  }
0xcf: {  	[dreg:$0x1] =	wrdreg $0xFFFFFFFF  }
0xd0: {  	_ =	task.clear_ibuf [dreg:s22], $0x2FFFF;
	_ =	strace $0x9FFFFFFF  }
0xd1: {  	(tm) =	ssettm $0x7FFFFFFF  }
tec
execute0_lowered:
.L_overlay_start_1:
0x0: {  	(tag) =	ssettag $0x1  }
0x1: {  	s0 =	srdreg.scid;
	s1 =	rddreg [dreg:$0x0]  }
0x2: {  	s10 =	stileid.u32;
	s2 =	rddreg [dreg:$0x1]  }
0x3: {  	s3 =	simm.s32 $0x0;
	s11 =	simm.s32 $0x18800;
	s12 =	simm.s32 $0x18C00  }
0x4: {  	s24 =	simm.s32 $0x18880;
	s13 =	simm.s32 $0x80;
	s25 =	simm.s32 $0x18900  }
0x5: {  	s14 =	simm.s32 $0x19000;
	s26 =	simm.s32 $0x18980;
	s15 =	simm.s32 $0x19800  }
0x6: {  	s16 =	simm.s32 $0x1A000;
	s17 =	simm.s32 $0x1A800;
	s18 =	simm.s32 $0x18A00  }
0x7: {  	s19 =	simm.s32 $0x1B000;
	s28 =	simm.s32 $0x18C80;
	s29 =	simm.s32 $0x18D00  }
0x8: {  	s30 =	simm.s32 $0x18D80;
	s31 =	simm.s32 $0x18E00;
	s5 =	smul.u32 $0xC400, s10  }
0x9: {  	s0 =	sand.u32 $0x1, s0;
	[smem:$0x7FF] =	sst s3;
	s20 =	smul.u32 $0x18800, s10  }
0xa: {  	s21 =	sshll.u32 s10, $0x6;
	s10 =	simm.s32 $0x2;
	s4 =	smul.u32 $0xC4000, s0  }
0xb: {  	_ =	strace $0x8000004D;
	s6 =	ssub.s32 $0x2, s0;
	[dreg:$0x5] =	wrdreg s24  }
0xc: {  	p0 =	seq.s32 s0, $0x1;
	s0 =	simm.s32 $0x172600;
	[dreg:$0x6] =	wrdreg s25  }
0xd: {  	[dreg:$0x7] =	wrdreg s26;
	s24 =	simm.s32 $0x18B80;
	s25 =	simm.s32 $0x1C800  }
0xe: {  	s26 =	simm.s32 $0x1;
	s8 =	sshrl.u32 s20, $0x3;
	s9 =	sshrl.u32 s6, $0x1  }
0xf: {  	s0 =	simm.s32 @!p0 $0x1A3600;
	s4 =	sadd.s32 s5, s4;
	s6 =	ssub.s32 s6, s9  }
0x10: {  	s5 =	sadd.s32 s20, s2;
	s4 =	sshrl.u32 s4, $0x3;
	s6 =	smax.u32 s6, $0x1  }
0x11: {  	s7 =	sadd.s32 s4, s1;
	s4 =	sadd.s32 $0x141600, s1;
	s1 =	sadd.s32 s8, s1  }
0x12: {  	s20 =	simm.s32 $0x18A80;
	[dreg:$0xa] =	wrdreg s6;
	s8 =	sadd.s32 $0xAE600, s1  }
0x13: {  	s9 =	simm.s32 $0x0;
	s0 =	sadd.s32 s0, s1;
	[dreg:$0x8] =	wrdreg s8  }
0x14: {  	s22 =	sadd.s32 $0x1B600, s7;
	s23 =	sadd.s32 $0x4C600, s7;
	[dreg:$0xb] =	wrdreg s0  }
0x15: {  	s7 =	sshrl.u32 s5, $0x3;
	s1 =	simm.s32 $0x18E80;
	[dreg:$0x3] =	wrdreg s22  }
0x16: {  	s5 =	simm.s32 $0x18F80;
	s8 =	sor.u32 $0x1C02, s21;
	[dreg:$0x4] =	wrdreg s23  }
0x17: {  	s21 =	simm.s32 $0x1B800;
	s22 =	simm.s32 $0x18B00;
	[dreg:$0xc] =	wrdreg s7  }
0x18: {  	s23 =	simm.s32 $0x1C000;
	s0 =	simm.s32 $0x18F00;
	[dreg:$0x9] =	wrdreg s8  }
.LBB2_1:
0x19: {  	[dreg:$0xd] =	wrdreg s9  }
0x1a: {  	s6 =	rddreg [dreg:$0x8]  }
0x1b: {  	[spmem:s7], [sflag:s8] =	dma.local [hbm:s6], $0x3100  }
0x1c: {  	_ =	swait.ge [sflag:s10], $0x3100  }
0x1d: {  	[sflag:s10] =	ssyncset.done $0x0  }
0x1e: {  	[sflag:s10] =	ssyncadd.s32 $0xFFFFCF00  }
0x1f: {  	[bflag:$0x0] =	sbarrier.arrive $0xFFFF  }
0x20: {  	s7 =	rddreg [dreg:$0x4]  }
0x21: {  	s6 =	sadd.s32 $0x0, s7  }
0x22: {  	[tilespmem:s11], [sflag:$0x2] =	stream.linear.gather [hbm4b:s6+s3], $0x400, $0x38;
	[tilespmem:$0x1D000] =	vst v63  }
0x23: {  	_ =	swait.ge [sflag:s10], $0x400  }
0x24: {  	s8 =	rddreg [dreg:$0x3];
	[sflag:s10] =	ssyncset.done $0x0  }
0x25: {  	[sflag:s10] =	ssyncadd.s32 $0xFFFFFC00;
	s6 =	sadd.s32 $0x0, s8  }
0x26: {  	[tilespmem:s12], [sflag:$0x2] =	stream.linear.gather [hbm4b:s6+s3], $0x400, $0x38;
	[tilespmem:$0x1D000] =	vst v63  }
0x27: {  	_ =	swait.ge [sflag:s10], $0x400  }
0x28: {  	[sflag:s10] =	ssyncset.done $0x0  }
0x29: {  	[sflag:s10] =	ssyncadd.s32 $0xFFFFFC00  }
0x2a: {  	[tilespmem:s14], [sflag:$0x1] =	stream.indirect.gather [hbm4b:s4+s13], $0x10, s11, s13, $0xb8;
	[tilespmem:$0x1D000] =	vst v63  }
0x2b: {  	s9 =	rddreg [dreg:$0x5]  }
0x2c: {  	[tilespmem:s15], [sflag:$0x1] =	stream.indirect.gather [hbm4b:s4+s13], $0x10, s9, s13, $0xb8;
	[tilespmem:$0x1D000] =	vst v63  }
0x2d: {  	s7 =	rddreg [dreg:$0x6]  }
0x2e: {  	[tilespmem:s16], [sflag:$0x1] =	stream.indirect.gather [hbm4b:s4+s13], $0x10, s7, s13, $0xb8;
	[tilespmem:$0x1D000] =	vst v63  }
0x2f: {  	s9 =	rddreg [dreg:$0x7]  }
0x30: {  	[tilespmem:s17], [sflag:$0x1] =	stream.indirect.gather [hbm4b:s4+s13], $0x10, s9, s13, $0xb8;
	[tilespmem:$0x1D000] =	vst v63  }
0x31: {  	_ = 	snop  }
0x32: {  	[tilespmem:s19], [sflag:$0x1] =	stream.indirect.gather [hbm4b:s4+s13], $0x10, s18, s13, $0xb8;
	[tilespmem:$0x1D000] =	vst v63  }
0x33: {  	_ = 	snop  }
0x34: {  	[tilespmem:s21], [sflag:$0x1] =	stream.indirect.gather [hbm4b:s4+s13], $0x10, s20, s13, $0xb8;
	[tilespmem:$0x1D000] =	vst v63  }
0x35: {  	_ = 	snop  }
0x36: {  	[tilespmem:s23], [sflag:$0x1] =	stream.indirect.gather [hbm4b:s4+s13], $0x10, s22, s13, $0xb8;
	[tilespmem:$0x1D000] =	vst v63  }
0x37: {  	_ = 	snop  }
0x38: {  	[tilespmem:s25], [sflag:$0x1] =	stream.indirect.gather [hbm4b:s4+s13], $0x10, s24, s13, $0xb8;
	[tilespmem:$0x1D000] =	vst v63  }
0x39: {  	_ =	swait.ge [sflag:s26], $0x800  }
0x3a: {  	[sflag:s26] =	ssyncset.done $0x0  }
0x3b: {  	[sflag:s26] =	ssyncadd.s32 $0xFFFFF800  }
0x3c: {  	_ =	swait.ge [sflag:s26], $0x800  }
0x3d: {  	[sflag:s26] =	ssyncset.done $0x0  }
0x3e: {  	[sflag:s26] =	ssyncadd.s32 $0xFFFFF800  }
0x3f: {  	_ =	swait.ge [sflag:s26], $0x800  }
0x40: {  	[sflag:s26] =	ssyncset.done $0x0  }
0x41: {  	[sflag:s26] =	ssyncadd.s32 $0xFFFFF800  }
0x42: {  	_ =	swait.ge [sflag:s26], $0x800  }
0x43: {  	[sflag:s26] =	ssyncset.done $0x0  }
0x44: {  	[sflag:s26] =	ssyncadd.s32 $0xFFFFF800  }
0x45: {  	_ =	swait.ge [sflag:s26], $0x800  }
0x46: {  	[sflag:s26] =	ssyncset.done $0x0  }
0x47: {  	[sflag:s26] =	ssyncadd.s32 $0xFFFFF800  }
0x48: {  	_ =	swait.ge [sflag:s26], $0x800  }
0x49: {  	[sflag:s26] =	ssyncset.done $0x0  }
0x4a: {  	[sflag:s26] =	ssyncadd.s32 $0xFFFFF800  }
0x4b: {  	_ =	swait.ge [sflag:s26], $0x800  }
0x4c: {  	[sflag:s26] =	ssyncset.done $0x0  }
0x4d: {  	[sflag:s26] =	ssyncadd.s32 $0xFFFFF800  }
0x4e: {  	_ =	swait.ge [sflag:s26], $0x800  }
0x4f: {  	[sflag:s26] =	ssyncset.done $0x0  }
0x50: {  	[sflag:s26] =	ssyncadd.s32 $0xFFFFF800  }
0x51: {  	[spmem:s2] =	stream.indirect.scatter.add.f32 [tilespmem:s14], [sflag:$0x2], $0x10, s12, s13, $0xb8;
	[tilespmem:$0x1D000] =	vst v63  }
0x52: {  	_ =	swait.ge [sflag:s10], $0x800  }
0x53: {  	[sflag:s10] =	ssyncset.done $0x0  }
0x54: {  	[sflag:s10] =	ssyncadd.s32 $0xFFFFF800  }
0x55: {  	[spmem:s2] =	stream.indirect.scatter.add.f32 [tilespmem:s15], [sflag:$0x2], $0x10, s28, s13, $0xb8;
	[tilespmem:$0x1D000] =	vst v63  }
0x56: {  	_ =	swait.ge [sflag:s10], $0x800  }
0x57: {  	[sflag:s10] =	ssyncset.done $0x0  }
0x58: {  	[sflag:s10] =	ssyncadd.s32 $0xFFFFF800  }
0x59: {  	[spmem:s2] =	stream.indirect.scatter.add.f32 [tilespmem:s16], [sflag:$0x2], $0x10, s29, s13, $0xb8;
	[tilespmem:$0x1D000] =	vst v63  }
0x5a: {  	_ =	swait.ge [sflag:s10], $0x800  }
0x5b: {  	[sflag:s10] =	ssyncset.done $0x0  }
0x5c: {  	[sflag:s10] =	ssyncadd.s32 $0xFFFFF800  }
0x5d: {  	[spmem:s2] =	stream.indirect.scatter.add.f32 [tilespmem:s17], [sflag:$0x2], $0x10, s30, s13, $0xb8;
	[tilespmem:$0x1D000] =	vst v63  }
0x5e: {  	_ =	swait.ge [sflag:s10], $0x800  }
0x5f: {  	[sflag:s10] =	ssyncset.done $0x0  }
0x60: {  	[sflag:s10] =	ssyncadd.s32 $0xFFFFF800  }
0x61: {  	[spmem:s2] =	stream.indirect.scatter.add.f32 [tilespmem:s19], [sflag:$0x2], $0x10, s31, s13, $0xb8;
	[tilespmem:$0x1D000] =	vst v63  }
0x62: {  	_ =	swait.ge [sflag:s10], $0x800  }
0x63: {  	[sflag:s10] =	ssyncset.done $0x0  }
0x64: {  	[sflag:s10] =	ssyncadd.s32 $0xFFFFF800  }
0x65: {  	[spmem:s2] =	stream.indirect.scatter.add.f32 [tilespmem:s21], [sflag:$0x2], $0x10, s1, s13, $0xb8;
	[tilespmem:$0x1D000] =	vst v63  }
0x66: {  	_ =	swait.ge [sflag:s10], $0x800  }
0x67: {  	[sflag:s10] =	ssyncset.done $0x0  }
0x68: {  	[sflag:s10] =	ssyncadd.s32 $0xFFFFF800  }
0x69: {  	[spmem:s2] =	stream.indirect.scatter.add.f32 [tilespmem:s23], [sflag:$0x2], $0x10, s0, s13, $0xb8;
	[tilespmem:$0x1D000] =	vst v63  }
0x6a: {  	_ =	swait.ge [sflag:s10], $0x800  }
0x6b: {  	[sflag:s10] =	ssyncset.done $0x0  }
0x6c: {  	[sflag:s10] =	ssyncadd.s32 $0xFFFFF800  }
0x6d: {  	[spmem:s2] =	stream.indirect.scatter.add.f32 [tilespmem:s25], [sflag:$0x2], $0x10, s5, s13, $0xb8;
	[tilespmem:$0x1D000] =	vst v63  }
0x6e: {  	s8 =	simm.s32 $0x80;
	_ =	swait.ge [sflag:s10], $0x800  }
0x6f: {  	s6 =	simm.s32 $0x100;
	s9 =	rddreg [dreg:$0x4];
	[sflag:s10] =	ssyncset.done $0x0  }
.LBB2_2:
0x70: {  	[sflag:s10] =	ssyncadd.s32 $0xFFFFF800;
	s9 =	sadd.s32 s8, s9  }
0x71: {  	[tilespmem:s11], [sflag:$0x2] =	stream.linear.gather [hbm4b:s9+s3], $0x400, $0x38;
	[tilespmem:$0x1D000] =	vst v63  }
0x72: {  	_ =	swait.ge [sflag:s10], $0x400  }
0x73: {  	s9 =	rddreg [dreg:$0x3];
	[sflag:s10] =	ssyncset.done $0x0  }
0x74: {  	[sflag:s10] =	ssyncadd.s32 $0xFFFFFC00;
	s9 =	sadd.s32 s8, s9  }
0x75: {  	[tilespmem:s12], [sflag:$0x2] =	stream.linear.gather [hbm4b:s9+s3], $0x400, $0x38;
	[tilespmem:$0x1D000] =	vst v63  }
0x76: {  	_ =	swait.ge [sflag:s10], $0x400  }
0x77: {  	[sflag:s10] =	ssyncset.done $0x0  }
0x78: {  	s7 =	smov.u32 s6;
	[sflag:s10] =	ssyncadd.s32 $0xFFFFFC00  }
0x79: {  	[tilespmem:s14], [sflag:$0x1] =	stream.indirect.gather [hbm4b:s4+s13], $0x10, s11, s13, $0xb8;
	[tilespmem:$0x1D000] =	vst v63  }
0x7a: {  	s8 =	smov.u32 s7;
	s7 =	rddreg [dreg:$0x5]  }
0x7b: {  	[tilespmem:s15], [sflag:$0x1] =	stream.indirect.gather [hbm4b:s4+s13], $0x10, s7, s13, $0xb8;
	[tilespmem:$0x1D000] =	vst v63  }
0x7c: {  	s9 =	rddreg [dreg:$0x6]  }
0x7d: {  	[tilespmem:s16], [sflag:$0x1] =	stream.indirect.gather [hbm4b:s4+s13], $0x10, s9, s13, $0xb8;
	[tilespmem:$0x1D000] =	vst v63  }
0x7e: {  	s7 =	rddreg [dreg:$0x7]  }
0x7f: {  	[tilespmem:s17], [sflag:$0x1] =	stream.indirect.gather [hbm4b:s4+s13], $0x10, s7, s13, $0xb8;
	[tilespmem:$0x1D000] =	vst v63  }
0x80: {  	_ = 	snop  }
0x81: {  	[tilespmem:s19], [sflag:$0x1] =	stream.indirect.gather [hbm4b:s4+s13], $0x10, s18, s13, $0xb8;
	[tilespmem:$0x1D000] =	vst v63  }
0x82: {  	_ = 	snop  }
0x83: {  	[tilespmem:s21], [sflag:$0x1] =	stream.indirect.gather [hbm4b:s4+s13], $0x10, s20, s13, $0xb8;
	[tilespmem:$0x1D000] =	vst v63  }
0x84: {  	_ = 	snop  }
0x85: {  	[tilespmem:s23], [sflag:$0x1] =	stream.indirect.gather [hbm4b:s4+s13], $0x10, s22, s13, $0xb8;
	[tilespmem:$0x1D000] =	vst v63  }
0x86: {  	_ = 	snop  }
0x87: {  	[tilespmem:s25], [sflag:$0x1] =	stream.indirect.gather [hbm4b:s4+s13], $0x10, s24, s13, $0xb8;
	[tilespmem:$0x1D000] =	vst v63  }
0x88: {  	_ =	swait.ge [sflag:s26], $0x800  }
0x89: {  	[sflag:s26] =	ssyncset.done $0x0  }
0x8a: {  	[sflag:s26] =	ssyncadd.s32 $0xFFFFF800  }
0x8b: {  	_ =	swait.ge [sflag:s26], $0x800  }
0x8c: {  	[sflag:s26] =	ssyncset.done $0x0  }
0x8d: {  	[sflag:s26] =	ssyncadd.s32 $0xFFFFF800  }
0x8e: {  	_ =	swait.ge [sflag:s26], $0x800  }
0x8f: {  	[sflag:s26] =	ssyncset.done $0x0  }
0x90: {  	[sflag:s26] =	ssyncadd.s32 $0xFFFFF800  }
0x91: {  	_ =	swait.ge [sflag:s26], $0x800  }
0x92: {  	[sflag:s26] =	ssyncset.done $0x0  }
0x93: {  	[sflag:s26] =	ssyncadd.s32 $0xFFFFF800  }
0x94: {  	_ =	swait.ge [sflag:s26], $0x800  }
0x95: {  	[sflag:s26] =	ssyncset.done $0x0  }
0x96: {  	[sflag:s26] =	ssyncadd.s32 $0xFFFFF800  }
0x97: {  	_ =	swait.ge [sflag:s26], $0x800  }
0x98: {  	[sflag:s26] =	ssyncset.done $0x0  }
0x99: {  	[sflag:s26] =	ssyncadd.s32 $0xFFFFF800  }
0x9a: {  	_ =	swait.ge [sflag:s26], $0x800  }
0x9b: {  	[sflag:s26] =	ssyncset.done $0x0  }
0x9c: {  	[sflag:s26] =	ssyncadd.s32 $0xFFFFF800  }
0x9d: {  	_ =	swait.ge [sflag:s26], $0x800  }
0x9e: {  	[sflag:s26] =	ssyncset.done $0x0  }
0x9f: {  	[sflag:s26] =	ssyncadd.s32 $0xFFFFF800  }
0xa0: {  	[spmem:s2] =	stream.indirect.scatter.add.f32 [tilespmem:s14], [sflag:$0x2], $0x10, s12, s13, $0xb8;
	[tilespmem:$0x1D000] =	vst v63  }
0xa1: {  	_ =	swait.ge [sflag:s10], $0x800  }
0xa2: {  	[sflag:s10] =	ssyncset.done $0x0  }
0xa3: {  	[sflag:s10] =	ssyncadd.s32 $0xFFFFF800  }
0xa4: {  	[spmem:s2] =	stream.indirect.scatter.add.f32 [tilespmem:s15], [sflag:$0x2], $0x10, s28, s13, $0xb8;
	[tilespmem:$0x1D000] =	vst v63  }
0xa5: {  	_ =	swait.ge [sflag:s10], $0x800  }
0xa6: {  	[sflag:s10] =	ssyncset.done $0x0  }
0xa7: {  	[sflag:s10] =	ssyncadd.s32 $0xFFFFF800  }
0xa8: {  	[spmem:s2] =	stream.indirect.scatter.add.f32 [tilespmem:s16], [sflag:$0x2], $0x10, s29, s13, $0xb8;
	[tilespmem:$0x1D000] =	vst v63  }
0xa9: {  	_ =	swait.ge [sflag:s10], $0x800  }
0xaa: {  	[sflag:s10] =	ssyncset.done $0x0  }
0xab: {  	[sflag:s10] =	ssyncadd.s32 $0xFFFFF800  }
0xac: {  	[spmem:s2] =	stream.indirect.scatter.add.f32 [tilespmem:s17], [sflag:$0x2], $0x10, s30, s13, $0xb8;
	[tilespmem:$0x1D000] =	vst v63  }
0xad: {  	_ =	swait.ge [sflag:s10], $0x800  }
0xae: {  	[sflag:s10] =	ssyncset.done $0x0  }
0xaf: {  	[sflag:s10] =	ssyncadd.s32 $0xFFFFF800  }
0xb0: {  	[spmem:s2] =	stream.indirect.scatter.add.f32 [tilespmem:s19], [sflag:$0x2], $0x10, s31, s13, $0xb8;
	[tilespmem:$0x1D000] =	vst v63  }
0xb1: {  	_ =	swait.ge [sflag:s10], $0x800  }
0xb2: {  	[sflag:s10] =	ssyncset.done $0x0  }
0xb3: {  	[sflag:s10] =	ssyncadd.s32 $0xFFFFF800  }
0xb4: {  	[spmem:s2] =	stream.indirect.scatter.add.f32 [tilespmem:s21], [sflag:$0x2], $0x10, s1, s13, $0xb8;
	[tilespmem:$0x1D000] =	vst v63  }
0xb5: {  	_ =	swait.ge [sflag:s10], $0x800  }
0xb6: {  	[sflag:s10] =	ssyncset.done $0x0  }
0xb7: {  	[sflag:s10] =	ssyncadd.s32 $0xFFFFF800  }
0xb8: {  	[spmem:s2] =	stream.indirect.scatter.add.f32 [tilespmem:s23], [sflag:$0x2], $0x10, s0, s13, $0xb8;
	[tilespmem:$0x1D000] =	vst v63  }
0xb9: {  	p0 =	sne.s32 s6, $0x1800;
	_ =	swait.ge [sflag:s10], $0x800  }
.Ltmp0:
0xba: {  	[sflag:s10] =	ssyncset.done $0x0;
	(pc) =	sbr.rel @p0 .LBB2_2-.Ltmp0, $4  }
0xbb: {  	[sflag:s10] =	ssyncadd.s32 $0xFFFFF800  }
0xbc: {  	[spmem:s2] =	stream.indirect.scatter.add.f32 [tilespmem:s25], [sflag:$0x2], $0x10, s5, s13, $0xb8;
	[tilespmem:$0x1D000] =	vst v63  }
0xbd: {  	_ =	swait.ge [sflag:s10], $0x800  }
0xbe: {  	s6 =	sadd.s32 $0x80, s6;
	s9 =	rddreg [dreg:$0x4];
	[sflag:s10] =	ssyncset.done $0x0  }
0xbf: {  	[sflag:s10] =	ssyncadd.s32 $0xFFFFF800;
	s6 =	sadd.s32 s8, s9  }
0xc0: {  	[tilespmem:s11], [sflag:$0x2] =	stream.linear.gather [hbm4b:s6+s3], $0x400, $0x38;
	[tilespmem:$0x1D000] =	vst v63  }
0xc1: {  	_ =	swait.ge [sflag:s10], $0x400  }
0xc2: {  	s7 =	rddreg [dreg:$0x3];
	[sflag:s10] =	ssyncset.done $0x0  }
0xc3: {  	[sflag:s10] =	ssyncadd.s32 $0xFFFFFC00;
	s6 =	sadd.s32 s8, s7  }
0xc4: {  	[tilespmem:s12], [sflag:$0x2] =	stream.linear.gather [hbm4b:s6+s3], $0x400, $0x38;
	[tilespmem:$0x1D000] =	vst v63  }
0xc5: {  	_ =	swait.ge [sflag:s10], $0x400  }
0xc6: {  	[sflag:s10] =	ssyncset.done $0x0  }
0xc7: {  	[sflag:s10] =	ssyncadd.s32 $0xFFFFFC00  }
0xc8: {  	[tilespmem:s14], [sflag:$0x1] =	stream.indirect.gather [hbm4b:s4+s13], $0x10, s11, s13, $0xb8;
	[tilespmem:$0x1D000] =	vst v63  }
0xc9: {  	s9 =	rddreg [dreg:$0x5]  }
0xca: {  	[tilespmem:s15], [sflag:$0x1] =	stream.indirect.gather [hbm4b:s4+s13], $0x10, s9, s13, $0xb8;
	[tilespmem:$0x1D000] =	vst v63  }
0xcb: {  	s7 =	rddreg [dreg:$0x6]  }
0xcc: {  	[tilespmem:s16], [sflag:$0x1] =	stream.indirect.gather [hbm4b:s4+s13], $0x10, s7, s13, $0xb8;
	[tilespmem:$0x1D000] =	vst v63  }
0xcd: {  	s8 =	rddreg [dreg:$0x7]  }
0xce: {  	[tilespmem:s17], [sflag:$0x1] =	stream.indirect.gather [hbm4b:s4+s13], $0x10, s8, s13, $0xb8;
	[tilespmem:$0x1D000] =	vst v63  }
0xcf: {  	_ = 	snop  }
0xd0: {  	[tilespmem:s19], [sflag:$0x1] =	stream.indirect.gather [hbm4b:s4+s13], $0x10, s18, s13, $0xb8;
	[tilespmem:$0x1D000] =	vst v63  }
0xd1: {  	_ = 	snop  }
0xd2: {  	[tilespmem:s21], [sflag:$0x1] =	stream.indirect.gather [hbm4b:s4+s13], $0x10, s20, s13, $0xb8;
	[tilespmem:$0x1D000] =	vst v63  }
0xd3: {  	_ = 	snop  }
0xd4: {  	[tilespmem:s23], [sflag:$0x1] =	stream.indirect.gather [hbm4b:s4+s13], $0x10, s22, s13, $0xb8;
	[tilespmem:$0x1D000] =	vst v63  }
0xd5: {  	_ = 	snop  }
0xd6: {  	[tilespmem:s25], [sflag:$0x1] =	stream.indirect.gather [hbm4b:s4+s13], $0x10, s24, s13, $0xb8;
	[tilespmem:$0x1D000] =	vst v63  }
0xd7: {  	_ =	swait.ge [sflag:s26], $0x800  }
0xd8: {  	[sflag:s26] =	ssyncset.done $0x0  }
0xd9: {  	[sflag:s26] =	ssyncadd.s32 $0xFFFFF800  }
0xda: {  	_ =	swait.ge [sflag:s26], $0x800  }
0xdb: {  	[sflag:s26] =	ssyncset.done $0x0  }
0xdc: {  	[sflag:s26] =	ssyncadd.s32 $0xFFFFF800  }
0xdd: {  	_ =	swait.ge [sflag:s26], $0x800  }
0xde: {  	[sflag:s26] =	ssyncset.done $0x0  }
0xdf: {  	[sflag:s26] =	ssyncadd.s32 $0xFFFFF800  }
0xe0: {  	_ =	swait.ge [sflag:s26], $0x800  }
0xe1: {  	[sflag:s26] =	ssyncset.done $0x0  }
0xe2: {  	[sflag:s26] =	ssyncadd.s32 $0xFFFFF800  }
0xe3: {  	_ =	swait.ge [sflag:s26], $0x800  }
0xe4: {  	[sflag:s26] =	ssyncset.done $0x0  }
0xe5: {  	[sflag:s26] =	ssyncadd.s32 $0xFFFFF800  }
0xe6: {  	_ =	swait.ge [sflag:s26], $0x800  }
0xe7: {  	[sflag:s26] =	ssyncset.done $0x0  }
0xe8: {  	[sflag:s26] =	ssyncadd.s32 $0xFFFFF800  }
0xe9: {  	_ =	swait.ge [sflag:s26], $0x800  }
0xea: {  	[sflag:s26] =	ssyncset.done $0x0  }
0xeb: {  	[sflag:s26] =	ssyncadd.s32 $0xFFFFF800  }
0xec: {  	_ =	swait.ge [sflag:s26], $0x800  }
0xed: {  	[sflag:s26] =	ssyncset.done $0x0  }
0xee: {  	[sflag:s26] =	ssyncadd.s32 $0xFFFFF800  }
0xef: {  	[spmem:s2] =	stream.indirect.scatter.add.f32 [tilespmem:s14], [sflag:$0x2], $0x10, s12, s13, $0xb8;
	[tilespmem:$0x1D000] =	vst v63  }
0xf0: {  	_ =	swait.ge [sflag:s10], $0x800  }
0xf1: {  	[sflag:s10] =	ssyncset.done $0x0  }
0xf2: {  	[sflag:s10] =	ssyncadd.s32 $0xFFFFF800  }
0xf3: {  	[spmem:s2] =	stream.indirect.scatter.add.f32 [tilespmem:s15], [sflag:$0x2], $0x10, s28, s13, $0xb8;
	[tilespmem:$0x1D000] =	vst v63  }
0xf4: {  	_ =	swait.ge [sflag:s10], $0x800  }
0xf5: {  	[sflag:s10] =	ssyncset.done $0x0  }
0xf6: {  	[sflag:s10] =	ssyncadd.s32 $0xFFFFF800  }
0xf7: {  	[spmem:s2] =	stream.indirect.scatter.add.f32 [tilespmem:s16], [sflag:$0x2], $0x10, s29, s13, $0xb8;
	[tilespmem:$0x1D000] =	vst v63  }
0xf8: {  	_ =	swait.ge [sflag:s10], $0x800  }
0xf9: {  	[sflag:s10] =	ssyncset.done $0x0  }
0xfa: {  	[sflag:s10] =	ssyncadd.s32 $0xFFFFF800  }
0xfb: {  	[spmem:s2] =	stream.indirect.scatter.add.f32 [tilespmem:s17], [sflag:$0x2], $0x10, s30, s13, $0xb8;
	[tilespmem:$0x1D000] =	vst v63  }
0xfc: {  	_ =	swait.ge [sflag:s10], $0x800  }
0xfd: {  	[sflag:s10] =	ssyncset.done $0x0  }
0xfe: {  	[sflag:s10] =	ssyncadd.s32 $0xFFFFF800  }
0xff: {  	[spmem:s2] =	stream.indirect.scatter.add.f32 [tilespmem:s19], [sflag:$0x2], $0x10, s31, s13, $0xb8;
	[tilespmem:$0x1D000] =	vst v63  }
0x100: {  	_ =	swait.ge [sflag:s10], $0x800  }
0x101: {  	[sflag:s10] =	ssyncset.done $0x0  }
0x102: {  	[sflag:s10] =	ssyncadd.s32 $0xFFFFF800  }
0x103: {  	[spmem:s2] =	stream.indirect.scatter.add.f32 [tilespmem:s21], [sflag:$0x2], $0x10, s1, s13, $0xb8;
	[tilespmem:$0x1D000] =	vst v63  }
0x104: {  	_ =	swait.ge [sflag:s10], $0x800  }
0x105: {  	[sflag:s10] =	ssyncset.done $0x0  }
0x106: {  	[sflag:s10] =	ssyncadd.s32 $0xFFFFF800  }
0x107: {  	[spmem:s2] =	stream.indirect.scatter.add.f32 [tilespmem:s23], [sflag:$0x2], $0x10, s0, s13, $0xb8;
	[tilespmem:$0x1D000] =	vst v63  }
0x108: {  	_ =	swait.ge [sflag:s10], $0x800  }
0x109: {  	[sflag:s10] =	ssyncset.done $0x0  }
0x10a: {  	[sflag:s10] =	ssyncadd.s32 $0xFFFFF800  }
0x10b: {  	[spmem:s2] =	stream.indirect.scatter.add.f32 [tilespmem:s25], [sflag:$0x2], $0x10, s5, s13, $0xb8;
	[tilespmem:$0x1D000] =	vst v63  }
0x10c: {  	_ =	swait.ge [sflag:s10], $0x800  }
0x10d: {  	[sflag:s10] =	ssyncset.done $0x0  }
0x10e: {  	[sflag:s10] =	ssyncadd.s32 $0xFFFFF800  }
0x10f: {  	[bflag:$0x0] =	sbarrier.arrive $0xFFFF  }
0x110: {  	s8 =	rddreg [dreg:$0x9]  }
0x111: {  	s9 =	rddreg [dreg:$0xb]  }
0x112: {  	s7 =	rddreg [dreg:$0xc]  }
0x113: {  	[hbm:s9], [sflag:s8] =	dma.local [spmem:s7], $0x3100  }
0x114: {  	_ =	swait.ge [sflag:s10], $0x3100  }
0x115: {  	s6 =	rddreg [dreg:$0xd]  }
0x116: {  	s9 =	sadd.s32 $0x1, s6;
	s6 =	rddreg [dreg:$0xa]  }
0x117: {  	p0 =	sne.s32 s9, s6  }
.Ltmp1:
0x118: {  	_ = 	snop;
	(pc) =	sbr.rel @p0 .LBB2_1-.Ltmp1, $3  }
0x119: {  	_ =	sdelay $0x1  }
0x11a: {  	[sflag:s10] =	ssyncset.done $0x0  }
0x11b: {  	[sflag:s10] =	ssyncadd.s32 $0xFFFFCF00  }
0x11c: {  	_ =	sfence.sel $0x180000  }
0x11d: {  	[bflag:$0x0] =	sbarrier.arrive $0xFFFF  }
0x11e: {  	_ =	strace $0x9000004D  }
0x11f: {  	s0 =	stileid.u32;
	[bflag:$0x2] =	sbarrier.arrive $0xFFFF  }
0x120: {  	p0 =	sne.s32 s0, $0x0;
	s0 =	rddreg [dreg:$0x2]  }
0x121: {  	s0 =	sadd.s32 @!p0 $0x100000, s0  }
0x122: {  	[sflag:s0] =	ssyncadd.tile.s32 @!p0 $0x1;
	_ =	shalt  }
.Lfunc_end2:
_tile_overlayer_lowered:
.L_overlay_start_2:
0x123: {  	(tag) =	ssettag $0x2  }
0x124: {  	s0 =	rddreg [dreg:$0x0];
	s2 =	stileid.u32  }
0x125: {  	s1 =	rddreg [dreg:$0x1];
	p0 =	sne.s32 s2, $0x0  }
0x126: {  	s3 =	rddreg [dreg:$0x2];
	[bflag:$0x3] =	sbarrier.arrive $0xFFFF;
	s2 =	simm.s32 @!p0 $0x1C02  }
0x127: {  	[timem:s3], [sflag:s2] =	dma.local @!p0 [hbm:s0], s1  }
0x128: {  	s0 =	simm.s32 @!p0 $0x2  }
0x129: {  	_ =	swait.ge @!p0 [sflag:s0], s1  }
0x12a: {  	s1 =	ssub.s32 @!p0 $0x0, s1;
	[sflag:s0] =	ssyncset.done @!p0 $0x0  }
0x12b: {  	[sflag:s0] =	ssyncadd.s32 @!p0 s1  }
0x12c: {  	[bflag:$0x3] =	sbarrier.arrive $0xFFFF  }
0x12d: {  	_ =	shalt  }

// kernel: kernel.7.cloned.1.call-start
scs
__scs_entry_jumppad:
0x0: {  	(pc) =	sbr.rel $0x88, $3  }
0x1: {  	(tag) =	ssettag $0x0;
	lr =	simm.s32 $0x1  }
0x2: {  	[smem:$0x3F92] =	sst lr;
	_ =	strace $0xD0000000  }
0x3: {  	_ = 	snop  }
0x4: {  	_ = 	snop  }
0x5: {  	_ = 	snop  }
0x6: {  	_ = 	snop  }
0x7: {  	_ = 	snop  }
__scs_overlays_trampoline_lowered:
0x8: {  	[smem:$0x3FA1] =	sst s0  }
0x9: {  	[smem:$0x3FA2] =	sst s1  }
0xa: {  	[smem:$0x3FA3] =	sst s2  }
0xb: {  	[smem:$0x3FA4] =	sst s3  }
0xc: {  	[smem:$0x3FA5] =	sst s4  }
0xd: {  	[smem:$0x3FA6] =	sst s5  }
0xe: {  	[smem:$0x3FA7] =	sst s6  }
0xf: {  	[smem:$0x3FA8] =	sst s7  }
0x10: {  	[smem:$0x3FA9] =	sst s8  }
0x11: {  	[smem:$0x3FAA] =	sst s9;
	s0 =	simm.s32 @!p0 $0x0  }
0x12: {  	s1 =	sld [smem:$0x3F90];
	s0 =	simm.s32 @p0 $0x1  }
0x13: {  	[smem:$0x3FAB] =	sst s0;
	s0 =	simm.s32 @!p1 $0x0  }
0x14: {  	s2 =	sld [smem:$0x3F8F];
	s0 =	simm.s32 @p1 $0x1  }
0x15: {  	[smem:$0x3FAC] =	sst s0;
	s0 =	simm.s32 @!p2 $0x0  }
0x16: {  	s3 =	sld [smem:$0x3FDB];
	s0 =	simm.s32 @p2 $0x1  }
0x17: {  	s4 =	simm.s32 $0x1BF5;
	[smem:$0x3FAE] =	sst s0  }
0x18: {  	s0 =	sld [smem:$0x3F91];
	_ =	swait.ge [sflag:s4], $0x0  }
0x19: {  	s7 =	sld [smem:$0x3F92]  }
0x1a: {  	s8 =	sadd.s32 $0xFFFFE003, lr  }
0x1b: {  	s9 =	sadd.s32 $0xFFFFFEF7, lr;
	s5 =	simm.s32 $0xFFFFFFFF;
	p2 =	slt.u32 s8, $0xFFFFF086  }
0x1c: {  	p1 =	slt.u32 s9, $0xF7A;
	s5 =	simm.s32 @!p2 $0x0  }
0x1d: {  	s5 =	simm.s32 @p1 $0x1;
	p0 =	seq.s32 s7, s2  }
0x1e: {  	s7 =	smul.u32 @!p0 $0xF7A, s2;
	p2 =	seq.s32 @!p0 s5, $0x0  }
0x1f: {  	s9 =	smul.u32 $0xF7A, s1;
	s8 =	simm.s32 @!p0 $0x1BF5;
	p2 =	por !p2, p0  }
0x20: {  	[sflag:s8] =	ssyncset.s32 @!p0 $0xFFFFF086;
	s6 =	sadd.s32 @!p0 s3, s7;
	s7 =	simm.s32 @!p0 $0x108  }
0x21: {  	s3 =	sadd.s32 s3, s9;
	s6 =	sadd.s32 @!p0 $0x88, s6;
	s7 =	simm.s32 @p2 $0x1082  }
0x22: {  	[simem:s7], [sflag:s8] =	dma.local @!p0 [hbm:s6], $0xF7A  }
0x23: {  	s9 =	sor.u32 $0xD0000000, s2;
	s6 =	simm.s32 $0x108;
	_ =	swait.ge @!p0 [sflag:s8], $0x0  }
0x24: {  	s3 =	sadd.s32 $0x88, s3;
	s6 =	simm.s32 @!p1 $0x1082;
	[sflag:s4] =	ssyncset.s32 $0xFFFFF086  }
0x25: {  	[simem:s6], [sflag:s4] =	dma.local [hbm:s3], $0xF7A  }
0x26: {  	[smem:$0x3F92] =	sst s1;
	(tag) =	ssettag s2;
	_ =	strace s9  }
0x27: {  	s1 =	sld [smem:$0x3FA2]  }
0x28: {  	s2 =	sld [smem:$0x3FA3]  }
0x29: {  	s4 =	sld [smem:$0x3FA5]  }
0x2a: {  	p0 =	seq.s32 s5, $0x0;
	s5 =	sld [smem:$0x3FA6]  }
0x2b: {  	s6 =	sld [smem:$0x3FA7]  }
0x2c: {  	s7 =	sld [smem:$0x3FA8]  }
0x2d: {  	s3 =	simm.s32 $0x108;
	s8 =	sld [smem:$0x3FA9]  }
0x2e: {  	s3 =	simm.s32 @!p0 $0x1082;
	s9 =	sld [smem:$0x3FAA]  }
0x2f: {  	lr =	sadd.s32 s0, s3;
	s0 =	sld [smem:$0x3FA1]  }
0x30: {  	s3 =	sld [smem:$0x3FA4]  }
0x31: {  	[smem:$0x3FAD] =	sst s10  }
0x32: {  	s10 =	sld [smem:$0x3FAB];
	_ =	sdelay $0x3  }
0x33: {  	p0 =	seq.s32 s10, $0x1;
	s10 =	sld [smem:$0x3FAD];
	_ =	sdelay $0x3  }
0x34: {  	[smem:$0x3FAD] =	sst s10  }
0x35: {  	s10 =	sld [smem:$0x3FAC];
	_ =	sdelay $0x3  }
0x36: {  	p1 =	seq.s32 s10, $0x1;
	s10 =	sld [smem:$0x3FAD];
	_ =	sdelay $0x3  }
0x37: {  	[smem:$0x3FAD] =	sst s10  }
0x38: {  	s10 =	sld [smem:$0x3FAE]  }
0x39: {  	_ = 	snop;
	(pc) =	sbr.ind lr, $3  }
0x3a: {  	_ = 	snop  }
0x3b: {  	_ = 	snop  }
0x3c: {  	p2 =	seq.s32 s10, $0x1;
	s10 =	sld [smem:$0x3FAD]  }
0x3d: {  	_ =	shalt  }
0x3e: {  	_ =	shalt  }
0x3f: {  	_ =	shalt  }
0x40: {  	_ =	shalt  }
0x41: {  	_ =	shalt  }
0x42: {  	_ =	shalt  }
0x43: {  	_ =	shalt  }
0x44: {  	_ =	shalt  }
0x45: {  	_ =	shalt  }
0x46: {  	_ =	shalt  }
0x47: {  	_ =	shalt  }
0x48: {  	_ =	shalt  }
0x49: {  	_ =	shalt  }
0x4a: {  	_ =	shalt  }
0x4b: {  	_ =	shalt  }
0x4c: {  	_ =	shalt  }
0x4d: {  	_ =	shalt  }
0x4e: {  	_ =	shalt  }
0x4f: {  	_ =	shalt  }
0x50: {  	_ =	shalt  }
0x51: {  	_ =	shalt  }
0x52: {  	_ =	shalt  }
0x53: {  	_ =	shalt  }
0x54: {  	_ =	shalt  }
0x55: {  	_ =	shalt  }
0x56: {  	_ =	shalt  }
0x57: {  	_ =	shalt  }
0x58: {  	_ =	shalt  }
0x59: {  	_ =	shalt  }
0x5a: {  	_ =	shalt  }
0x5b: {  	_ =	shalt  }
0x5c: {  	_ =	shalt  }
0x5d: {  	_ =	shalt  }
0x5e: {  	_ =	shalt  }
0x5f: {  	_ =	shalt  }
0x60: {  	_ =	shalt  }
0x61: {  	_ =	shalt  }
0x62: {  	_ =	shalt  }
0x63: {  	_ =	shalt  }
0x64: {  	_ =	shalt  }
0x65: {  	_ =	shalt  }
0x66: {  	_ =	shalt  }
0x67: {  	_ =	shalt  }
0x68: {  	_ =	shalt  }
0x69: {  	_ =	shalt  }
0x6a: {  	_ =	shalt  }
0x6b: {  	_ =	shalt  }
0x6c: {  	_ =	shalt  }
0x6d: {  	_ =	shalt  }
0x6e: {  	_ =	shalt  }
0x6f: {  	_ =	shalt  }
0x70: {  	_ =	shalt  }
0x71: {  	_ =	shalt  }
0x72: {  	_ =	shalt  }
0x73: {  	_ =	shalt  }
0x74: {  	_ =	shalt  }
0x75: {  	_ =	shalt  }
0x76: {  	_ =	shalt  }
0x77: {  	_ =	shalt  }
0x78: {  	_ =	shalt  }
0x79: {  	_ =	shalt  }
0x7a: {  	_ =	shalt  }
0x7b: {  	_ =	shalt  }
0x7c: {  	_ =	shalt  }
0x7d: {  	_ =	shalt  }
0x7e: {  	_ =	shalt  }
0x7f: {  	_ =	shalt  }
0x80: {  	_ =	shalt  }
0x81: {  	_ =	shalt  }
0x82: {  	_ =	shalt  }
0x83: {  	_ =	shalt  }
0x84: {  	_ =	shalt  }
0x85: {  	_ =	shalt  }
0x86: {  	_ =	shalt  }
0x87: {  	_ =	shalt  }
.Lfunc_end0:
.L_simem_size_0:
called_computation_lowered:
.L_overlay_start_0:
0x88: {  	s2 =	sld [smem:$0x3FD9]  }
0x89: {  	s3 =	sld [smem:$0x3FFE];
	_ =	sdelay $0x1  }
0x8a: {  	s1 =	srdreg.scid  }
0x8b: {  	s0 =	sand.u32 $0x1, s1  }
0x8c: {  	s16 =	sshll.u32 s0, $0xA;
	s2 =	sadd.s32 s3, s2  }
0x8d: {  	s2 =	sadd.s32 s2, s16  }
0x8e: {  	[smem:$0x3FB9] =	sst s2  }
0x8f: {  	_ = 	snop  }
0x90: {  	(tm) =	ssettm $0x1  }
0x91: {  	s17 =	sld [smem:$0x3FFB];
	_ =	sdelay $0x3  }
0x92: {  	_ =	strace s17  }
0x93: {  	s2 =	sld [smem:$0x3FFC];
	_ =	sdelay $0x3  }
0x94: {  	_ =	strace s2  }
0x95: {  	s2 =	sld [smem:$0x3FFD];
	_ =	sdelay $0x3  }
0x96: {  	_ =	strace s2  }
0x97: {  	_ =	strace $0x8FFFFFFF  }
0x98: {  	s18 =	sld [smem:$0x3FDB];
	_ =	sdelay $0x1  }
0x99: {  	s19 =	simm.s32 $_scs_section_size  }
0x9a: {  	s4 =	simm.s32 $_size__tile_overlayer_lowered;
	s5 =	simm.s32 $_tile_overlayer_lowered  }
0x9b: {  	s22 =	simm.s32 $0x1BFF;
	s21 =	sshll.u32 s5, $0x1;
	s2 =	sadd.s32 s19, s18  }
0x9c: {  	s6 =	simm.s32 $0x0;
	s20 =	sshll.u32 s4, $0x1;
	s4 =	sadd.s32 s21, s2  }
0x9d: {  	[timem:s6], [sflag:s22] =	dma.local [hbm:s4], s20  }
0x9e: {  	_ =	swait.ge [sflag:s22], s20  }
0x9f: {  	s3 =	ssub.s32 $0x0, s20;
	[sflag:s22] =	ssyncset.done $0x0  }
0xa0: {  	[sflag:s22] =	ssyncadd.s32 s3;
	_ =	sdelay $0x1  }
0xa1: {  	s23 =	simm.s32 $0x1B8B  }
0xa2: {  	_ =	swait.ge [sflag:s23], $0x1  }
0xa3: {  	[sflag:s23] =	ssyncset.done $0x0  }
0xa4: {  	s25 =	simm.s32 $0x1B8E;
	s24 =	sld [smem:$0x3FFE];
	[sflag:s23] =	ssyncadd.s32 $0xFFFFFFFF  }
0xa5: {  	s26 =	simm.s32 $execute0_lowered;
	[smem:$0x3FD2] =	sst s25  }
0xa6: {  	s4 =	sshll.u32 s26, $0x1;
	_ =	strace $0x80000046;
	[dreg:$0x1] =	wrdreg $0xFFFFFFFF  }
0xa7: {  	s28 =	simm.s32 $_size_execute0_lowered;
	s2 =	sadd.s32 s2, s4;
	[dreg:$0x0] =	wrdreg $0x0  }
0xa8: {  	s4 =	sshll.u32 s28, $0x1;
	[dreg:$0x2] =	wrdreg s2  }
0xa9: {  	[dreg:$0x3] =	wrdreg s4  }
0xaa: {  	[dreg:$0x4] =	wrdreg $0xC0  }
0xab: {  	_ =	task [dreg:s6], $0x5FFFF  }
0xac: {  	[dreg:$0x1] =	wrdreg $0xFFFFFFFF  }
0xad: {  	[dreg:$0x0] =	wrdreg $0x60  }
0xae: {  	[dreg:$0x2] =	wrdreg s24  }
0xaf: {  	[dreg:$0x3] =	wrdreg $0x0  }
0xb0: {  	[dreg:$0x4] =	wrdreg $0x9  }
0xb1: {  	_ =	task.clear_ibuf [dreg:s6], $0x5FFFF;
	_ =	strace $0x90000046  }
0xb2: {  	s29 =	simm.s32 $0x9;
	_ =	strace $0x80000048  }
0xb3: {  	_ =	swait.ge [sflag:s29], $0x1  }
0xb4: {  	[sflag:s29] =	ssyncadd.s32 $0xFFFFFFFF  }
0xb5: {  	_ =	strace $0x90000048  }
0xb6: {  	_ =	sfence  }
0xb7: {  	s30 =	sld [smem:$0x0];
	_ =	sdelay $0x2  }
0xb8: {  	s31 =	sshll.u32 s1, $0xD;
	s1 =	sshrl.u32 s1, $0x2  }
0xb9: {  	s3 =	sand.u32 $0x4000, s31;
	s1 =	sadd.s32 s1, s30  }
0xba: {  	s0 =	sor.u32 s3, s0;
	s1 =	sshll.u32 s1, $0x11  }
0xbb: {  	s0 =	sor.u32 s1, s0  }
0xbc: {  	s0 =	sadd.s32 $0x8F2B, s0  }
0xbd: {  	[sflag:s0] =	ssyncadd.remote.s32 $0x1  }
0xbe: {  	_ =	sfence.sel $0xFFFF  }
0xbf: {  	[dreg:$0x0] =	wrdreg $0xFFFFFFFF;
	(pc) =	sbr.abs _section_cstart, $3  }
0xc0: {  	[dreg:$0x1] =	wrdreg $0xFFFFFFFF  }
0xc1: {  	_ =	task.clear_ibuf [dreg:s6], $0x2FFFF;
	_ =	strace $0x9FFFFFFF  }
0xc2: {  	(tm) =	ssettm $0x7FFFFFFF  }
0xc3: {  	_ =	shalt  }
tec
execute0_lowered:
.L_overlay_start_1:
0x0: {  	(tag) =	ssettag $0x1  }
0x1: {  	s0 =	srdreg.scid  }
0x2: {  	s10 =	stileid.u32;
	s1 =	rddreg [dreg:$0x0]  }
0x3: {  	s2 =	rddreg [dreg:$0x1];
	s3 =	simm.s32 $0x0;
	s11 =	simm.s32 $0xC400  }
0x4: {  	s12 =	simm.s32 $0xC800;
	s24 =	simm.s32 $0xC480;
	s13 =	simm.s32 $0x80  }
0x5: {  	s25 =	simm.s32 $0xC500;
	s14 =	simm.s32 $0xCC00;
	s26 =	simm.s32 $0xC580  }
0x6: {  	s15 =	simm.s32 $0xD000;
	s16 =	simm.s32 $0xD400;
	s17 =	simm.s32 $0xD800  }
0x7: {  	s18 =	simm.s32 $0xC600;
	s19 =	simm.s32 $0xDC00;
	s20 =	simm.s32 $0xC680  }
0x8: {  	s28 =	simm.s32 $0xC880;
	s29 =	simm.s32 $0xC900;
	s30 =	simm.s32 $0xC980  }
0x9: {  	s31 =	simm.s32 $0xCA00;
	s0 =	sand.u32 $0x1, s0;
	s5 =	smul.u32 $0xC400, s10  }
0xa: {  	[smem:$0x7FF] =	sst s3;
	s21 =	sshll.u32 s10, $0x6;
	s10 =	simm.s32 $0x2  }
0xb: {  	s4 =	smul.u32 $0xC4000, s0;
	_ =	strace $0x80000047;
	[dreg:$0x5] =	wrdreg s24  }
0xc: {  	s6 =	ssub.s32 $0x2, s0;
	p0 =	seq.s32 s0, $0x1;
	[dreg:$0x6] =	wrdreg s25  }
0xd: {  	s0 =	simm.s32 $0x95E00;
	[dreg:$0x7] =	wrdreg s26;
	s24 =	simm.s32 $0xC780  }
0xe: {  	s25 =	simm.s32 $0xE800;
	s26 =	simm.s32 $0x1;
	s9 =	sshrl.u32 s6, $0x1  }
0xf: {  	s8 =	sshrl.u32 s5, $0x3;
	s4 =	sadd.s32 s5, s4;
	s6 =	ssub.s32 s6, s9  }
0x10: {  	s0 =	simm.s32 @!p0 $0xAE600;
	s4 =	sshrl.u32 s4, $0x3;
	s6 =	smax.u32 s6, $0x1  }
0x11: {  	s7 =	sadd.s32 s4, s1;
	s4 =	sadd.s32 $0x2E00, s1;
	s1 =	sadd.s32 s8, s1  }
0x12: {  	s5 =	sadd.s32 s5, s2;
	[dreg:$0xa] =	wrdreg s6;
	s8 =	sadd.s32 $0x7D600, s1  }
0x13: {  	s9 =	simm.s32 $0x0;
	s0 =	sadd.s32 s0, s1;
	[dreg:$0x8] =	wrdreg s8  }
0x14: {  	s22 =	sadd.s32 $0x1B600, s7;
	s23 =	sadd.s32 $0x4C600, s7;
	[dreg:$0xb] =	wrdreg s0  }
0x15: {  	s7 =	sshrl.u32 s5, $0x3;
	s1 =	simm.s32 $0xCA80;
	[dreg:$0x3] =	wrdreg s22  }
0x16: {  	s5 =	simm.s32 $0xCB80;
	s8 =	sor.u32 $0x1C02, s21;
	[dreg:$0x4] =	wrdreg s23  }
0x17: {  	s21 =	simm.s32 $0xE000;
	s22 =	simm.s32 $0xC700;
	[dreg:$0xc] =	wrdreg s7  }
0x18: {  	s23 =	simm.s32 $0xE400;
	s0 =	simm.s32 $0xCB00;
	[dreg:$0x9] =	wrdreg s8  }
.LBB2_1:
0x19: {  	[dreg:$0xd] =	wrdreg s9  }
0x1a: {  	s6 =	rddreg [dreg:$0x8]  }
0x1b: {  	[spmem:s7], [sflag:s8] =	dma.local [hbm:s6], $0x1880  }
0x1c: {  	_ =	swait.ge [sflag:s10], $0x1880  }
0x1d: {  	[sflag:s10] =	ssyncset.done $0x0  }
0x1e: {  	[sflag:s10] =	ssyncadd.s32 $0xFFFFE780  }
0x1f: {  	[bflag:$0x0] =	sbarrier.arrive $0xFFFF  }
0x20: {  	s7 =	rddreg [dreg:$0x4]  }
0x21: {  	s6 =	sadd.s32 $0x0, s7  }
0x22: {  	[tilespmem:s11], [sflag:$0x2] =	stream.linear.gather [hbm4b:s6+s3], $0x400, $0x38;
	[tilespmem:$0xEC00] =	vst v63  }
0x23: {  	_ =	swait.ge [sflag:s10], $0x400  }
0x24: {  	s8 =	rddreg [dreg:$0x3];
	[sflag:s10] =	ssyncset.done $0x0  }
0x25: {  	[sflag:s10] =	ssyncadd.s32 $0xFFFFFC00;
	s6 =	sadd.s32 $0x0, s8  }
0x26: {  	[tilespmem:s12], [sflag:$0x2] =	stream.linear.gather [hbm4b:s6+s3], $0x400, $0x38;
	[tilespmem:$0xEC00] =	vst v63  }
0x27: {  	_ =	swait.ge [sflag:s10], $0x400  }
0x28: {  	[sflag:s10] =	ssyncset.done $0x0  }
0x29: {  	[sflag:s10] =	ssyncadd.s32 $0xFFFFFC00  }
0x2a: {  	[tilespmem:s14], [sflag:$0x1] =	stream.indirect.gather [hbm4b:s4+s13], $0x8, s11, s13, $0xb8;
	[tilespmem:$0xEC00] =	vst v63  }
0x2b: {  	s9 =	rddreg [dreg:$0x5]  }
0x2c: {  	[tilespmem:s15], [sflag:$0x1] =	stream.indirect.gather [hbm4b:s4+s13], $0x8, s9, s13, $0xb8;
	[tilespmem:$0xEC00] =	vst v63  }
0x2d: {  	s7 =	rddreg [dreg:$0x6]  }
0x2e: {  	[tilespmem:s16], [sflag:$0x1] =	stream.indirect.gather [hbm4b:s4+s13], $0x8, s7, s13, $0xb8;
	[tilespmem:$0xEC00] =	vst v63  }
0x2f: {  	s9 =	rddreg [dreg:$0x7]  }
0x30: {  	[tilespmem:s17], [sflag:$0x1] =	stream.indirect.gather [hbm4b:s4+s13], $0x8, s9, s13, $0xb8;
	[tilespmem:$0xEC00] =	vst v63  }
0x31: {  	_ = 	snop  }
0x32: {  	[tilespmem:s19], [sflag:$0x1] =	stream.indirect.gather [hbm4b:s4+s13], $0x8, s18, s13, $0xb8;
	[tilespmem:$0xEC00] =	vst v63  }
0x33: {  	_ = 	snop  }
0x34: {  	[tilespmem:s21], [sflag:$0x1] =	stream.indirect.gather [hbm4b:s4+s13], $0x8, s20, s13, $0xb8;
	[tilespmem:$0xEC00] =	vst v63  }
0x35: {  	_ = 	snop  }
0x36: {  	[tilespmem:s23], [sflag:$0x1] =	stream.indirect.gather [hbm4b:s4+s13], $0x8, s22, s13, $0xb8;
	[tilespmem:$0xEC00] =	vst v63  }
0x37: {  	_ = 	snop  }
0x38: {  	[tilespmem:s25], [sflag:$0x1] =	stream.indirect.gather [hbm4b:s4+s13], $0x8, s24, s13, $0xb8;
	[tilespmem:$0xEC00] =	vst v63  }
0x39: {  	_ =	swait.ge [sflag:s26], $0x400  }
0x3a: {  	[sflag:s26] =	ssyncset.done $0x0  }
0x3b: {  	[sflag:s26] =	ssyncadd.s32 $0xFFFFFC00  }
0x3c: {  	_ =	swait.ge [sflag:s26], $0x400  }
0x3d: {  	[sflag:s26] =	ssyncset.done $0x0  }
0x3e: {  	[sflag:s26] =	ssyncadd.s32 $0xFFFFFC00  }
0x3f: {  	_ =	swait.ge [sflag:s26], $0x400  }
0x40: {  	[sflag:s26] =	ssyncset.done $0x0  }
0x41: {  	[sflag:s26] =	ssyncadd.s32 $0xFFFFFC00  }
0x42: {  	_ =	swait.ge [sflag:s26], $0x400  }
0x43: {  	[sflag:s26] =	ssyncset.done $0x0  }
0x44: {  	[sflag:s26] =	ssyncadd.s32 $0xFFFFFC00  }
0x45: {  	_ =	swait.ge [sflag:s26], $0x400  }
0x46: {  	[sflag:s26] =	ssyncset.done $0x0  }
0x47: {  	[sflag:s26] =	ssyncadd.s32 $0xFFFFFC00  }
0x48: {  	_ =	swait.ge [sflag:s26], $0x400  }
0x49: {  	[sflag:s26] =	ssyncset.done $0x0  }
0x4a: {  	[sflag:s26] =	ssyncadd.s32 $0xFFFFFC00  }
0x4b: {  	_ =	swait.ge [sflag:s26], $0x400  }
0x4c: {  	[sflag:s26] =	ssyncset.done $0x0  }
0x4d: {  	[sflag:s26] =	ssyncadd.s32 $0xFFFFFC00  }
0x4e: {  	_ =	swait.ge [sflag:s26], $0x400  }
0x4f: {  	[sflag:s26] =	ssyncset.done $0x0  }
0x50: {  	[sflag:s26] =	ssyncadd.s32 $0xFFFFFC00  }
0x51: {  	[spmem:s2] =	stream.indirect.scatter.add.f32 [tilespmem:s14], [sflag:$0x2], $0x8, s12, s13, $0xb8;
	[tilespmem:$0xEC00] =	vst v63  }
0x52: {  	_ =	swait.ge [sflag:s10], $0x400  }
0x53: {  	[sflag:s10] =	ssyncset.done $0x0  }
0x54: {  	[sflag:s10] =	ssyncadd.s32 $0xFFFFFC00  }
0x55: {  	[spmem:s2] =	stream.indirect.scatter.add.f32 [tilespmem:s15], [sflag:$0x2], $0x8, s28, s13, $0xb8;
	[tilespmem:$0xEC00] =	vst v63  }
0x56: {  	_ =	swait.ge [sflag:s10], $0x400  }
0x57: {  	[sflag:s10] =	ssyncset.done $0x0  }
0x58: {  	[sflag:s10] =	ssyncadd.s32 $0xFFFFFC00  }
0x59: {  	[spmem:s2] =	stream.indirect.scatter.add.f32 [tilespmem:s16], [sflag:$0x2], $0x8, s29, s13, $0xb8;
	[tilespmem:$0xEC00] =	vst v63  }
0x5a: {  	_ =	swait.ge [sflag:s10], $0x400  }
0x5b: {  	[sflag:s10] =	ssyncset.done $0x0  }
0x5c: {  	[sflag:s10] =	ssyncadd.s32 $0xFFFFFC00  }
0x5d: {  	[spmem:s2] =	stream.indirect.scatter.add.f32 [tilespmem:s17], [sflag:$0x2], $0x8, s30, s13, $0xb8;
	[tilespmem:$0xEC00] =	vst v63  }
0x5e: {  	_ =	swait.ge [sflag:s10], $0x400  }
0x5f: {  	[sflag:s10] =	ssyncset.done $0x0  }
0x60: {  	[sflag:s10] =	ssyncadd.s32 $0xFFFFFC00  }
0x61: {  	[spmem:s2] =	stream.indirect.scatter.add.f32 [tilespmem:s19], [sflag:$0x2], $0x8, s31, s13, $0xb8;
	[tilespmem:$0xEC00] =	vst v63  }
0x62: {  	_ =	swait.ge [sflag:s10], $0x400  }
0x63: {  	[sflag:s10] =	ssyncset.done $0x0  }
0x64: {  	[sflag:s10] =	ssyncadd.s32 $0xFFFFFC00  }
0x65: {  	[spmem:s2] =	stream.indirect.scatter.add.f32 [tilespmem:s21], [sflag:$0x2], $0x8, s1, s13, $0xb8;
	[tilespmem:$0xEC00] =	vst v63  }
0x66: {  	_ =	swait.ge [sflag:s10], $0x400  }
0x67: {  	[sflag:s10] =	ssyncset.done $0x0  }
0x68: {  	[sflag:s10] =	ssyncadd.s32 $0xFFFFFC00  }
0x69: {  	[spmem:s2] =	stream.indirect.scatter.add.f32 [tilespmem:s23], [sflag:$0x2], $0x8, s0, s13, $0xb8;
	[tilespmem:$0xEC00] =	vst v63  }
0x6a: {  	_ =	swait.ge [sflag:s10], $0x400  }
0x6b: {  	[sflag:s10] =	ssyncset.done $0x0  }
0x6c: {  	[sflag:s10] =	ssyncadd.s32 $0xFFFFFC00  }
0x6d: {  	[spmem:s2] =	stream.indirect.scatter.add.f32 [tilespmem:s25], [sflag:$0x2], $0x8, s5, s13, $0xb8;
	[tilespmem:$0xEC00] =	vst v63  }
0x6e: {  	s8 =	simm.s32 $0x80;
	_ =	swait.ge [sflag:s10], $0x400  }
0x6f: {  	s6 =	simm.s32 $0x100;
	s9 =	rddreg [dreg:$0x4];
	[sflag:s10] =	ssyncset.done $0x0  }
.LBB2_2:
0x70: {  	[sflag:s10] =	ssyncadd.s32 $0xFFFFFC00;
	s9 =	sadd.s32 s8, s9  }
0x71: {  	[tilespmem:s11], [sflag:$0x2] =	stream.linear.gather [hbm4b:s9+s3], $0x400, $0x38;
	[tilespmem:$0xEC00] =	vst v63  }
0x72: {  	_ =	swait.ge [sflag:s10], $0x400  }
0x73: {  	s9 =	rddreg [dreg:$0x3];
	[sflag:s10] =	ssyncset.done $0x0  }
0x74: {  	[sflag:s10] =	ssyncadd.s32 $0xFFFFFC00;
	s9 =	sadd.s32 s8, s9  }
0x75: {  	[tilespmem:s12], [sflag:$0x2] =	stream.linear.gather [hbm4b:s9+s3], $0x400, $0x38;
	[tilespmem:$0xEC00] =	vst v63  }
0x76: {  	_ =	swait.ge [sflag:s10], $0x400  }
0x77: {  	[sflag:s10] =	ssyncset.done $0x0  }
0x78: {  	s7 =	smov.u32 s6;
	[sflag:s10] =	ssyncadd.s32 $0xFFFFFC00  }
0x79: {  	[tilespmem:s14], [sflag:$0x1] =	stream.indirect.gather [hbm4b:s4+s13], $0x8, s11, s13, $0xb8;
	[tilespmem:$0xEC00] =	vst v63  }
0x7a: {  	s8 =	smov.u32 s7;
	s7 =	rddreg [dreg:$0x5]  }
0x7b: {  	[tilespmem:s15], [sflag:$0x1] =	stream.indirect.gather [hbm4b:s4+s13], $0x8, s7, s13, $0xb8;
	[tilespmem:$0xEC00] =	vst v63  }
0x7c: {  	s9 =	rddreg [dreg:$0x6]  }
0x7d: {  	[tilespmem:s16], [sflag:$0x1] =	stream.indirect.gather [hbm4b:s4+s13], $0x8, s9, s13, $0xb8;
	[tilespmem:$0xEC00] =	vst v63  }
0x7e: {  	s7 =	rddreg [dreg:$0x7]  }
0x7f: {  	[tilespmem:s17], [sflag:$0x1] =	stream.indirect.gather [hbm4b:s4+s13], $0x8, s7, s13, $0xb8;
	[tilespmem:$0xEC00] =	vst v63  }
0x80: {  	_ = 	snop  }
0x81: {  	[tilespmem:s19], [sflag:$0x1] =	stream.indirect.gather [hbm4b:s4+s13], $0x8, s18, s13, $0xb8;
	[tilespmem:$0xEC00] =	vst v63  }
0x82: {  	_ = 	snop  }
0x83: {  	[tilespmem:s21], [sflag:$0x1] =	stream.indirect.gather [hbm4b:s4+s13], $0x8, s20, s13, $0xb8;
	[tilespmem:$0xEC00] =	vst v63  }
0x84: {  	_ = 	snop  }
0x85: {  	[tilespmem:s23], [sflag:$0x1] =	stream.indirect.gather [hbm4b:s4+s13], $0x8, s22, s13, $0xb8;
	[tilespmem:$0xEC00] =	vst v63  }
0x86: {  	_ = 	snop  }
0x87: {  	[tilespmem:s25], [sflag:$0x1] =	stream.indirect.gather [hbm4b:s4+s13], $0x8, s24, s13, $0xb8;
	[tilespmem:$0xEC00] =	vst v63  }
0x88: {  	_ =	swait.ge [sflag:s26], $0x400  }
0x89: {  	[sflag:s26] =	ssyncset.done $0x0  }
0x8a: {  	[sflag:s26] =	ssyncadd.s32 $0xFFFFFC00  }
0x8b: {  	_ =	swait.ge [sflag:s26], $0x400  }
0x8c: {  	[sflag:s26] =	ssyncset.done $0x0  }
0x8d: {  	[sflag:s26] =	ssyncadd.s32 $0xFFFFFC00  }
0x8e: {  	_ =	swait.ge [sflag:s26], $0x400  }
0x8f: {  	[sflag:s26] =	ssyncset.done $0x0  }
0x90: {  	[sflag:s26] =	ssyncadd.s32 $0xFFFFFC00  }
0x91: {  	_ =	swait.ge [sflag:s26], $0x400  }
0x92: {  	[sflag:s26] =	ssyncset.done $0x0  }
0x93: {  	[sflag:s26] =	ssyncadd.s32 $0xFFFFFC00  }
0x94: {  	_ =	swait.ge [sflag:s26], $0x400  }
0x95: {  	[sflag:s26] =	ssyncset.done $0x0  }
0x96: {  	[sflag:s26] =	ssyncadd.s32 $0xFFFFFC00  }
0x97: {  	_ =	swait.ge [sflag:s26], $0x400  }
0x98: {  	[sflag:s26] =	ssyncset.done $0x0  }
0x99: {  	[sflag:s26] =	ssyncadd.s32 $0xFFFFFC00  }
0x9a: {  	_ =	swait.ge [sflag:s26], $0x400  }
0x9b: {  	[sflag:s26] =	ssyncset.done $0x0  }
0x9c: {  	[sflag:s26] =	ssyncadd.s32 $0xFFFFFC00  }
0x9d: {  	_ =	swait.ge [sflag:s26], $0x400  }
0x9e: {  	[sflag:s26] =	ssyncset.done $0x0  }
0x9f: {  	[sflag:s26] =	ssyncadd.s32 $0xFFFFFC00  }
0xa0: {  	[spmem:s2] =	stream.indirect.scatter.add.f32 [tilespmem:s14], [sflag:$0x2], $0x8, s12, s13, $0xb8;
	[tilespmem:$0xEC00] =	vst v63  }
0xa1: {  	_ =	swait.ge [sflag:s10], $0x400  }
0xa2: {  	[sflag:s10] =	ssyncset.done $0x0  }
0xa3: {  	[sflag:s10] =	ssyncadd.s32 $0xFFFFFC00  }
0xa4: {  	[spmem:s2] =	stream.indirect.scatter.add.f32 [tilespmem:s15], [sflag:$0x2], $0x8, s28, s13, $0xb8;
	[tilespmem:$0xEC00] =	vst v63  }
0xa5: {  	_ =	swait.ge [sflag:s10], $0x400  }
0xa6: {  	[sflag:s10] =	ssyncset.done $0x0  }
0xa7: {  	[sflag:s10] =	ssyncadd.s32 $0xFFFFFC00  }
0xa8: {  	[spmem:s2] =	stream.indirect.scatter.add.f32 [tilespmem:s16], [sflag:$0x2], $0x8, s29, s13, $0xb8;
	[tilespmem:$0xEC00] =	vst v63  }
0xa9: {  	_ =	swait.ge [sflag:s10], $0x400  }
0xaa: {  	[sflag:s10] =	ssyncset.done $0x0  }
0xab: {  	[sflag:s10] =	ssyncadd.s32 $0xFFFFFC00  }
0xac: {  	[spmem:s2] =	stream.indirect.scatter.add.f32 [tilespmem:s17], [sflag:$0x2], $0x8, s30, s13, $0xb8;
	[tilespmem:$0xEC00] =	vst v63  }
0xad: {  	_ =	swait.ge [sflag:s10], $0x400  }
0xae: {  	[sflag:s10] =	ssyncset.done $0x0  }
0xaf: {  	[sflag:s10] =	ssyncadd.s32 $0xFFFFFC00  }
0xb0: {  	[spmem:s2] =	stream.indirect.scatter.add.f32 [tilespmem:s19], [sflag:$0x2], $0x8, s31, s13, $0xb8;
	[tilespmem:$0xEC00] =	vst v63  }
0xb1: {  	_ =	swait.ge [sflag:s10], $0x400  }
0xb2: {  	[sflag:s10] =	ssyncset.done $0x0  }
0xb3: {  	[sflag:s10] =	ssyncadd.s32 $0xFFFFFC00  }
0xb4: {  	[spmem:s2] =	stream.indirect.scatter.add.f32 [tilespmem:s21], [sflag:$0x2], $0x8, s1, s13, $0xb8;
	[tilespmem:$0xEC00] =	vst v63  }
0xb5: {  	_ =	swait.ge [sflag:s10], $0x400  }
0xb6: {  	[sflag:s10] =	ssyncset.done $0x0  }
0xb7: {  	[sflag:s10] =	ssyncadd.s32 $0xFFFFFC00  }
0xb8: {  	[spmem:s2] =	stream.indirect.scatter.add.f32 [tilespmem:s23], [sflag:$0x2], $0x8, s0, s13, $0xb8;
	[tilespmem:$0xEC00] =	vst v63  }
0xb9: {  	p0 =	sne.s32 s6, $0x1800;
	_ =	swait.ge [sflag:s10], $0x400  }
.Ltmp0:
0xba: {  	[sflag:s10] =	ssyncset.done $0x0;
	(pc) =	sbr.rel @p0 .LBB2_2-.Ltmp0, $4  }
0xbb: {  	[sflag:s10] =	ssyncadd.s32 $0xFFFFFC00  }
0xbc: {  	[spmem:s2] =	stream.indirect.scatter.add.f32 [tilespmem:s25], [sflag:$0x2], $0x8, s5, s13, $0xb8;
	[tilespmem:$0xEC00] =	vst v63  }
0xbd: {  	_ =	swait.ge [sflag:s10], $0x400  }
0xbe: {  	s6 =	sadd.s32 $0x80, s6;
	s9 =	rddreg [dreg:$0x4];
	[sflag:s10] =	ssyncset.done $0x0  }
0xbf: {  	[sflag:s10] =	ssyncadd.s32 $0xFFFFFC00;
	s6 =	sadd.s32 s8, s9  }
0xc0: {  	[tilespmem:s11], [sflag:$0x2] =	stream.linear.gather [hbm4b:s6+s3], $0x400, $0x38;
	[tilespmem:$0xEC00] =	vst v63  }
0xc1: {  	_ =	swait.ge [sflag:s10], $0x400  }
0xc2: {  	s7 =	rddreg [dreg:$0x3];
	[sflag:s10] =	ssyncset.done $0x0  }
0xc3: {  	[sflag:s10] =	ssyncadd.s32 $0xFFFFFC00;
	s6 =	sadd.s32 s8, s7  }
0xc4: {  	[tilespmem:s12], [sflag:$0x2] =	stream.linear.gather [hbm4b:s6+s3], $0x400, $0x38;
	[tilespmem:$0xEC00] =	vst v63  }
0xc5: {  	_ =	swait.ge [sflag:s10], $0x400  }
0xc6: {  	[sflag:s10] =	ssyncset.done $0x0  }
0xc7: {  	[sflag:s10] =	ssyncadd.s32 $0xFFFFFC00  }
0xc8: {  	[tilespmem:s14], [sflag:$0x1] =	stream.indirect.gather [hbm4b:s4+s13], $0x8, s11, s13, $0xb8;
	[tilespmem:$0xEC00] =	vst v63  }
0xc9: {  	s9 =	rddreg [dreg:$0x5]  }
0xca: {  	[tilespmem:s15], [sflag:$0x1] =	stream.indirect.gather [hbm4b:s4+s13], $0x8, s9, s13, $0xb8;
	[tilespmem:$0xEC00] =	vst v63  }
0xcb: {  	s7 =	rddreg [dreg:$0x6]  }
0xcc: {  	[tilespmem:s16], [sflag:$0x1] =	stream.indirect.gather [hbm4b:s4+s13], $0x8, s7, s13, $0xb8;
	[tilespmem:$0xEC00] =	vst v63  }
0xcd: {  	s8 =	rddreg [dreg:$0x7]  }
0xce: {  	[tilespmem:s17], [sflag:$0x1] =	stream.indirect.gather [hbm4b:s4+s13], $0x8, s8, s13, $0xb8;
	[tilespmem:$0xEC00] =	vst v63  }
0xcf: {  	_ = 	snop  }
0xd0: {  	[tilespmem:s19], [sflag:$0x1] =	stream.indirect.gather [hbm4b:s4+s13], $0x8, s18, s13, $0xb8;
	[tilespmem:$0xEC00] =	vst v63  }
0xd1: {  	_ = 	snop  }
0xd2: {  	[tilespmem:s21], [sflag:$0x1] =	stream.indirect.gather [hbm4b:s4+s13], $0x8, s20, s13, $0xb8;
	[tilespmem:$0xEC00] =	vst v63  }
0xd3: {  	_ = 	snop  }
0xd4: {  	[tilespmem:s23], [sflag:$0x1] =	stream.indirect.gather [hbm4b:s4+s13], $0x8, s22, s13, $0xb8;
	[tilespmem:$0xEC00] =	vst v63  }
0xd5: {  	_ = 	snop  }
0xd6: {  	[tilespmem:s25], [sflag:$0x1] =	stream.indirect.gather [hbm4b:s4+s13], $0x8, s24, s13, $0xb8;
	[tilespmem:$0xEC00] =	vst v63  }
0xd7: {  	_ =	swait.ge [sflag:s26], $0x400  }
0xd8: {  	[sflag:s26] =	ssyncset.done $0x0  }
0xd9: {  	[sflag:s26] =	ssyncadd.s32 $0xFFFFFC00  }
0xda: {  	_ =	swait.ge [sflag:s26], $0x400  }
0xdb: {  	[sflag:s26] =	ssyncset.done $0x0  }
0xdc: {  	[sflag:s26] =	ssyncadd.s32 $0xFFFFFC00  }
0xdd: {  	_ =	swait.ge [sflag:s26], $0x400  }
0xde: {  	[sflag:s26] =	ssyncset.done $0x0  }
0xdf: {  	[sflag:s26] =	ssyncadd.s32 $0xFFFFFC00  }
0xe0: {  	_ =	swait.ge [sflag:s26], $0x400  }
0xe1: {  	[sflag:s26] =	ssyncset.done $0x0  }
0xe2: {  	[sflag:s26] =	ssyncadd.s32 $0xFFFFFC00  }
0xe3: {  	_ =	swait.ge [sflag:s26], $0x400  }
0xe4: {  	[sflag:s26] =	ssyncset.done $0x0  }
0xe5: {  	[sflag:s26] =	ssyncadd.s32 $0xFFFFFC00  }
0xe6: {  	_ =	swait.ge [sflag:s26], $0x400  }
0xe7: {  	[sflag:s26] =	ssyncset.done $0x0  }
0xe8: {  	[sflag:s26] =	ssyncadd.s32 $0xFFFFFC00  }
0xe9: {  	_ =	swait.ge [sflag:s26], $0x400  }
0xea: {  	[sflag:s26] =	ssyncset.done $0x0  }
0xeb: {  	[sflag:s26] =	ssyncadd.s32 $0xFFFFFC00  }
0xec: {  	_ =	swait.ge [sflag:s26], $0x400  }
0xed: {  	[sflag:s26] =	ssyncset.done $0x0  }
0xee: {  	[sflag:s26] =	ssyncadd.s32 $0xFFFFFC00  }
0xef: {  	[spmem:s2] =	stream.indirect.scatter.add.f32 [tilespmem:s14], [sflag:$0x2], $0x8, s12, s13, $0xb8;
	[tilespmem:$0xEC00] =	vst v63  }
0xf0: {  	_ =	swait.ge [sflag:s10], $0x400  }
0xf1: {  	[sflag:s10] =	ssyncset.done $0x0  }
0xf2: {  	[sflag:s10] =	ssyncadd.s32 $0xFFFFFC00  }
0xf3: {  	[spmem:s2] =	stream.indirect.scatter.add.f32 [tilespmem:s15], [sflag:$0x2], $0x8, s28, s13, $0xb8;
	[tilespmem:$0xEC00] =	vst v63  }
0xf4: {  	_ =	swait.ge [sflag:s10], $0x400  }
0xf5: {  	[sflag:s10] =	ssyncset.done $0x0  }
0xf6: {  	[sflag:s10] =	ssyncadd.s32 $0xFFFFFC00  }
0xf7: {  	[spmem:s2] =	stream.indirect.scatter.add.f32 [tilespmem:s16], [sflag:$0x2], $0x8, s29, s13, $0xb8;
	[tilespmem:$0xEC00] =	vst v63  }
0xf8: {  	_ =	swait.ge [sflag:s10], $0x400  }
0xf9: {  	[sflag:s10] =	ssyncset.done $0x0  }
0xfa: {  	[sflag:s10] =	ssyncadd.s32 $0xFFFFFC00  }
0xfb: {  	[spmem:s2] =	stream.indirect.scatter.add.f32 [tilespmem:s17], [sflag:$0x2], $0x8, s30, s13, $0xb8;
	[tilespmem:$0xEC00] =	vst v63  }
0xfc: {  	_ =	swait.ge [sflag:s10], $0x400  }
0xfd: {  	[sflag:s10] =	ssyncset.done $0x0  }
0xfe: {  	[sflag:s10] =	ssyncadd.s32 $0xFFFFFC00  }
0xff: {  	[spmem:s2] =	stream.indirect.scatter.add.f32 [tilespmem:s19], [sflag:$0x2], $0x8, s31, s13, $0xb8;
	[tilespmem:$0xEC00] =	vst v63  }
0x100: {  	_ =	swait.ge [sflag:s10], $0x400  }
0x101: {  	[sflag:s10] =	ssyncset.done $0x0  }
0x102: {  	[sflag:s10] =	ssyncadd.s32 $0xFFFFFC00  }
0x103: {  	[spmem:s2] =	stream.indirect.scatter.add.f32 [tilespmem:s21], [sflag:$0x2], $0x8, s1, s13, $0xb8;
	[tilespmem:$0xEC00] =	vst v63  }
0x104: {  	_ =	swait.ge [sflag:s10], $0x400  }
0x105: {  	[sflag:s10] =	ssyncset.done $0x0  }
0x106: {  	[sflag:s10] =	ssyncadd.s32 $0xFFFFFC00  }
0x107: {  	[spmem:s2] =	stream.indirect.scatter.add.f32 [tilespmem:s23], [sflag:$0x2], $0x8, s0, s13, $0xb8;
	[tilespmem:$0xEC00] =	vst v63  }
0x108: {  	_ =	swait.ge [sflag:s10], $0x400  }
0x109: {  	[sflag:s10] =	ssyncset.done $0x0  }
0x10a: {  	[sflag:s10] =	ssyncadd.s32 $0xFFFFFC00  }
0x10b: {  	[spmem:s2] =	stream.indirect.scatter.add.f32 [tilespmem:s25], [sflag:$0x2], $0x8, s5, s13, $0xb8;
	[tilespmem:$0xEC00] =	vst v63  }
0x10c: {  	_ =	swait.ge [sflag:s10], $0x400  }
0x10d: {  	[sflag:s10] =	ssyncset.done $0x0  }
0x10e: {  	[sflag:s10] =	ssyncadd.s32 $0xFFFFFC00  }
0x10f: {  	[bflag:$0x0] =	sbarrier.arrive $0xFFFF  }
0x110: {  	s8 =	rddreg [dreg:$0x9]  }
0x111: {  	s9 =	rddreg [dreg:$0xb]  }
0x112: {  	s7 =	rddreg [dreg:$0xc]  }
0x113: {  	[hbm:s9], [sflag:s8] =	dma.local [spmem:s7], $0x1880  }
0x114: {  	_ =	swait.ge [sflag:s10], $0x1880  }
0x115: {  	s6 =	rddreg [dreg:$0xd]  }
0x116: {  	s9 =	sadd.s32 $0x1, s6;
	s6 =	rddreg [dreg:$0xa]  }
0x117: {  	p0 =	sne.s32 s9, s6  }
.Ltmp1:
0x118: {  	_ = 	snop;
	(pc) =	sbr.rel @p0 .LBB2_1-.Ltmp1, $3  }
0x119: {  	_ =	sdelay $0x1  }
0x11a: {  	[sflag:s10] =	ssyncset.done $0x0  }
0x11b: {  	[sflag:s10] =	ssyncadd.s32 $0xFFFFE780  }
0x11c: {  	_ =	sfence.sel $0x180000  }
0x11d: {  	[bflag:$0x0] =	sbarrier.arrive $0xFFFF  }
0x11e: {  	_ =	strace $0x90000047  }
0x11f: {  	s0 =	stileid.u32;
	[bflag:$0x2] =	sbarrier.arrive $0xFFFF  }
0x120: {  	p0 =	sne.s32 s0, $0x0;
	s0 =	rddreg [dreg:$0x2]  }
0x121: {  	s0 =	sadd.s32 @!p0 $0x100000, s0  }
0x122: {  	[sflag:s0] =	ssyncadd.tile.s32 @!p0 $0x1;
	_ =	shalt  }
.Lfunc_end2:
_tile_overlayer_lowered:
.L_overlay_start_2:
0x123: {  	(tag) =	ssettag $0x2  }
0x124: {  	s0 =	rddreg [dreg:$0x0];
	s2 =	stileid.u32  }
0x125: {  	s1 =	rddreg [dreg:$0x1];
	p0 =	sne.s32 s2, $0x0  }
0x126: {  	s3 =	rddreg [dreg:$0x2];
	[bflag:$0x3] =	sbarrier.arrive $0xFFFF;
	s2 =	simm.s32 @!p0 $0x1C02  }
0x127: {  	[timem:s3], [sflag:s2] =	dma.local @!p0 [hbm:s0], s1  }
0x128: {  	s0 =	simm.s32 @!p0 $0x2  }
0x129: {  	_ =	swait.ge @!p0 [sflag:s0], s1  }
0x12a: {  	s1 =	ssub.s32 @!p0 $0x0, s1;
	[sflag:s0] =	ssyncset.done @!p0 $0x0  }
0x12b: {  	[sflag:s0] =	ssyncadd.s32 @!p0 s1  }
0x12c: {  	[bflag:$0x3] =	sbarrier.arrive $0xFFFF  }
0x12d: {  	_ =	shalt  }

</sc_bundles>
